<compile_context>
chip_gen: v7x
topology: tpu7x:2x2x1
jax: 0.10.2.dev20260603
libtpu: 0.0.44.dev20260713+nightly
codegen_flags: <defaults>
</compile_context>

<pallas_src>
import functools

import jax
import jax.numpy as jnp
from jax import lax
from jax.experimental import pallas as pl
from jax.experimental.pallas import tpu as pltpu
from jax.experimental.pallas import tpu_sc as plsc

_N = 10000
_E = 320000
_D = 128
_DOUT = 40
_EPS = 1e-5

_NPAD = 10240
_NH = 4096
_NPASS = 3
_NTILES = 16
_C = 128
_EPAD = 327680
_NCORES = 2
_NW = _NCORES * _NTILES
_NCHUNK = _EPAD // (_NW * _C)
_RPT = _NH // _NTILES
_RB = 1024
_SHIFT = 14

_MESH = dict(core_axis_name="c", subcore_axis_name="s", num_cores=2)



def _make_scatter_kernel():
    @functools.partial(
        pl.kernel,
        mesh=plsc.VectorSubcoreMesh(**_MESH),
        out_type=jax.ShapeDtypeStruct((_NCORES, _NPASS * _NH, _D), jnp.float32),
        scratch_types=[
            pltpu.VMEM((_NCHUNK, _C), jnp.int32),
            pltpu.VMEM((_NCHUNK, _C), jnp.int32),
            pltpu.VMEM((_NCHUNK, _C), jnp.int32),
            pltpu.VMEM((_C, _D), jnp.float32),
            pltpu.VMEM((_C, _D), jnp.float32),
            pltpu.VMEM((_C, _D), jnp.float32),
            pltpu.VMEM((_C, _D), jnp.float32),
            pltpu.VMEM_SHARED((_NH, _D), jnp.float32),
            pltpu.SemaphoreType.DMA,
            pltpu.SemaphoreType.DMA,
            pltpu.SemaphoreType.DMA,
            pltpu.SemaphoreType.DMA,
            pltpu.SemaphoreType.DMA,
            pltpu.SemaphoreType.DMA,
            pltpu.SemaphoreType.DMA,
            pltpu.SemaphoreType.DMA,
        ],
    )
    def scatter_kernel(u_hbm, pk_hbm, out_hbm,
                       pk_v, src_v, dst_v, buf0, buf1, buf2, buf3, acc,
                       sg0, sg1, sg2, sg3, ss0, ss1, ss2, ss3):
        cid = lax.axis_index("c")
        sid = lax.axis_index("s")
        wid = sid * _NCORES + cid
        base = sid * _RPT

        pltpu.sync_copy(pk_hbm.at[wid], pk_v)

        for r in range(_NPASS):
            def _unpack(i, carry):
                for j in range(_C // 16):
                    pk = pk_v[i, pl.ds(j * 16, 16)]
                    src = pk >> _SHIFT
                    dl = (pk & ((1 << _SHIFT) - 1)) - r * _NH
                    valid = (dl >= 0) & (dl < _NH)
                    src_v[i, pl.ds(j * 16, 16)] = jnp.where(valid, src, -1)
                    dst_v[i, pl.ds(j * 16, 16)] = jnp.where(valid, dl, -1)
                return carry
            lax.fori_loop(0, _NCHUNK, _unpack, 0)

            def _zero(i, carry):
                for j in range(_D // 16):
                    buf0[i, pl.ds(j * 16, 16)] = jnp.zeros((16,), jnp.float32)
                return carry
            lax.fori_loop(0, _C, _zero, 0)
            for k in range(_RPT // _C):
                pltpu.sync_copy(buf0, acc.at[pl.ds(base + k * _C, _C)])
            plsc.subcore_barrier()

            gidx = lambda j: plsc.Indices(src_v.at[j], ignored_value=-1)
            sidx = lambda j: plsc.Indices(dst_v.at[j], ignored_value=-1)
            bufs = (buf0, buf1, buf2, buf3)
            sgs = (sg0, sg1, sg2, sg3)
            sss = (ss0, ss1, ss2, ss3)
            for b in range(4):
                pltpu.async_copy(u_hbm.at[gidx(b)], bufs[b], sgs[b])

            def _body(t, carry):
                jb = 4 * t
                for b in range(4):
                    j = jb + b
                    pltpu.make_async_copy(u_hbm.at[gidx(j)], bufs[b],
                                          sgs[b]).wait()
                    pltpu.async_copy(bufs[b], acc.at[sidx(j)], sss[b],
                                     add=True)
                for b in range(4):
                    j = jb + b
                    pltpu.make_async_copy(bufs[b], acc.at[sidx(j)],
                                          sss[b]).wait()
                    jn = jnp.where(j + 4 >= _NCHUNK, b, j + 4)
                    pltpu.async_copy(u_hbm.at[gidx(jn)], bufs[b], sgs[b])
                return carry
            lax.fori_loop(0, _NCHUNK // 4, _body, 0)
            for b in range(4):
                pltpu.make_async_copy(u_hbm.at[gidx(b)], bufs[b],
                                      sgs[b]).wait()
            plsc.subcore_barrier()

            pltpu.sync_copy(acc.at[pl.ds(base, _RPT)],
                            out_hbm.at[cid, pl.ds(r * _NH + base, _RPT)])

    return scatter_kernel


_scatter = _make_scatter_kernel()



def _pack_body(src_ref, dst_ref, pk_ref):
    pk_ref[...] = (src_ref[...] << _SHIFT) | dst_ref[...]


def _pack(src, dst):
    rows = _EPAD // _C
    return pl.pallas_call(
        _pack_body,
        grid=(1,),
        in_specs=[
            pl.BlockSpec((rows, _C), lambda i: (0, 0)),
            pl.BlockSpec((rows, _C), lambda i: (0, 0)),
        ],
        out_specs=pl.BlockSpec((rows, _C), lambda i: (0, 0)),
        out_shape=jax.ShapeDtypeStruct((rows, _C), jnp.int32),
    )(src.reshape(rows, _C), dst.reshape(rows, _C))


def _mm_body(h_ref, w_ref, dinv_ref, u_ref):
    i = pl.program_id(0)
    row = i * _RB + lax.broadcasted_iota(jnp.int32, (_RB, 1), 0)
    u = dinv_ref[...] * jnp.dot(h_ref[...], w_ref[...],
                                preferred_element_type=jnp.float32)
    u_ref[...] = jnp.where(row < _N, u, 0.0)


def _mm(h, w, dinv):
    return pl.pallas_call(
        _mm_body,
        grid=(_NPAD // _RB,),
        in_specs=[
            pl.BlockSpec((_RB, _D), lambda i: (i, 0)),
            pl.BlockSpec((_D, _D), lambda i: (0, 0)),
            pl.BlockSpec((_RB, 1), lambda i: (i, 0)),
        ],
        out_specs=pl.BlockSpec((_RB, _D), lambda i: (i, 0)),
        out_shape=jax.ShapeDtypeStruct((_NPAD, _D), jnp.float32),
    )(h, w, dinv)


def _epi_body(p_ref, u_ref, dinv_ref, x_ref, b_ref, g_ref, be_ref,
              rm_ref, rv_ref, fl_ref, m_ref, h_ref, dinv_out_ref):
    psum = p_ref[0] + p_ref[1]
    t = dinv_ref[...] * (psum + u_ref[...]) + b_ref[...]
    s = g_ref[...] * lax.rsqrt(rv_ref[...] + _EPS)
    v = (t - rm_ref[...]) * s + be_ref[...]
    act = jnp.where(fl_ref[0, 0] > 0.0, jnp.maximum(v, 0.0), v)
    m = m_ref[0, 0] > 0.0
    h_ref[...] = jnp.where(m, act, x_ref[...])
    dinv_out_ref[...] = jnp.where(
        m, dinv_ref[...], lax.rsqrt(jnp.maximum(v[:, 0:1], 1.0)))


def _epi(p, u, dinv, x, b, g, be, rm, rv, fl, m):
    vec = lambda: pl.BlockSpec((1, _D), lambda i: (0, 0))
    one = lambda: pl.BlockSpec((1, 1), lambda i: (0, 0))
    return pl.pallas_call(
        _epi_body,
        grid=(_NPAD // _RB,),
        in_specs=[
            pl.BlockSpec((_NCORES, _RB, _D), lambda i: (0, i, 0)),
            pl.BlockSpec((_RB, _D), lambda i: (i, 0)),
            pl.BlockSpec((_RB, 1), lambda i: (i, 0)),
            pl.BlockSpec((_RB, _D), lambda i: (i, 0)),
            vec(), vec(), vec(), vec(), vec(),
            one(), one(),
        ],
        out_specs=[
            pl.BlockSpec((_RB, _D), lambda i: (i, 0)),
            pl.BlockSpec((_RB, 1), lambda i: (i, 0)),
        ],
        out_shape=[
            jax.ShapeDtypeStruct((_NPAD, _D), jnp.float32),
            jax.ShapeDtypeStruct((_NPAD, 1), jnp.float32),
        ],
    )(p, u, dinv, x, b, g, be, rm, rv, fl, m)


def _final_body(h_ref, o_ref):
    t = h_ref[...]
    col = lax.broadcasted_iota(jnp.int32, (_RB, _D), 1)
    valid = col < _DOUT
    tm = jnp.where(valid, t, -jnp.inf)
    mx = jnp.max(tm, axis=1, keepdims=True)
    e = jnp.where(valid, jnp.exp(t - mx), 0.0)
    lse = jnp.log(jnp.sum(e, axis=1, keepdims=True))
    o_ref[...] = t - mx - lse


def _final(h):
    return pl.pallas_call(
        _final_body,
        grid=(_NPAD // _RB,),
        in_specs=[pl.BlockSpec((_RB, _D), lambda i: (i, 0))],
        out_specs=pl.BlockSpec((_RB, _D), lambda i: (i, 0)),
        out_shape=jax.ShapeDtypeStruct((_NPAD, _D), jnp.float32),
    )(h)



def kernel(x, edge_index, W1, b1, g1, be1, rm1, rv1,
           W2, b2, g2, be2, rm2, rv2, W3, b3):
    f32 = jnp.float32
    x_pad = jnp.zeros((_NPAD, _D), f32).at[:_N].set(x)
    fill = jnp.full((_EPAD - _E,), _NPAD - 1, dtype=jnp.int32)
    srcp = jnp.concatenate([edge_index[0].astype(jnp.int32), fill])
    dstp = jnp.concatenate([edge_index[1].astype(jnp.int32), fill])

    pk = _pack(srcp, dstp)
    pk = pk.reshape(_NW, _NCHUNK, _C)

    W3p = jnp.zeros((_D, _D), f32).at[:, :_DOUT].set(W3)
    b3p = jnp.zeros((_D,), f32).at[:_DOUT].set(b3)
    ones = jnp.ones((_D,), f32)
    zeros = jnp.zeros((_D,), f32)
    rvid = jnp.full((_D,), 1.0 - _EPS, f32)
    eye = jnp.eye(_D, dtype=f32)
    Ws = jnp.stack([eye, W1, W2, W3p])
    bs = jnp.stack([zeros, b1, b2, b3p]).reshape(4, 1, _D)
    gs = jnp.stack([ones, g1, g2, ones]).reshape(4, 1, _D)
    bes = jnp.stack([zeros, be1, be2, zeros]).reshape(4, 1, _D)
    rms = jnp.stack([zeros, rm1, rm2, zeros]).reshape(4, 1, _D)
    rvs = jnp.stack([rvid, rv1, rv2, rvid]).reshape(4, 1, _D)
    fls = jnp.array([0.0, 1.0, 1.0, 0.0], f32).reshape(4, 1, 1)
    ms = jnp.array([0.0, 1.0, 1.0, 1.0], f32).reshape(4, 1, 1)

    def body(carry, xs):
        h, dinv = carry
        w, b, g, be, rm, rv, fl, m = xs
        u = _mm(h, w, dinv)
        p = _scatter(u, pk)
        h2, dinv2 = _epi(p, u, dinv, x_pad, b, g, be, rm, rv, fl, m)
        return (h2, dinv2), None

    carry0 = (jnp.ones((_NPAD, _D), f32), jnp.ones((_NPAD, 1), f32))
    (h3, _), _ = lax.scan(body, carry0,
                          (Ws, bs, gs, bes, rms, rvs, fls, ms))
    out = _final(h3)
    return out[:_N, :_DOUT]

# --- scband reference (transcript-rebuilt; emitter-appended) ---
"""Pipeline reference for scband-gcn-2911987827016 (READ-ONLY COPY).

The authoritative reference and input builder live on the scoring server;
editing this copy changes nothing except your own understanding.
"""

import jax, jax.numpy as jnp
import numpy as np

N = 10000
E = 320000
D_IN = 128
D_H = 128
D_OUT = 40
EPS = 1e-5


def setup_inputs(seed: int = 0) -> dict:
    key = jax.random.key(seed)
    ks = jax.random.split(key, 16)
    x = jax.random.normal(ks[0], (N, D_IN), dtype=jnp.float32)
    edge_index = jax.random.randint(ks[1], (2, E), 0, N)
    W1 = jax.random.normal(ks[2], (D_IN, D_H), dtype=jnp.float32) * (1.0 / np.sqrt(D_IN))
    b1 = jnp.zeros((D_H,), dtype=jnp.float32)
    W2 = jax.random.normal(ks[3], (D_H, D_H), dtype=jnp.float32) * (1.0 / np.sqrt(D_H))
    b2 = jnp.zeros((D_H,), dtype=jnp.float32)
    W3 = jax.random.normal(ks[4], (D_H, D_OUT), dtype=jnp.float32) * (1.0 / np.sqrt(D_H))
    b3 = jnp.zeros((D_OUT,), dtype=jnp.float32)
    g1 = jnp.ones((D_H,), dtype=jnp.float32)
    be1 = jnp.zeros((D_H,), dtype=jnp.float32)
    rm1 = jnp.zeros((D_H,), dtype=jnp.float32)
    rv1 = jnp.ones((D_H,), dtype=jnp.float32)
    g2 = jnp.ones((D_H,), dtype=jnp.float32)
    be2 = jnp.zeros((D_H,), dtype=jnp.float32)
    rm2 = jnp.zeros((D_H,), dtype=jnp.float32)
    rv2 = jnp.ones((D_H,), dtype=jnp.float32)
    return {"x": x, "edge_index": edge_index, "W1": W1, "b1": b1, "g1": g1, "be1": be1, "rm1": rm1, "rv1": rv1, "W2": W2, "b2": b2, "g2": g2, "be2": be2, "rm2": rm2, "rv2": rv2, "W3": W3, "b3": b3}


def reference(x, edge_index, W1, b1, g1, be1, rm1, rv1, W2, b2, g2, be2, rm2, rv2, W3, b3):
    # GCNConv with self-loops and symmetric normalization (PyG semantics)
    src = edge_index[0]
    dst = edge_index[1]
    loop = jnp.arange(N)
    src2 = jnp.concatenate([src, loop])
    dst2 = jnp.concatenate([dst, loop])
    deg = jax.ops.segment_sum(jnp.ones(src2.shape[0], jnp.float32), dst2, N)
    dinv = jnp.where(deg > 0, 1.0 / jnp.sqrt(deg), 0.0)
    norm = dinv[src2] * dinv[dst2]

    def conv(h, W, b):
        h = h @ W
        msg = h[src2] * norm[:, None]
        return jax.ops.segment_sum(msg, dst2, N) + b

    def bn(h, g, be, rm, rv):
        # BatchNorm1d in eval mode (running stats)
        return (h - rm) / jnp.sqrt(rv + EPS) * g + be

    h = jax.nn.relu(bn(conv(x, W1, b1), g1, be1, rm1, rv1))
    h = jax.nn.relu(bn(conv(h, W2, b2), g2, be2, rm2, rv2))
    h = conv(h, W3, b3)
    return jax.nn.log_softmax(h, axis=1)

if __name__ == "__main__":
    import jax
    _d = setup_inputs()
    print(jax.jit(kernel)(*tuple(_d.values())))

</pallas_src>

<mosaic_0001>
#map = affine_map<(d0, d1) -> (0, 0)>
#map1 = affine_map<(d0, d1) -> (0, 0, 0)>
module attributes {stable_mosaic.version = 14 : i64} {
  func.func @scatter_kernel(%arg0: i32, %arg1: i32, %arg2: memref<10240x128xf32, #tpu.memory_space<hbm>>, %arg3: memref<32x80x128xi32, #tpu.memory_space<hbm>>, %arg4: memref<2x12288x128xf32, #tpu.memory_space<hbm>>, %arg5: memref<80x128xi32, #tpu.memory_space<vmem>>, %arg6: memref<80x128xi32, #tpu.memory_space<vmem>>, %arg7: memref<80x128xi32, #tpu.memory_space<vmem>>, %arg8: memref<128x128xf32, #tpu.memory_space<vmem>>, %arg9: memref<128x128xf32, #tpu.memory_space<vmem>>, %arg10: memref<128x128xf32, #tpu.memory_space<vmem>>, %arg11: memref<128x128xf32, #tpu.memory_space<vmem>>, %arg12: memref<4096x128xf32, #tpu.memory_space<vmem_shared>>, %arg13: memref<!tpu.dma_semaphore, #tpu.memory_space<semaphore_mem>>, %arg14: memref<!tpu.dma_semaphore, #tpu.memory_space<semaphore_mem>>, %arg15: memref<!tpu.dma_semaphore, #tpu.memory_space<semaphore_mem>>, %arg16: memref<!tpu.dma_semaphore, #tpu.memory_space<semaphore_mem>>, %arg17: memref<!tpu.dma_semaphore, #tpu.memory_space<semaphore_mem>>, %arg18: memref<!tpu.dma_semaphore, #tpu.memory_space<semaphore_mem>>, %arg19: memref<!tpu.dma_semaphore, #tpu.memory_space<semaphore_mem>>, %arg20: memref<!tpu.dma_semaphore, #tpu.memory_space<semaphore_mem>>) attributes {dimension_semantics = [#tpu.dimension_semantics<core_parallel>, #tpu.dimension_semantics<subcore_parallel>], iteration_bounds = array<i64: 2, 16>, scalar_prefetch = 0 : i64, scratch_operands = 16 : i64, tpu.core_type = #tpu.core_type<sc_vector_subcore>, window_params = [{transform_indices = #map}, {transform_indices = #map1}, {transform_indices = #map1}]} {
    %mul3A = arith.constant 2 : i32
    %mul3A_0 = arith.muli %arg1, %mul3A : i32
    %add3A = arith.addi %mul3A_0, %arg0 : i32
    %mul3A_1 = arith.constant 256 : i32
    %mul3A_2 = arith.muli %arg1, %mul3A_1 : i32
    "tpu.region"() ({
      %run_scoped3A = tpu.sem_alloc : memref<!tpu.dma_semaphore, #tpu.memory_space<semaphore_mem>>
      %dma_start3A_257 = arith.constant 0 : i32
      %dma_start3A_258 = arith.constant 0 : i32
      %dma_start3A_259 = tpu.memref_slice %arg3[%add3A, %dma_start3A_257, %dma_start3A_258] : memref<32x80x128xi32, #tpu.memory_space<hbm>> -> memref<1x80x128xi32, #tpu.memory_space<hbm>>
      %dma_start3A_260 = tpu.memref_squeeze %dma_start3A_259 : memref<1x80x128xi32, #tpu.memory_space<hbm>> -> memref<80x128xi32, #tpu.memory_space<hbm>>
      %dma_start3A_261 = arith.constant 0 : i32
      %dma_start3A_262 = arith.constant 0 : i32
      %dma_start3A_263 = tpu.memref_slice %arg3[%add3A, %dma_start3A_261, %dma_start3A_262] : memref<32x80x128xi32, #tpu.memory_space<hbm>> -> memref<1x80x128xi32, #tpu.memory_space<hbm>>
      %dma_start3A_264 = tpu.memref_squeeze %dma_start3A_263 : memref<1x80x128xi32, #tpu.memory_space<hbm>> -> memref<80x128xi32, #tpu.memory_space<hbm>>
      tpu.enqueue_dma source(%dma_start3A_264 : memref<80x128xi32, #tpu.memory_space<hbm>>) target(%arg5 : memref<80x128xi32, #tpu.memory_space<vmem>>) target_semaphore(%run_scoped3A : memref<!tpu.dma_semaphore, #tpu.memory_space<semaphore_mem>>)
      %dma_wait3A_265 = arith.constant 0 : i32
      %dma_wait3A_266 = arith.constant 0 : i32
      %dma_wait3A_267 = tpu.memref_slice %arg3[%add3A, %dma_wait3A_265, %dma_wait3A_266] : memref<32x80x128xi32, #tpu.memory_space<hbm>> -> memref<1x80x128xi32, #tpu.memory_space<hbm>>
      %dma_wait3A_268 = tpu.memref_squeeze %dma_wait3A_267 : memref<1x80x128xi32, #tpu.memory_space<hbm>> -> memref<80x128xi32, #tpu.memory_space<hbm>>
      %dma_wait3A_269 = arith.constant 0 : i32
      %dma_wait3A_270 = arith.constant 0 : i32
      %dma_wait3A_271 = tpu.memref_slice %arg3[%add3A, %dma_wait3A_269, %dma_wait3A_270] : memref<32x80x128xi32, #tpu.memory_space<hbm>> -> memref<1x80x128xi32, #tpu.memory_space<hbm>>
      %dma_wait3A_272 = tpu.memref_squeeze %dma_wait3A_271 : memref<1x80x128xi32, #tpu.memory_space<hbm>> -> memref<80x128xi32, #tpu.memory_space<hbm>>
      tpu.wait_dma2 semaphore(%run_scoped3A : memref<!tpu.dma_semaphore, #tpu.memory_space<semaphore_mem>>) src(%dma_wait3A_272 : memref<80x128xi32, #tpu.memory_space<hbm>>) dst(%arg5 : memref<80x128xi32, #tpu.memory_space<vmem>>)
      tpu.yield
    }) : () -> ()
    %scan3A = arith.constant 0 : i32
    %scan3A_3 = arith.constant 0 : i32
    %scan3A_4 = arith.constant 80 : i32
    %scan3A_5 = arith.addi %scan3A_3, %scan3A_4 : i32
    %scan3A_6 = arith.constant 1 : i32
    scf.for %scan3A_257 = %scan3A_3 to %scan3A_5 step %scan3A_6  : i32 {
      %get3A = arith.index_cast %scan3A_257 : i32 to index
      %get3A_258 = arith.constant 0 : index
      %get3A_259 = tpu.vector_load %arg5[%get3A, %get3A_258] {strides = array<i32>} : memref<80x128xi32, #tpu.memory_space<vmem>>, vector<1x16xi32>,
      %get3A_260 = vector.shape_cast %get3A_259 : vector<1x16xi32> to vector<16xi32>
      %shift_right_arithmetic3A = arith.constant 14 : i32
      %shift_right_arithmetic3A_261 = vector.broadcast %shift_right_arithmetic3A : i32 to vector<16xi32>
      %shift_right_arithmetic3A_262 = arith.shrsi %get3A_260, %shift_right_arithmetic3A_261 : vector<16xi32>
      %and3A = arith.constant 16383 : i32
      %and3A_263 = vector.broadcast %and3A : i32 to vector<16xi32>
      %and3A_264 = arith.andi %get3A_260, %and3A_263 : vector<16xi32>
      %sub3A = arith.constant 0 : i32
      %sub3A_265 = vector.broadcast %sub3A : i32 to vector<16xi32>
      %sub3A_266 = arith.subi %and3A_264, %sub3A_265 : vector<16xi32>
      %ge3A = arith.constant 0 : i32
      %ge3A_267 = vector.broadcast %ge3A : i32 to vector<16xi32>
      %ge3A_268 = arith.cmpi sge, %sub3A_266, %ge3A_267 : vector<16xi32>
      %lt3A = arith.constant 4096 : i32
      %lt3A_269 = vector.broadcast %lt3A : i32 to vector<16xi32>
      %lt3A_270 = arith.cmpi slt, %sub3A_266, %lt3A_269 : vector<16xi32>
      %and3A_271 = arith.andi %ge3A_268, %lt3A_270 : vector<16xi1>
      %jit3A = arith.constant -1 : i32
      %broadcast_in_dim3A = vector.broadcast %jit3A : i32 to vector<16xi32>
      %select_n3A = arith.select %and3A_271, %shift_right_arithmetic3A_262, %broadcast_in_dim3A : vector<16xi1>, vector<16xi32>
      %swap3A = arith.index_cast %scan3A_257 : i32 to index
      %swap3A_272 = arith.constant 0 : index
      %swap3A_273 = tpu.vector_load %arg6[%swap3A, %swap3A_272] {strides = array<i32>} : memref<80x128xi32, #tpu.memory_space<vmem>>, vector<1x16xi32>,
      %swap3A_274 = vector.shape_cast %swap3A_273 : vector<1x16xi32> to vector<16xi32>
      %swap3A_275 = vector.shape_cast %select_n3A : vector<16xi32> to vector<1x16xi32>
      tpu.vector_store %arg6[%swap3A, %swap3A_272], %swap3A_275 {strides = array<i32>} : memref<80x128xi32, #tpu.memory_space<vmem>>, vector<1x16xi32>,
      %jit3A_276 = arith.constant -1 : i32
      %broadcast_in_dim3A_277 = vector.broadcast %jit3A_276 : i32 to vector<16xi32>
      %select_n3A_278 = arith.select %and3A_271, %sub3A_266, %broadcast_in_dim3A_277 : vector<16xi1>, vector<16xi32>
      %swap3A_279 = arith.index_cast %scan3A_257 : i32 to index
      %swap3A_280 = arith.constant 0 : index
      %swap3A_281 = tpu.vector_load %arg7[%swap3A_279, %swap3A_280] {strides = array<i32>} : memref<80x128xi32, #tpu.memory_space<vmem>>, vector<1x16xi32>,
      %swap3A_282 = vector.shape_cast %swap3A_281 : vector<1x16xi32> to vector<16xi32>
      %swap3A_283 = vector.shape_cast %select_n3A_278 : vector<16xi32> to vector<1x16xi32>
      tpu.vector_store %arg7[%swap3A_279, %swap3A_280], %swap3A_283 {strides = array<i32>} : memref<80x128xi32, #tpu.memory_space<vmem>>, vector<1x16xi32>,
      %get3A_284 = arith.index_cast %scan3A_257 : i32 to index
      %get3A_285 = arith.constant 16 : index
      %get3A_286 = tpu.vector_load %arg5[%get3A_284, %get3A_285] {strides = array<i32>} : memref<80x128xi32, #tpu.memory_space<vmem>>, vector<1x16xi32>,
      %get3A_287 = vector.shape_cast %get3A_286 : vector<1x16xi32> to vector<16xi32>
      %shift_right_arithmetic3A_288 = arith.constant 14 : i32
      %shift_right_arithmetic3A_289 = vector.broadcast %shift_right_arithmetic3A_288 : i32 to vector<16xi32>
      %shift_right_arithmetic3A_290 = arith.shrsi %get3A_287, %shift_right_arithmetic3A_289 : vector<16xi32>
      %and3A_291 = arith.constant 16383 : i32
      %and3A_292 = vector.broadcast %and3A_291 : i32 to vector<16xi32>
      %and3A_293 = arith.andi %get3A_287, %and3A_292 : vector<16xi32>
      %sub3A_294 = arith.constant 0 : i32
      %sub3A_295 = vector.broadcast %sub3A_294 : i32 to vector<16xi32>
      %sub3A_296 = arith.subi %and3A_293, %sub3A_295 : vector<16xi32>
      %ge3A_297 = arith.constant 0 : i32
      %ge3A_298 = vector.broadcast %ge3A_297 : i32 to vector<16xi32>
      %ge3A_299 = arith.cmpi sge, %sub3A_296, %ge3A_298 : vector<16xi32>
      %lt3A_300 = arith.constant 4096 : i32
      %lt3A_301 = vector.broadcast %lt3A_300 : i32 to vector<16xi32>
      %lt3A_302 = arith.cmpi slt, %sub3A_296, %lt3A_301 : vector<16xi32>
      %and3A_303 = arith.andi %ge3A_299, %lt3A_302 : vector<16xi1>
      %jit3A_304 = arith.constant -1 : i32
      %broadcast_in_dim3A_305 = vector.broadcast %jit3A_304 : i32 to vector<16xi32>
      %select_n3A_306 = arith.select %and3A_303, %shift_right_arithmetic3A_290, %broadcast_in_dim3A_305 : vector<16xi1>, vector<16xi32>
      %swap3A_307 = arith.index_cast %scan3A_257 : i32 to index
      %swap3A_308 = arith.constant 16 : index
      %swap3A_309 = tpu.vector_load %arg6[%swap3A_307, %swap3A_308] {strides = array<i32>} : memref<80x128xi32, #tpu.memory_space<vmem>>, vector<1x16xi32>,
      %swap3A_310 = vector.shape_cast %swap3A_309 : vector<1x16xi32> to vector<16xi32>
      %swap3A_311 = vector.shape_cast %select_n3A_306 : vector<16xi32> to vector<1x16xi32>
      tpu.vector_store %arg6[%swap3A_307, %swap3A_308], %swap3A_311 {strides = array<i32>} : memref<80x128xi32, #tpu.memory_space<vmem>>, vector<1x16xi32>,
      %jit3A_312 = arith.constant -1 : i32
      %broadcast_in_dim3A_313 = vector.broadcast %jit3A_312 : i32 to vector<16xi32>
      %select_n3A_314 = arith.select %and3A_303, %sub3A_296, %broadcast_in_dim3A_313 : vector<16xi1>, vector<16xi32>
      %swap3A_315 = arith.index_cast %scan3A_257 : i32 to index
      %swap3A_316 = arith.constant 16 : index
      %swap3A_317 = tpu.vector_load %arg7[%swap3A_315, %swap3A_316] {strides = array<i32>} : memref<80x128xi32, #tpu.memory_space<vmem>>, vector<1x16xi32>,
      %swap3A_318 = vector.shape_cast %swap3A_317 : vector<1x16xi32> to vector<16xi32>
      %swap3A_319 = vector.shape_cast %select_n3A_314 : vector<16xi32> to vector<1x16xi32>
      tpu.vector_store %arg7[%swap3A_315, %swap3A_316], %swap3A_319 {strides = array<i32>} : memref<80x128xi32, #tpu.memory_space<vmem>>, vector<1x16xi32>,
      %get3A_320 = arith.index_cast %scan3A_257 : i32 to index
      %get3A_321 = arith.constant 32 : index
      %get3A_322 = tpu.vector_load %arg5[%get3A_320, %get3A_321] {strides = array<i32>} : memref<80x128xi32, #tpu.memory_space<vmem>>, vector<1x16xi32>,
      %get3A_323 = vector.shape_cast %get3A_322 : vector<1x16xi32> to vector<16xi32>
      %shift_right_arithmetic3A_324 = arith.constant 14 : i32
      %shift_right_arithmetic3A_325 = vector.broadcast %shift_right_arithmetic3A_324 : i32 to vector<16xi32>
      %shift_right_arithmetic3A_326 = arith.shrsi %get3A_323, %shift_right_arithmetic3A_325 : vector<16xi32>
      %and3A_327 = arith.constant 16383 : i32
      %and3A_328 = vector.broadcast %and3A_327 : i32 to vector<16xi32>
      %and3A_329 = arith.andi %get3A_323, %and3A_328 : vector<16xi32>
      %sub3A_330 = arith.constant 0 : i32
      %sub3A_331 = vector.broadcast %sub3A_330 : i32 to vector<16xi32>
      %sub3A_332 = arith.subi %and3A_329, %sub3A_331 : vector<16xi32>
      %ge3A_333 = arith.constant 0 : i32
      %ge3A_334 = vector.broadcast %ge3A_333 : i32 to vector<16xi32>
      %ge3A_335 = arith.cmpi sge, %sub3A_332, %ge3A_334 : vector<16xi32>
      %lt3A_336 = arith.constant 4096 : i32
      %lt3A_337 = vector.broadcast %lt3A_336 : i32 to vector<16xi32>
      %lt3A_338 = arith.cmpi slt, %sub3A_332, %lt3A_337 : vector<16xi32>
      %and3A_339 = arith.andi %ge3A_335, %lt3A_338 : vector<16xi1>
      %jit3A_340 = arith.constant -1 : i32
      %broadcast_in_dim3A_341 = vector.broadcast %jit3A_340 : i32 to vector<16xi32>
      %select_n3A_342 = arith.select %and3A_339, %shift_right_arithmetic3A_326, %broadcast_in_dim3A_341 : vector<16xi1>, vector<16xi32>
      %swap3A_343 = arith.index_cast %scan3A_257 : i32 to index
      %swap3A_344 = arith.constant 32 : index
      %swap3A_345 = tpu.vector_load %arg6[%swap3A_343, %swap3A_344] {strides = array<i32>} : memref<80x128xi32, #tpu.memory_space<vmem>>, vector<1x16xi32>,
      %swap3A_346 = vector.shape_cast %swap3A_345 : vector<1x16xi32> to vector<16xi32>
      %swap3A_347 = vector.shape_cast %select_n3A_342 : vector<16xi32> to vector<1x16xi32>
      tpu.vector_store %arg6[%swap3A_343, %swap3A_344], %swap3A_347 {strides = array<i32>} : memref<80x128xi32, #tpu.memory_space<vmem>>, vector<1x16xi32>,
      %jit3A_348 = arith.constant -1 : i32
      %broadcast_in_dim3A_349 = vector.broadcast %jit3A_348 : i32 to vector<16xi32>
      %select_n3A_350 = arith.select %and3A_339, %sub3A_332, %broadcast_in_dim3A_349 : vector<16xi1>, vector<16xi32>
      %swap3A_351 = arith.index_cast %scan3A_257 : i32 to index
      %swap3A_352 = arith.constant 32 : index
      %swap3A_353 = tpu.vector_load %arg7[%swap3A_351, %swap3A_352] {strides = array<i32>} : memref<80x128xi32, #tpu.memory_space<vmem>>, vector<1x16xi32>,
      %swap3A_354 = vector.shape_cast %swap3A_353 : vector<1x16xi32> to vector<16xi32>
      %swap3A_355 = vector.shape_cast %select_n3A_350 : vector<16xi32> to vector<1x16xi32>
      tpu.vector_store %arg7[%swap3A_351, %swap3A_352], %swap3A_355 {strides = array<i32>} : memref<80x128xi32, #tpu.memory_space<vmem>>, vector<1x16xi32>,
      %get3A_356 = arith.index_cast %scan3A_257 : i32 to index
      %get3A_357 = arith.constant 48 : index
      %get3A_358 = tpu.vector_load %arg5[%get3A_356, %get3A_357] {strides = array<i32>} : memref<80x128xi32, #tpu.memory_space<vmem>>, vector<1x16xi32>,
      %get3A_359 = vector.shape_cast %get3A_358 : vector<1x16xi32> to vector<16xi32>
      %shift_right_arithmetic3A_360 = arith.constant 14 : i32
      %shift_right_arithmetic3A_361 = vector.broadcast %shift_right_arithmetic3A_360 : i32 to vector<16xi32>
      %shift_right_arithmetic3A_362 = arith.shrsi %get3A_359, %shift_right_arithmetic3A_361 : vector<16xi32>
      %and3A_363 = arith.constant 16383 : i32
      %and3A_364 = vector.broadcast %and3A_363 : i32 to vector<16xi32>
      %and3A_365 = arith.andi %get3A_359, %and3A_364 : vector<16xi32>
      %sub3A_366 = arith.constant 0 : i32
      %sub3A_367 = vector.broadcast %sub3A_366 : i32 to vector<16xi32>
      %sub3A_368 = arith.subi %and3A_365, %sub3A_367 : vector<16xi32>
      %ge3A_369 = arith.constant 0 : i32
      %ge3A_370 = vector.broadcast %ge3A_369 : i32 to vector<16xi32>
      %ge3A_371 = arith.cmpi sge, %sub3A_368, %ge3A_370 : vector<16xi32>
      %lt3A_372 = arith.constant 4096 : i32
      %lt3A_373 = vector.broadcast %lt3A_372 : i32 to vector<16xi32>
      %lt3A_374 = arith.cmpi slt, %sub3A_368, %lt3A_373 : vector<16xi32>
      %and3A_375 = arith.andi %ge3A_371, %lt3A_374 : vector<16xi1>
      %jit3A_376 = arith.constant -1 : i32
      %broadcast_in_dim3A_377 = vector.broadcast %jit3A_376 : i32 to vector<16xi32>
      %select_n3A_378 = arith.select %and3A_375, %shift_right_arithmetic3A_362, %broadcast_in_dim3A_377 : vector<16xi1>, vector<16xi32>
      %swap3A_379 = arith.index_cast %scan3A_257 : i32 to index
      %swap3A_380 = arith.constant 48 : index
      %swap3A_381 = tpu.vector_load %arg6[%swap3A_379, %swap3A_380] {strides = array<i32>} : memref<80x128xi32, #tpu.memory_space<vmem>>, vector<1x16xi32>,
      %swap3A_382 = vector.shape_cast %swap3A_381 : vector<1x16xi32> to vector<16xi32>
      %swap3A_383 = vector.shape_cast %select_n3A_378 : vector<16xi32> to vector<1x16xi32>
      tpu.vector_store %arg6[%swap3A_379, %swap3A_380], %swap3A_383 {strides = array<i32>} : memref<80x128xi32, #tpu.memory_space<vmem>>, vector<1x16xi32>,
      %jit3A_384 = arith.constant -1 : i32
      %broadcast_in_dim3A_385 = vector.broadcast %jit3A_384 : i32 to vector<16xi32>
      %select_n3A_386 = arith.select %and3A_375, %sub3A_368, %broadcast_in_dim3A_385 : vector<16xi1>, vector<16xi32>
      %swap3A_387 = arith.index_cast %scan3A_257 : i32 to index
      %swap3A_388 = arith.constant 48 : index
      %swap3A_389 = tpu.vector_load %arg7[%swap3A_387, %swap3A_388] {strides = array<i32>} : memref<80x128xi32, #tpu.memory_space<vmem>>, vector<1x16xi32>,
      %swap3A_390 = vector.shape_cast %swap3A_389 : vector<1x16xi32> to vector<16xi32>
      %swap3A_391 = vector.shape_cast %select_n3A_386 : vector<16xi32> to vector<1x16xi32>
      tpu.vector_store %arg7[%swap3A_387, %swap3A_388], %swap3A_391 {strides = array<i32>} : memref<80x128xi32, #tpu.memory_space<vmem>>, vector<1x16xi32>,
      %get3A_392 = arith.index_cast %scan3A_257 : i32 to index
      %get3A_393 = arith.constant 64 : index
      %get3A_394 = tpu.vector_load %arg5[%get3A_392, %get3A_393] {strides = array<i32>} : memref<80x128xi32, #tpu.memory_space<vmem>>, vector<1x16xi32>,
      %get3A_395 = vector.shape_cast %get3A_394 : vector<1x16xi32> to vector<16xi32>
      %shift_right_arithmetic3A_396 = arith.constant 14 : i32
      %shift_right_arithmetic3A_397 = vector.broadcast %shift_right_arithmetic3A_396 : i32 to vector<16xi32>
      %shift_right_arithmetic3A_398 = arith.shrsi %get3A_395, %shift_right_arithmetic3A_397 : vector<16xi32>
      %and3A_399 = arith.constant 16383 : i32
      %and3A_400 = vector.broadcast %and3A_399 : i32 to vector<16xi32>
      %and3A_401 = arith.andi %get3A_395, %and3A_400 : vector<16xi32>
      %sub3A_402 = arith.constant 0 : i32
      %sub3A_403 = vector.broadcast %sub3A_402 : i32 to vector<16xi32>
      %sub3A_404 = arith.subi %and3A_401, %sub3A_403 : vector<16xi32>
      %ge3A_405 = arith.constant 0 : i32
      %ge3A_406 = vector.broadcast %ge3A_405 : i32 to vector<16xi32>
      %ge3A_407 = arith.cmpi sge, %sub3A_404, %ge3A_406 : vector<16xi32>
      %lt3A_408 = arith.constant 4096 : i32
      %lt3A_409 = vector.broadcast %lt3A_408 : i32 to vector<16xi32>
      %lt3A_410 = arith.cmpi slt, %sub3A_404, %lt3A_409 : vector<16xi32>
      %and3A_411 = arith.andi %ge3A_407, %lt3A_410 : vector<16xi1>
      %jit3A_412 = arith.constant -1 : i32
      %broadcast_in_dim3A_413 = vector.broadcast %jit3A_412 : i32 to vector<16xi32>
      %select_n3A_414 = arith.select %and3A_411, %shift_right_arithmetic3A_398, %broadcast_in_dim3A_413 : vector<16xi1>, vector<16xi32>
      %swap3A_415 = arith.index_cast %scan3A_257 : i32 to index
      %swap3A_416 = arith.constant 64 : index
      %swap3A_417 = tpu.vector_load %arg6[%swap3A_415, %swap3A_416] {strides = array<i32>} : memref<80x128xi32, #tpu.memory_space<vmem>>, vector<1x16xi32>,
      %swap3A_418 = vector.shape_cast %swap3A_417 : vector<1x16xi32> to vector<16xi32>
      %swap3A_419 = vector.shape_cast %select_n3A_414 : vector<16xi32> to vector<1x16xi32>
      tpu.vector_store %arg6[%swap3A_415, %swap3A_416], %swap3A_419 {strides = array<i32>} : memref<80x128xi32, #tpu.memory_space<vmem>>, vector<1x16xi32>,
      %jit3A_420 = arith.constant -1 : i32
      %broadcast_in_dim3A_421 = vector.broadcast %jit3A_420 : i32 to vector<16xi32>
      %select_n3A_422 = arith.select %and3A_411, %sub3A_404, %broadcast_in_dim3A_421 : vector<16xi1>, vector<16xi32>
      %swap3A_423 = arith.index_cast %scan3A_257 : i32 to index
      %swap3A_424 = arith.constant 64 : index
      %swap3A_425 = tpu.vector_load %arg7[%swap3A_423, %swap3A_424] {strides = array<i32>} : memref<80x128xi32, #tpu.memory_space<vmem>>, vector<1x16xi32>,
      %swap3A_426 = vector.shape_cast %swap3A_425 : vector<1x16xi32> to vector<16xi32>
      %swap3A_427 = vector.shape_cast %select_n3A_422 : vector<16xi32> to vector<1x16xi32>
      tpu.vector_store %arg7[%swap3A_423, %swap3A_424], %swap3A_427 {strides = array<i32>} : memref<80x128xi32, #tpu.memory_space<vmem>>, vector<1x16xi32>,
      %get3A_428 = arith.index_cast %scan3A_257 : i32 to index
      %get3A_429 = arith.constant 80 : index
      %get3A_430 = tpu.vector_load %arg5[%get3A_428, %get3A_429] {strides = array<i32>} : memref<80x128xi32, #tpu.memory_space<vmem>>, vector<1x16xi32>,
      %get3A_431 = vector.shape_cast %get3A_430 : vector<1x16xi32> to vector<16xi32>
      %shift_right_arithmetic3A_432 = arith.constant 14 : i32
      %shift_right_arithmetic3A_433 = vector.broadcast %shift_right_arithmetic3A_432 : i32 to vector<16xi32>
      %shift_right_arithmetic3A_434 = arith.shrsi %get3A_431, %shift_right_arithmetic3A_433 : vector<16xi32>
      %and3A_435 = arith.constant 16383 : i32
      %and3A_436 = vector.broadcast %and3A_435 : i32 to vector<16xi32>
      %and3A_437 = arith.andi %get3A_431, %and3A_436 : vector<16xi32>
      %sub3A_438 = arith.constant 0 : i32
      %sub3A_439 = vector.broadcast %sub3A_438 : i32 to vector<16xi32>
      %sub3A_440 = arith.subi %and3A_437, %sub3A_439 : vector<16xi32>
      %ge3A_441 = arith.constant 0 : i32
      %ge3A_442 = vector.broadcast %ge3A_441 : i32 to vector<16xi32>
      %ge3A_443 = arith.cmpi sge, %sub3A_440, %ge3A_442 : vector<16xi32>
      %lt3A_444 = arith.constant 4096 : i32
      %lt3A_445 = vector.broadcast %lt3A_444 : i32 to vector<16xi32>
      %lt3A_446 = arith.cmpi slt, %sub3A_440, %lt3A_445 : vector<16xi32>
      %and3A_447 = arith.andi %ge3A_443, %lt3A_446 : vector<16xi1>
      %jit3A_448 = arith.constant -1 : i32
      %broadcast_in_dim3A_449 = vector.broadcast %jit3A_448 : i32 to vector<16xi32>
      %select_n3A_450 = arith.select %and3A_447, %shift_right_arithmetic3A_434, %broadcast_in_dim3A_449 : vector<16xi1>, vector<16xi32>
      %swap3A_451 = arith.index_cast %scan3A_257 : i32 to index
      %swap3A_452 = arith.constant 80 : index
      %swap3A_453 = tpu.vector_load %arg6[%swap3A_451, %swap3A_452] {strides = array<i32>} : memref<80x128xi32, #tpu.memory_space<vmem>>, vector<1x16xi32>,
      %swap3A_454 = vector.shape_cast %swap3A_453 : vector<1x16xi32> to vector<16xi32>
      %swap3A_455 = vector.shape_cast %select_n3A_450 : vector<16xi32> to vector<1x16xi32>
      tpu.vector_store %arg6[%swap3A_451, %swap3A_452], %swap3A_455 {strides = array<i32>} : memref<80x128xi32, #tpu.memory_space<vmem>>, vector<1x16xi32>,
      %jit3A_456 = arith.constant -1 : i32
      %broadcast_in_dim3A_457 = vector.broadcast %jit3A_456 : i32 to vector<16xi32>
      %select_n3A_458 = arith.select %and3A_447, %sub3A_440, %broadcast_in_dim3A_457 : vector<16xi1>, vector<16xi32>
      %swap3A_459 = arith.index_cast %scan3A_257 : i32 to index
      %swap3A_460 = arith.constant 80 : index
      %swap3A_461 = tpu.vector_load %arg7[%swap3A_459, %swap3A_460] {strides = array<i32>} : memref<80x128xi32, #tpu.memory_space<vmem>>, vector<1x16xi32>,
      %swap3A_462 = vector.shape_cast %swap3A_461 : vector<1x16xi32> to vector<16xi32>
      %swap3A_463 = vector.shape_cast %select_n3A_458 : vector<16xi32> to vector<1x16xi32>
      tpu.vector_store %arg7[%swap3A_459, %swap3A_460], %swap3A_463 {strides = array<i32>} : memref<80x128xi32, #tpu.memory_space<vmem>>, vector<1x16xi32>,
      %get3A_464 = arith.index_cast %scan3A_257 : i32 to index
      %get3A_465 = arith.constant 96 : index
      %get3A_466 = tpu.vector_load %arg5[%get3A_464, %get3A_465] {strides = array<i32>} : memref<80x128xi32, #tpu.memory_space<vmem>>, vector<1x16xi32>,
      %get3A_467 = vector.shape_cast %get3A_466 : vector<1x16xi32> to vector<16xi32>
      %shift_right_arithmetic3A_468 = arith.constant 14 : i32
      %shift_right_arithmetic3A_469 = vector.broadcast %shift_right_arithmetic3A_468 : i32 to vector<16xi32>
      %shift_right_arithmetic3A_470 = arith.shrsi %get3A_467, %shift_right_arithmetic3A_469 : vector<16xi32>
      %and3A_471 = arith.constant 16383 : i32
      %and3A_472 = vector.broadcast %and3A_471 : i32 to vector<16xi32>
      %and3A_473 = arith.andi %get3A_467, %and3A_472 : vector<16xi32>
      %sub3A_474 = arith.constant 0 : i32
      %sub3A_475 = vector.broadcast %sub3A_474 : i32 to vector<16xi32>
      %sub3A_476 = arith.subi %and3A_473, %sub3A_475 : vector<16xi32>
      %ge3A_477 = arith.constant 0 : i32
      %ge3A_478 = vector.broadcast %ge3A_477 : i32 to vector<16xi32>
      %ge3A_479 = arith.cmpi sge, %sub3A_476, %ge3A_478 : vector<16xi32>
      %lt3A_480 = arith.constant 4096 : i32
      %lt3A_481 = vector.broadcast %lt3A_480 : i32 to vector<16xi32>
      %lt3A_482 = arith.cmpi slt, %sub3A_476, %lt3A_481 : vector<16xi32>
      %and3A_483 = arith.andi %ge3A_479, %lt3A_482 : vector<16xi1>
      %jit3A_484 = arith.constant -1 : i32
      %broadcast_in_dim3A_485 = vector.broadcast %jit3A_484 : i32 to vector<16xi32>
      %select_n3A_486 = arith.select %and3A_483, %shift_right_arithmetic3A_470, %broadcast_in_dim3A_485 : vector<16xi1>, vector<16xi32>
      %swap3A_487 = arith.index_cast %scan3A_257 : i32 to index
      %swap3A_488 = arith.constant 96 : index
      %swap3A_489 = tpu.vector_load %arg6[%swap3A_487, %swap3A_488] {strides = array<i32>} : memref<80x128xi32, #tpu.memory_space<vmem>>, vector<1x16xi32>,
      %swap3A_490 = vector.shape_cast %swap3A_489 : vector<1x16xi32> to vector<16xi32>
      %swap3A_491 = vector.shape_cast %select_n3A_486 : vector<16xi32> to vector<1x16xi32>
      tpu.vector_store %arg6[%swap3A_487, %swap3A_488], %swap3A_491 {strides = array<i32>} : memref<80x128xi32, #tpu.memory_space<vmem>>, vector<1x16xi32>,
      %jit3A_492 = arith.constant -1 : i32
      %broadcast_in_dim3A_493 = vector.broadcast %jit3A_492 : i32 to vector<16xi32>
      %select_n3A_494 = arith.select %and3A_483, %sub3A_476, %broadcast_in_dim3A_493 : vector<16xi1>, vector<16xi32>
      %swap3A_495 = arith.index_cast %scan3A_257 : i32 to index
      %swap3A_496 = arith.constant 96 : index
      %swap3A_497 = tpu.vector_load %arg7[%swap3A_495, %swap3A_496] {strides = array<i32>} : memref<80x128xi32, #tpu.memory_space<vmem>>, vector<1x16xi32>,
      %swap3A_498 = vector.shape_cast %swap3A_497 : vector<1x16xi32> to vector<16xi32>
      %swap3A_499 = vector.shape_cast %select_n3A_494 : vector<16xi32> to vector<1x16xi32>
      tpu.vector_store %arg7[%swap3A_495, %swap3A_496], %swap3A_499 {strides = array<i32>} : memref<80x128xi32, #tpu.memory_space<vmem>>, vector<1x16xi32>,
      %get3A_500 = arith.index_cast %scan3A_257 : i32 to index
      %get3A_501 = arith.constant 112 : index
      %get3A_502 = tpu.vector_load %arg5[%get3A_500, %get3A_501] {strides = array<i32>} : memref<80x128xi32, #tpu.memory_space<vmem>>, vector<1x16xi32>,
      %get3A_503 = vector.shape_cast %get3A_502 : vector<1x16xi32> to vector<16xi32>
      %shift_right_arithmetic3A_504 = arith.constant 14 : i32
      %shift_right_arithmetic3A_505 = vector.broadcast %shift_right_arithmetic3A_504 : i32 to vector<16xi32>
      %shift_right_arithmetic3A_506 = arith.shrsi %get3A_503, %shift_right_arithmetic3A_505 : vector<16xi32>
      %and3A_507 = arith.constant 16383 : i32
      %and3A_508 = vector.broadcast %and3A_507 : i32 to vector<16xi32>
      %and3A_509 = arith.andi %get3A_503, %and3A_508 : vector<16xi32>
      %sub3A_510 = arith.constant 0 : i32
      %sub3A_511 = vector.broadcast %sub3A_510 : i32 to vector<16xi32>
      %sub3A_512 = arith.subi %and3A_509, %sub3A_511 : vector<16xi32>
      %ge3A_513 = arith.constant 0 : i32
      %ge3A_514 = vector.broadcast %ge3A_513 : i32 to vector<16xi32>
      %ge3A_515 = arith.cmpi sge, %sub3A_512, %ge3A_514 : vector<16xi32>
      %lt3A_516 = arith.constant 4096 : i32
      %lt3A_517 = vector.broadcast %lt3A_516 : i32 to vector<16xi32>
      %lt3A_518 = arith.cmpi slt, %sub3A_512, %lt3A_517 : vector<16xi32>
      %and3A_519 = arith.andi %ge3A_515, %lt3A_518 : vector<16xi1>
      %jit3A_520 = arith.constant -1 : i32
      %broadcast_in_dim3A_521 = vector.broadcast %jit3A_520 : i32 to vector<16xi32>
      %select_n3A_522 = arith.select %and3A_519, %shift_right_arithmetic3A_506, %broadcast_in_dim3A_521 : vector<16xi1>, vector<16xi32>
      %swap3A_523 = arith.index_cast %scan3A_257 : i32 to index
      %swap3A_524 = arith.constant 112 : index
      %swap3A_525 = tpu.vector_load %arg6[%swap3A_523, %swap3A_524] {strides = array<i32>} : memref<80x128xi32, #tpu.memory_space<vmem>>, vector<1x16xi32>,
      %swap3A_526 = vector.shape_cast %swap3A_525 : vector<1x16xi32> to vector<16xi32>
      %swap3A_527 = vector.shape_cast %select_n3A_522 : vector<16xi32> to vector<1x16xi32>
      tpu.vector_store %arg6[%swap3A_523, %swap3A_524], %swap3A_527 {strides = array<i32>} : memref<80x128xi32, #tpu.memory_space<vmem>>, vector<1x16xi32>,
      %jit3A_528 = arith.constant -1 : i32
      %broadcast_in_dim3A_529 = vector.broadcast %jit3A_528 : i32 to vector<16xi32>
      %select_n3A_530 = arith.select %and3A_519, %sub3A_512, %broadcast_in_dim3A_529 : vector<16xi1>, vector<16xi32>
      %swap3A_531 = arith.index_cast %scan3A_257 : i32 to index
      %swap3A_532 = arith.constant 112 : index
      %swap3A_533 = tpu.vector_load %arg7[%swap3A_531, %swap3A_532] {strides = array<i32>} : memref<80x128xi32, #tpu.memory_space<vmem>>, vector<1x16xi32>,
      %swap3A_534 = vector.shape_cast %swap3A_533 : vector<1x16xi32> to vector<16xi32>
      %swap3A_535 = vector.shape_cast %select_n3A_530 : vector<16xi32> to vector<1x16xi32>
      tpu.vector_store %arg7[%swap3A_531, %swap3A_532], %swap3A_535 {strides = array<i32>} : memref<80x128xi32, #tpu.memory_space<vmem>>, vector<1x16xi32>,
    }
    %scan3A_7 = arith.constant 80 : i32
    %scan3A_8 = arith.constant 0 : i32
    %scan3A_9 = arith.constant 0 : i32
    %scan3A_10 = arith.constant 128 : i32
    %scan3A_11 = arith.addi %scan3A_9, %scan3A_10 : i32
    %scan3A_12 = arith.constant 1 : i32
    scf.for %scan3A_257 = %scan3A_9 to %scan3A_11 step %scan3A_12  : i32 {
      %broadcast_in_dim3A = arith.constant 0.000000e+00 : f32
      %broadcast_in_dim3A_258 = vector.broadcast %broadcast_in_dim3A : f32 to vector<16xf32>
      %swap3A = arith.index_cast %scan3A_257 : i32 to index
      %swap3A_259 = arith.constant 0 : index
      %swap3A_260 = tpu.vector_load %arg8[%swap3A, %swap3A_259] {strides = array<i32>} : memref<128x128xf32, #tpu.memory_space<vmem>>, vector<1x16xf32>,
      %swap3A_261 = vector.shape_cast %swap3A_260 : vector<1x16xf32> to vector<16xf32>
      %swap3A_262 = vector.shape_cast %broadcast_in_dim3A_258 : vector<16xf32> to vector<1x16xf32>
      tpu.vector_store %arg8[%swap3A, %swap3A_259], %swap3A_262 {strides = array<i32>} : memref<128x128xf32, #tpu.memory_space<vmem>>, vector<1x16xf32>,
      %broadcast_in_dim3A_263 = arith.constant 0.000000e+00 : f32
      %broadcast_in_dim3A_264 = vector.broadcast %broadcast_in_dim3A_263 : f32 to vector<16xf32>
      %swap3A_265 = arith.index_cast %scan3A_257 : i32 to index
      %swap3A_266 = arith.constant 16 : index
      %swap3A_267 = tpu.vector_load %arg8[%swap3A_265, %swap3A_266] {strides = array<i32>} : memref<128x128xf32, #tpu.memory_space<vmem>>, vector<1x16xf32>,
      %swap3A_268 = vector.shape_cast %swap3A_267 : vector<1x16xf32> to vector<16xf32>
      %swap3A_269 = vector.shape_cast %broadcast_in_dim3A_264 : vector<16xf32> to vector<1x16xf32>
      tpu.vector_store %arg8[%swap3A_265, %swap3A_266], %swap3A_269 {strides = array<i32>} : memref<128x128xf32, #tpu.memory_space<vmem>>, vector<1x16xf32>,
      %broadcast_in_dim3A_270 = arith.constant 0.000000e+00 : f32
      %broadcast_in_dim3A_271 = vector.broadcast %broadcast_in_dim3A_270 : f32 to vector<16xf32>
      %swap3A_272 = arith.index_cast %scan3A_257 : i32 to index
      %swap3A_273 = arith.constant 32 : index
      %swap3A_274 = tpu.vector_load %arg8[%swap3A_272, %swap3A_273] {strides = array<i32>} : memref<128x128xf32, #tpu.memory_space<vmem>>, vector<1x16xf32>,
      %swap3A_275 = vector.shape_cast %swap3A_274 : vector<1x16xf32> to vector<16xf32>
      %swap3A_276 = vector.shape_cast %broadcast_in_dim3A_271 : vector<16xf32> to vector<1x16xf32>
      tpu.vector_store %arg8[%swap3A_272, %swap3A_273], %swap3A_276 {strides = array<i32>} : memref<128x128xf32, #tpu.memory_space<vmem>>, vector<1x16xf32>,
      %broadcast_in_dim3A_277 = arith.constant 0.000000e+00 : f32
      %broadcast_in_dim3A_278 = vector.broadcast %broadcast_in_dim3A_277 : f32 to vector<16xf32>
      %swap3A_279 = arith.index_cast %scan3A_257 : i32 to index
      %swap3A_280 = arith.constant 48 : index
      %swap3A_281 = tpu.vector_load %arg8[%swap3A_279, %swap3A_280] {strides = array<i32>} : memref<128x128xf32, #tpu.memory_space<vmem>>, vector<1x16xf32>,
      %swap3A_282 = vector.shape_cast %swap3A_281 : vector<1x16xf32> to vector<16xf32>
      %swap3A_283 = vector.shape_cast %broadcast_in_dim3A_278 : vector<16xf32> to vector<1x16xf32>
      tpu.vector_store %arg8[%swap3A_279, %swap3A_280], %swap3A_283 {strides = array<i32>} : memref<128x128xf32, #tpu.memory_space<vmem>>, vector<1x16xf32>,
      %broadcast_in_dim3A_284 = arith.constant 0.000000e+00 : f32
      %broadcast_in_dim3A_285 = vector.broadcast %broadcast_in_dim3A_284 : f32 to vector<16xf32>
      %swap3A_286 = arith.index_cast %scan3A_257 : i32 to index
      %swap3A_287 = arith.constant 64 : index
      %swap3A_288 = tpu.vector_load %arg8[%swap3A_286, %swap3A_287] {strides = array<i32>} : memref<128x128xf32, #tpu.memory_space<vmem>>, vector<1x16xf32>,
      %swap3A_289 = vector.shape_cast %swap3A_288 : vector<1x16xf32> to vector<16xf32>
      %swap3A_290 = vector.shape_cast %broadcast_in_dim3A_285 : vector<16xf32> to vector<1x16xf32>
      tpu.vector_store %arg8[%swap3A_286, %swap3A_287], %swap3A_290 {strides = array<i32>} : memref<128x128xf32, #tpu.memory_space<vmem>>, vector<1x16xf32>,
      %broadcast_in_dim3A_291 = arith.constant 0.000000e+00 : f32
      %broadcast_in_dim3A_292 = vector.broadcast %broadcast_in_dim3A_291 : f32 to vector<16xf32>
      %swap3A_293 = arith.index_cast %scan3A_257 : i32 to index
      %swap3A_294 = arith.constant 80 : index
      %swap3A_295 = tpu.vector_load %arg8[%swap3A_293, %swap3A_294] {strides = array<i32>} : memref<128x128xf32, #tpu.memory_space<vmem>>, vector<1x16xf32>,
      %swap3A_296 = vector.shape_cast %swap3A_295 : vector<1x16xf32> to vector<16xf32>
      %swap3A_297 = vector.shape_cast %broadcast_in_dim3A_292 : vector<16xf32> to vector<1x16xf32>
      tpu.vector_store %arg8[%swap3A_293, %swap3A_294], %swap3A_297 {strides = array<i32>} : memref<128x128xf32, #tpu.memory_space<vmem>>, vector<1x16xf32>,
      %broadcast_in_dim3A_298 = arith.constant 0.000000e+00 : f32
      %broadcast_in_dim3A_299 = vector.broadcast %broadcast_in_dim3A_298 : f32 to vector<16xf32>
      %swap3A_300 = arith.index_cast %scan3A_257 : i32 to index
      %swap3A_301 = arith.constant 96 : index
      %swap3A_302 = tpu.vector_load %arg8[%swap3A_300, %swap3A_301] {strides = array<i32>} : memref<128x128xf32, #tpu.memory_space<vmem>>, vector<1x16xf32>,
      %swap3A_303 = vector.shape_cast %swap3A_302 : vector<1x16xf32> to vector<16xf32>
      %swap3A_304 = vector.shape_cast %broadcast_in_dim3A_299 : vector<16xf32> to vector<1x16xf32>
      tpu.vector_store %arg8[%swap3A_300, %swap3A_301], %swap3A_304 {strides = array<i32>} : memref<128x128xf32, #tpu.memory_space<vmem>>, vector<1x16xf32>,
      %broadcast_in_dim3A_305 = arith.constant 0.000000e+00 : f32
      %broadcast_in_dim3A_306 = vector.broadcast %broadcast_in_dim3A_305 : f32 to vector<16xf32>
      %swap3A_307 = arith.index_cast %scan3A_257 : i32 to index
      %swap3A_308 = arith.constant 112 : index
      %swap3A_309 = tpu.vector_load %arg8[%swap3A_307, %swap3A_308] {strides = array<i32>} : memref<128x128xf32, #tpu.memory_space<vmem>>, vector<1x16xf32>,
      %swap3A_310 = vector.shape_cast %swap3A_309 : vector<1x16xf32> to vector<16xf32>
      %swap3A_311 = vector.shape_cast %broadcast_in_dim3A_306 : vector<16xf32> to vector<1x16xf32>
      tpu.vector_store %arg8[%swap3A_307, %swap3A_308], %swap3A_311 {strides = array<i32>} : memref<128x128xf32, #tpu.memory_space<vmem>>, vector<1x16xf32>,
    }
    %scan3A_13 = arith.constant 128 : i32
    %add3A_14 = arith.constant 0 : i32
    %add3A_15 = arith.addi %mul3A_2, %add3A_14 : i32
    "tpu.region"() ({
      %run_scoped3A = tpu.sem_alloc : memref<!tpu.dma_semaphore, #tpu.memory_space<semaphore_mem>>
      %dma_start3A_257 = arith.constant 0 : i32
      %dma_start3A_258 = tpu.memref_slice %arg12[%add3A_15, %dma_start3A_257] : memref<4096x128xf32, #tpu.memory_space<vmem_shared>> -> memref<128x128xf32, #tpu.memory_space<vmem_shared>>
      %dma_start3A_259 = arith.constant 0 : i32
      %dma_start3A_260 = tpu.memref_slice %arg12[%add3A_15, %dma_start3A_259] : memref<4096x128xf32, #tpu.memory_space<vmem_shared>> -> memref<128x128xf32, #tpu.memory_space<vmem_shared>>
      tpu.enqueue_dma source(%arg8 : memref<128x128xf32, #tpu.memory_space<vmem>>) target(%dma_start3A_260 : memref<128x128xf32, #tpu.memory_space<vmem_shared>>) target_semaphore(%run_scoped3A : memref<!tpu.dma_semaphore, #tpu.memory_space<semaphore_mem>>)
      %dma_wait3A_261 = arith.constant 0 : i32
      %dma_wait3A_262 = tpu.memref_slice %arg12[%add3A_15, %dma_wait3A_261] : memref<4096x128xf32, #tpu.memory_space<vmem_shared>> -> memref<128x128xf32, #tpu.memory_space<vmem_shared>>
      %dma_wait3A_263 = arith.constant 0 : i32
      %dma_wait3A_264 = tpu.memref_slice %arg12[%add3A_15, %dma_wait3A_263] : memref<4096x128xf32, #tpu.memory_space<vmem_shared>> -> memref<128x128xf32, #tpu.memory_space<vmem_shared>>
      tpu.wait_dma2 semaphore(%run_scoped3A : memref<!tpu.dma_semaphore, #tpu.memory_space<semaphore_mem>>) src(%arg8 : memref<128x128xf32, #tpu.memory_space<vmem>>) dst(%dma_wait3A_264 : memref<128x128xf32, #tpu.memory_space<vmem_shared>>)
      tpu.yield
    }) : () -> ()
    %add3A_16 = arith.constant 128 : i32
    %add3A_17 = arith.addi %mul3A_2, %add3A_16 : i32
    "tpu.region"() ({
      %run_scoped3A = tpu.sem_alloc : memref<!tpu.dma_semaphore, #tpu.memory_space<semaphore_mem>>
      %dma_start3A_257 = arith.constant 0 : i32
      %dma_start3A_258 = tpu.memref_slice %arg12[%add3A_17, %dma_start3A_257] : memref<4096x128xf32, #tpu.memory_space<vmem_shared>> -> memref<128x128xf32, #tpu.memory_space<vmem_shared>>
      %dma_start3A_259 = arith.constant 0 : i32
      %dma_start3A_260 = tpu.memref_slice %arg12[%add3A_17, %dma_start3A_259] : memref<4096x128xf32, #tpu.memory_space<vmem_shared>> -> memref<128x128xf32, #tpu.memory_space<vmem_shared>>
      tpu.enqueue_dma source(%arg8 : memref<128x128xf32, #tpu.memory_space<vmem>>) target(%dma_start3A_260 : memref<128x128xf32, #tpu.memory_space<vmem_shared>>) target_semaphore(%run_scoped3A : memref<!tpu.dma_semaphore, #tpu.memory_space<semaphore_mem>>)
      %dma_wait3A_261 = arith.constant 0 : i32
      %dma_wait3A_262 = tpu.memref_slice %arg12[%add3A_17, %dma_wait3A_261] : memref<4096x128xf32, #tpu.memory_space<vmem_shared>> -> memref<128x128xf32, #tpu.memory_space<vmem_shared>>
      %dma_wait3A_263 = arith.constant 0 : i32
      %dma_wait3A_264 = tpu.memref_slice %arg12[%add3A_17, %dma_wait3A_263] : memref<4096x128xf32, #tpu.memory_space<vmem_shared>> -> memref<128x128xf32, #tpu.memory_space<vmem_shared>>
      tpu.wait_dma2 semaphore(%run_scoped3A : memref<!tpu.dma_semaphore, #tpu.memory_space<semaphore_mem>>) src(%arg8 : memref<128x128xf32, #tpu.memory_space<vmem>>) dst(%dma_wait3A_264 : memref<128x128xf32, #tpu.memory_space<vmem_shared>>)
      tpu.yield
    }) : () -> ()
    %barrier3A = arith.constant 0 : index
    tpu.barrier barrier_id(%barrier3A)
    %dma_start3A = arith.constant 0 : i32
    %dma_start3A_18 = arith.constant 0 : i32
    %dma_start3A_19 = tpu.memref_slice %arg6[%dma_start3A, %dma_start3A_18] : memref<80x128xi32, #tpu.memory_space<vmem>> -> memref<1x128xi32, #tpu.memory_space<vmem>>
    %dma_start3A_20 = tpu.memref_squeeze %dma_start3A_19 : memref<1x128xi32, #tpu.memory_space<vmem>> -> memref<128xi32, #tpu.memory_space<vmem>>
    %dma_start3A_21 = arith.constant 0 : i32
    %dma_start3A_22 = arith.constant 0 : i32
    %dma_start3A_23 = tpu.memref_slice %arg2[%dma_start3A_21, %dma_start3A_22] : memref<10240x128xf32, #tpu.memory_space<hbm>> -> memref<10240x128xf32, #tpu.memory_space<hbm>>
    %dma_start3A_24 = arith.constant -1 : i32
    tpu.enqueue_indirect_dma source(%dma_start3A_23 : memref<10240x128xf32, #tpu.memory_space<hbm>>) target(%arg8 : memref<128x128xf32, #tpu.memory_space<vmem>>) offsets(%dma_start3A_20 : memref<128xi32, #tpu.memory_space<vmem>>) offset_filter(%dma_start3A_24) semaphore(%arg13 : memref<!tpu.dma_semaphore, #tpu.memory_space<semaphore_mem>>)
    %dma_start3A_25 = arith.constant 1 : i32
    %dma_start3A_26 = arith.constant 0 : i32
    %dma_start3A_27 = tpu.memref_slice %arg6[%dma_start3A_25, %dma_start3A_26] : memref<80x128xi32, #tpu.memory_space<vmem>> -> memref<1x128xi32, #tpu.memory_space<vmem>>
    %dma_start3A_28 = tpu.memref_squeeze %dma_start3A_27 : memref<1x128xi32, #tpu.memory_space<vmem>> -> memref<128xi32, #tpu.memory_space<vmem>>
    %dma_start3A_29 = arith.constant 0 : i32
    %dma_start3A_30 = arith.constant 0 : i32
    %dma_start3A_31 = tpu.memref_slice %arg2[%dma_start3A_29, %dma_start3A_30] : memref<10240x128xf32, #tpu.memory_space<hbm>> -> memref<10240x128xf32, #tpu.memory_space<hbm>>
    %dma_start3A_32 = arith.constant -1 : i32
    tpu.enqueue_indirect_dma source(%dma_start3A_31 : memref<10240x128xf32, #tpu.memory_space<hbm>>) target(%arg9 : memref<128x128xf32, #tpu.memory_space<vmem>>) offsets(%dma_start3A_28 : memref<128xi32, #tpu.memory_space<vmem>>) offset_filter(%dma_start3A_32) semaphore(%arg14 : memref<!tpu.dma_semaphore, #tpu.memory_space<semaphore_mem>>)
    %dma_start3A_33 = arith.constant 2 : i32
    %dma_start3A_34 = arith.constant 0 : i32
    %dma_start3A_35 = tpu.memref_slice %arg6[%dma_start3A_33, %dma_start3A_34] : memref<80x128xi32, #tpu.memory_space<vmem>> -> memref<1x128xi32, #tpu.memory_space<vmem>>
    %dma_start3A_36 = tpu.memref_squeeze %dma_start3A_35 : memref<1x128xi32, #tpu.memory_space<vmem>> -> memref<128xi32, #tpu.memory_space<vmem>>
    %dma_start3A_37 = arith.constant 0 : i32
    %dma_start3A_38 = arith.constant 0 : i32
    %dma_start3A_39 = tpu.memref_slice %arg2[%dma_start3A_37, %dma_start3A_38] : memref<10240x128xf32, #tpu.memory_space<hbm>> -> memref<10240x128xf32, #tpu.memory_space<hbm>>
    %dma_start3A_40 = arith.constant -1 : i32
    tpu.enqueue_indirect_dma source(%dma_start3A_39 : memref<10240x128xf32, #tpu.memory_space<hbm>>) target(%arg10 : memref<128x128xf32, #tpu.memory_space<vmem>>) offsets(%dma_start3A_36 : memref<128xi32, #tpu.memory_space<vmem>>) offset_filter(%dma_start3A_40) semaphore(%arg15 : memref<!tpu.dma_semaphore, #tpu.memory_space<semaphore_mem>>)
    %dma_start3A_41 = arith.constant 3 : i32
    %dma_start3A_42 = arith.constant 0 : i32
    %dma_start3A_43 = tpu.memref_slice %arg6[%dma_start3A_41, %dma_start3A_42] : memref<80x128xi32, #tpu.memory_space<vmem>> -> memref<1x128xi32, #tpu.memory_space<vmem>>
    %dma_start3A_44 = tpu.memref_squeeze %dma_start3A_43 : memref<1x128xi32, #tpu.memory_space<vmem>> -> memref<128xi32, #tpu.memory_space<vmem>>
    %dma_start3A_45 = arith.constant 0 : i32
    %dma_start3A_46 = arith.constant 0 : i32
    %dma_start3A_47 = tpu.memref_slice %arg2[%dma_start3A_45, %dma_start3A_46] : memref<10240x128xf32, #tpu.memory_space<hbm>> -> memref<10240x128xf32, #tpu.memory_space<hbm>>
    %dma_start3A_48 = arith.constant -1 : i32
    tpu.enqueue_indirect_dma source(%dma_start3A_47 : memref<10240x128xf32, #tpu.memory_space<hbm>>) target(%arg11 : memref<128x128xf32, #tpu.memory_space<vmem>>) offsets(%dma_start3A_44 : memref<128xi32, #tpu.memory_space<vmem>>) offset_filter(%dma_start3A_48) semaphore(%arg16 : memref<!tpu.dma_semaphore, #tpu.memory_space<semaphore_mem>>)
    %scan3A_49 = arith.constant 0 : i32
    %scan3A_50 = arith.constant 0 : i32
    %scan3A_51 = arith.constant 20 : i32
    %scan3A_52 = arith.addi %scan3A_50, %scan3A_51 : i32
    %scan3A_53 = arith.constant 1 : i32
    scf.for %scan3A_257 = %scan3A_50 to %scan3A_52 step %scan3A_53  : i32 {
      %mul3A_258 = arith.constant 4 : i32
      %mul3A_259 = arith.muli %mul3A_258, %scan3A_257 : i32
      %add3A_260 = arith.constant 0 : i32
      %add3A_261 = arith.addi %mul3A_259, %add3A_260 : i32
      %dma_wait3A_262 = arith.constant 0 : i32
      %dma_wait3A_263 = tpu.memref_slice %arg6[%add3A_261, %dma_wait3A_262] : memref<80x128xi32, #tpu.memory_space<vmem>> -> memref<1x128xi32, #tpu.memory_space<vmem>>
      %dma_wait3A_264 = tpu.memref_squeeze %dma_wait3A_263 : memref<1x128xi32, #tpu.memory_space<vmem>> -> memref<128xi32, #tpu.memory_space<vmem>>
      %dma_wait3A_265 = arith.constant 0 : i32
      %dma_wait3A_266 = arith.constant 0 : i32
      %dma_wait3A_267 = tpu.memref_slice %arg2[%dma_wait3A_265, %dma_wait3A_266] : memref<10240x128xf32, #tpu.memory_space<hbm>> -> memref<10240x128xf32, #tpu.memory_space<hbm>>
      tpu.wait_indirect_dma semaphore(%arg13 : memref<!tpu.dma_semaphore, #tpu.memory_space<semaphore_mem>>) src(%dma_wait3A_267 : memref<10240x128xf32, #tpu.memory_space<hbm>>) dst(%arg8 : memref<128x128xf32, #tpu.memory_space<vmem>>)
      %dma_start3A_268 = arith.constant 0 : i32
      %dma_start3A_269 = tpu.memref_slice %arg7[%add3A_261, %dma_start3A_268] : memref<80x128xi32, #tpu.memory_space<vmem>> -> memref<1x128xi32, #tpu.memory_space<vmem>>
      %dma_start3A_270 = tpu.memref_squeeze %dma_start3A_269 : memref<1x128xi32, #tpu.memory_space<vmem>> -> memref<128xi32, #tpu.memory_space<vmem>>
      %dma_start3A_271 = arith.constant 0 : i32
      %dma_start3A_272 = arith.constant 0 : i32
      %dma_start3A_273 = tpu.memref_slice %arg12[%dma_start3A_271, %dma_start3A_272] : memref<4096x128xf32, #tpu.memory_space<vmem_shared>> -> memref<4096x128xf32, #tpu.memory_space<vmem_shared>>
      %dma_start3A_274 = arith.constant -1 : i32
      tpu.enqueue_indirect_dma source(%arg8 : memref<128x128xf32, #tpu.memory_space<vmem>>) target(%dma_start3A_273 : memref<4096x128xf32, #tpu.memory_space<vmem_shared>>) offsets(%dma_start3A_270 : memref<128xi32, #tpu.memory_space<vmem>>) offset_filter(%dma_start3A_274) semaphore(%arg17 : memref<!tpu.dma_semaphore, #tpu.memory_space<semaphore_mem>>) {add = true}
      %add3A_275 = arith.constant 1 : i32
      %add3A_276 = arith.addi %mul3A_259, %add3A_275 : i32
      %dma_wait3A_277 = arith.constant 0 : i32
      %dma_wait3A_278 = tpu.memref_slice %arg6[%add3A_276, %dma_wait3A_277] : memref<80x128xi32, #tpu.memory_space<vmem>> -> memref<1x128xi32, #tpu.memory_space<vmem>>
      %dma_wait3A_279 = tpu.memref_squeeze %dma_wait3A_278 : memref<1x128xi32, #tpu.memory_space<vmem>> -> memref<128xi32, #tpu.memory_space<vmem>>
      %dma_wait3A_280 = arith.constant 0 : i32
      %dma_wait3A_281 = arith.constant 0 : i32
      %dma_wait3A_282 = tpu.memref_slice %arg2[%dma_wait3A_280, %dma_wait3A_281] : memref<10240x128xf32, #tpu.memory_space<hbm>> -> memref<10240x128xf32, #tpu.memory_space<hbm>>
      tpu.wait_indirect_dma semaphore(%arg14 : memref<!tpu.dma_semaphore, #tpu.memory_space<semaphore_mem>>) src(%dma_wait3A_282 : memref<10240x128xf32, #tpu.memory_space<hbm>>) dst(%arg9 : memref<128x128xf32, #tpu.memory_space<vmem>>)
      %dma_start3A_283 = arith.constant 0 : i32
      %dma_start3A_284 = tpu.memref_slice %arg7[%add3A_276, %dma_start3A_283] : memref<80x128xi32, #tpu.memory_space<vmem>> -> memref<1x128xi32, #tpu.memory_space<vmem>>
      %dma_start3A_285 = tpu.memref_squeeze %dma_start3A_284 : memref<1x128xi32, #tpu.memory_space<vmem>> -> memref<128xi32, #tpu.memory_space<vmem>>
      %dma_start3A_286 = arith.constant 0 : i32
      %dma_start3A_287 = arith.constant 0 : i32
      %dma_start3A_288 = tpu.memref_slice %arg12[%dma_start3A_286, %dma_start3A_287] : memref<4096x128xf32, #tpu.memory_space<vmem_shared>> -> memref<4096x128xf32, #tpu.memory_space<vmem_shared>>
      %dma_start3A_289 = arith.constant -1 : i32
      tpu.enqueue_indirect_dma source(%arg9 : memref<128x128xf32, #tpu.memory_space<vmem>>) target(%dma_start3A_288 : memref<4096x128xf32, #tpu.memory_space<vmem_shared>>) offsets(%dma_start3A_285 : memref<128xi32, #tpu.memory_space<vmem>>) offset_filter(%dma_start3A_289) semaphore(%arg18 : memref<!tpu.dma_semaphore, #tpu.memory_space<semaphore_mem>>) {add = true}
      %add3A_290 = arith.constant 2 : i32
      %add3A_291 = arith.addi %mul3A_259, %add3A_290 : i32
      %dma_wait3A_292 = arith.constant 0 : i32
      %dma_wait3A_293 = tpu.memref_slice %arg6[%add3A_291, %dma_wait3A_292] : memref<80x128xi32, #tpu.memory_space<vmem>> -> memref<1x128xi32, #tpu.memory_space<vmem>>
      %dma_wait3A_294 = tpu.memref_squeeze %dma_wait3A_293 : memref<1x128xi32, #tpu.memory_space<vmem>> -> memref<128xi32, #tpu.memory_space<vmem>>
      %dma_wait3A_295 = arith.constant 0 : i32
      %dma_wait3A_296 = arith.constant 0 : i32
      %dma_wait3A_297 = tpu.memref_slice %arg2[%dma_wait3A_295, %dma_wait3A_296] : memref<10240x128xf32, #tpu.memory_space<hbm>> -> memref<10240x128xf32, #tpu.memory_space<hbm>>
      tpu.wait_indirect_dma semaphore(%arg15 : memref<!tpu.dma_semaphore, #tpu.memory_space<semaphore_mem>>) src(%dma_wait3A_297 : memref<10240x128xf32, #tpu.memory_space<hbm>>) dst(%arg10 : memref<128x128xf32, #tpu.memory_space<vmem>>)
      %dma_start3A_298 = arith.constant 0 : i32
      %dma_start3A_299 = tpu.memref_slice %arg7[%add3A_291, %dma_start3A_298] : memref<80x128xi32, #tpu.memory_space<vmem>> -> memref<1x128xi32, #tpu.memory_space<vmem>>
      %dma_start3A_300 = tpu.memref_squeeze %dma_start3A_299 : memref<1x128xi32, #tpu.memory_space<vmem>> -> memref<128xi32, #tpu.memory_space<vmem>>
      %dma_start3A_301 = arith.constant 0 : i32
      %dma_start3A_302 = arith.constant 0 : i32
      %dma_start3A_303 = tpu.memref_slice %arg12[%dma_start3A_301, %dma_start3A_302] : memref<4096x128xf32, #tpu.memory_space<vmem_shared>> -> memref<4096x128xf32, #tpu.memory_space<vmem_shared>>
      %dma_start3A_304 = arith.constant -1 : i32
      tpu.enqueue_indirect_dma source(%arg10 : memref<128x128xf32, #tpu.memory_space<vmem>>) target(%dma_start3A_303 : memref<4096x128xf32, #tpu.memory_space<vmem_shared>>) offsets(%dma_start3A_300 : memref<128xi32, #tpu.memory_space<vmem>>) offset_filter(%dma_start3A_304) semaphore(%arg19 : memref<!tpu.dma_semaphore, #tpu.memory_space<semaphore_mem>>) {add = true}
      %add3A_305 = arith.constant 3 : i32
      %add3A_306 = arith.addi %mul3A_259, %add3A_305 : i32
      %dma_wait3A_307 = arith.constant 0 : i32
      %dma_wait3A_308 = tpu.memref_slice %arg6[%add3A_306, %dma_wait3A_307] : memref<80x128xi32, #tpu.memory_space<vmem>> -> memref<1x128xi32, #tpu.memory_space<vmem>>
      %dma_wait3A_309 = tpu.memref_squeeze %dma_wait3A_308 : memref<1x128xi32, #tpu.memory_space<vmem>> -> memref<128xi32, #tpu.memory_space<vmem>>
      %dma_wait3A_310 = arith.constant 0 : i32
      %dma_wait3A_311 = arith.constant 0 : i32
      %dma_wait3A_312 = tpu.memref_slice %arg2[%dma_wait3A_310, %dma_wait3A_311] : memref<10240x128xf32, #tpu.memory_space<hbm>> -> memref<10240x128xf32, #tpu.memory_space<hbm>>
      tpu.wait_indirect_dma semaphore(%arg16 : memref<!tpu.dma_semaphore, #tpu.memory_space<semaphore_mem>>) src(%dma_wait3A_312 : memref<10240x128xf32, #tpu.memory_space<hbm>>) dst(%arg11 : memref<128x128xf32, #tpu.memory_space<vmem>>)
      %dma_start3A_313 = arith.constant 0 : i32
      %dma_start3A_314 = tpu.memref_slice %arg7[%add3A_306, %dma_start3A_313] : memref<80x128xi32, #tpu.memory_space<vmem>> -> memref<1x128xi32, #tpu.memory_space<vmem>>
      %dma_start3A_315 = tpu.memref_squeeze %dma_start3A_314 : memref<1x128xi32, #tpu.memory_space<vmem>> -> memref<128xi32, #tpu.memory_space<vmem>>
      %dma_start3A_316 = arith.constant 0 : i32
      %dma_start3A_317 = arith.constant 0 : i32
      %dma_start3A_318 = tpu.memref_slice %arg12[%dma_start3A_316, %dma_start3A_317] : memref<4096x128xf32, #tpu.memory_space<vmem_shared>> -> memref<4096x128xf32, #tpu.memory_space<vmem_shared>>
      %dma_start3A_319 = arith.constant -1 : i32
      tpu.enqueue_indirect_dma source(%arg11 : memref<128x128xf32, #tpu.memory_space<vmem>>) target(%dma_start3A_318 : memref<4096x128xf32, #tpu.memory_space<vmem_shared>>) offsets(%dma_start3A_315 : memref<128xi32, #tpu.memory_space<vmem>>) offset_filter(%dma_start3A_319) semaphore(%arg20 : memref<!tpu.dma_semaphore, #tpu.memory_space<semaphore_mem>>) {add = true}
      %add3A_320 = arith.constant 0 : i32
      %add3A_321 = arith.addi %mul3A_259, %add3A_320 : i32
      %dma_wait3A_322 = arith.constant 0 : i32
      %dma_wait3A_323 = tpu.memref_slice %arg7[%add3A_321, %dma_wait3A_322] : memref<80x128xi32, #tpu.memory_space<vmem>> -> memref<1x128xi32, #tpu.memory_space<vmem>>
      %dma_wait3A_324 = tpu.memref_squeeze %dma_wait3A_323 : memref<1x128xi32, #tpu.memory_space<vmem>> -> memref<128xi32, #tpu.memory_space<vmem>>
      %dma_wait3A_325 = arith.constant 0 : i32
      %dma_wait3A_326 = arith.constant 0 : i32
      %dma_wait3A_327 = tpu.memref_slice %arg12[%dma_wait3A_325, %dma_wait3A_326] : memref<4096x128xf32, #tpu.memory_space<vmem_shared>> -> memref<4096x128xf32, #tpu.memory_space<vmem_shared>>
      tpu.wait_indirect_dma semaphore(%arg17 : memref<!tpu.dma_semaphore, #tpu.memory_space<semaphore_mem>>) src(%arg8 : memref<128x128xf32, #tpu.memory_space<vmem>>) dst(%dma_wait3A_327 : memref<4096x128xf32, #tpu.memory_space<vmem_shared>>)
      %add3A_328 = arith.constant 4 : i32
      %add3A_329 = arith.addi %add3A_321, %add3A_328 : i32
      %ge3A = arith.constant 80 : i32
      %ge3A_330 = arith.cmpi sge, %add3A_329, %ge3A : i32
      %add3A_331 = arith.constant 4 : i32
      %add3A_332 = arith.addi %add3A_321, %add3A_331 : i32
      %jit3A = arith.constant 0 : i32
      %select_n3A = arith.select %ge3A_330, %jit3A, %add3A_332 : i32
      %dma_start3A_333 = arith.constant 0 : i32
      %dma_start3A_334 = tpu.memref_slice %arg6[%select_n3A, %dma_start3A_333] : memref<80x128xi32, #tpu.memory_space<vmem>> -> memref<1x128xi32, #tpu.memory_space<vmem>>
      %dma_start3A_335 = tpu.memref_squeeze %dma_start3A_334 : memref<1x128xi32, #tpu.memory_space<vmem>> -> memref<128xi32, #tpu.memory_space<vmem>>
      %dma_start3A_336 = arith.constant 0 : i32
      %dma_start3A_337 = arith.constant 0 : i32
      %dma_start3A_338 = tpu.memref_slice %arg2[%dma_start3A_336, %dma_start3A_337] : memref<10240x128xf32, #tpu.memory_space<hbm>> -> memref<10240x128xf32, #tpu.memory_space<hbm>>
      %dma_start3A_339 = arith.constant -1 : i32
      tpu.enqueue_indirect_dma source(%dma_start3A_338 : memref<10240x128xf32, #tpu.memory_space<hbm>>) target(%arg8 : memref<128x128xf32, #tpu.memory_space<vmem>>) offsets(%dma_start3A_335 : memref<128xi32, #tpu.memory_space<vmem>>) offset_filter(%dma_start3A_339) semaphore(%arg13 : memref<!tpu.dma_semaphore, #tpu.memory_space<semaphore_mem>>)
      %add3A_340 = arith.constant 1 : i32
      %add3A_341 = arith.addi %mul3A_259, %add3A_340 : i32
      %dma_wait3A_342 = arith.constant 0 : i32
      %dma_wait3A_343 = tpu.memref_slice %arg7[%add3A_341, %dma_wait3A_342] : memref<80x128xi32, #tpu.memory_space<vmem>> -> memref<1x128xi32, #tpu.memory_space<vmem>>
      %dma_wait3A_344 = tpu.memref_squeeze %dma_wait3A_343 : memref<1x128xi32, #tpu.memory_space<vmem>> -> memref<128xi32, #tpu.memory_space<vmem>>
      %dma_wait3A_345 = arith.constant 0 : i32
      %dma_wait3A_346 = arith.constant 0 : i32
      %dma_wait3A_347 = tpu.memref_slice %arg12[%dma_wait3A_345, %dma_wait3A_346] : memref<4096x128xf32, #tpu.memory_space<vmem_shared>> -> memref<4096x128xf32, #tpu.memory_space<vmem_shared>>
      tpu.wait_indirect_dma semaphore(%arg18 : memref<!tpu.dma_semaphore, #tpu.memory_space<semaphore_mem>>) src(%arg9 : memref<128x128xf32, #tpu.memory_space<vmem>>) dst(%dma_wait3A_347 : memref<4096x128xf32, #tpu.memory_space<vmem_shared>>)
      %add3A_348 = arith.constant 4 : i32
      %add3A_349 = arith.addi %add3A_341, %add3A_348 : i32
      %ge3A_350 = arith.constant 80 : i32
      %ge3A_351 = arith.cmpi sge, %add3A_349, %ge3A_350 : i32
      %add3A_352 = arith.constant 4 : i32
      %add3A_353 = arith.addi %add3A_341, %add3A_352 : i32
      %jit3A_354 = arith.constant 1 : i32
      %select_n3A_355 = arith.select %ge3A_351, %jit3A_354, %add3A_353 : i32
      %dma_start3A_356 = arith.constant 0 : i32
      %dma_start3A_357 = tpu.memref_slice %arg6[%select_n3A_355, %dma_start3A_356] : memref<80x128xi32, #tpu.memory_space<vmem>> -> memref<1x128xi32, #tpu.memory_space<vmem>>
      %dma_start3A_358 = tpu.memref_squeeze %dma_start3A_357 : memref<1x128xi32, #tpu.memory_space<vmem>> -> memref<128xi32, #tpu.memory_space<vmem>>
      %dma_start3A_359 = arith.constant 0 : i32
      %dma_start3A_360 = arith.constant 0 : i32
      %dma_start3A_361 = tpu.memref_slice %arg2[%dma_start3A_359, %dma_start3A_360] : memref<10240x128xf32, #tpu.memory_space<hbm>> -> memref<10240x128xf32, #tpu.memory_space<hbm>>
      %dma_start3A_362 = arith.constant -1 : i32
      tpu.enqueue_indirect_dma source(%dma_start3A_361 : memref<10240x128xf32, #tpu.memory_space<hbm>>) target(%arg9 : memref<128x128xf32, #tpu.memory_space<vmem>>) offsets(%dma_start3A_358 : memref<128xi32, #tpu.memory_space<vmem>>) offset_filter(%dma_start3A_362) semaphore(%arg14 : memref<!tpu.dma_semaphore, #tpu.memory_space<semaphore_mem>>)
      %add3A_363 = arith.constant 2 : i32
      %add3A_364 = arith.addi %mul3A_259, %add3A_363 : i32
      %dma_wait3A_365 = arith.constant 0 : i32
      %dma_wait3A_366 = tpu.memref_slice %arg7[%add3A_364, %dma_wait3A_365] : memref<80x128xi32, #tpu.memory_space<vmem>> -> memref<1x128xi32, #tpu.memory_space<vmem>>
      %dma_wait3A_367 = tpu.memref_squeeze %dma_wait3A_366 : memref<1x128xi32, #tpu.memory_space<vmem>> -> memref<128xi32, #tpu.memory_space<vmem>>
      %dma_wait3A_368 = arith.constant 0 : i32
      %dma_wait3A_369 = arith.constant 0 : i32
      %dma_wait3A_370 = tpu.memref_slice %arg12[%dma_wait3A_368, %dma_wait3A_369] : memref<4096x128xf32, #tpu.memory_space<vmem_shared>> -> memref<4096x128xf32, #tpu.memory_space<vmem_shared>>
      tpu.wait_indirect_dma semaphore(%arg19 : memref<!tpu.dma_semaphore, #tpu.memory_space<semaphore_mem>>) src(%arg10 : memref<128x128xf32, #tpu.memory_space<vmem>>) dst(%dma_wait3A_370 : memref<4096x128xf32, #tpu.memory_space<vmem_shared>>)
      %add3A_371 = arith.constant 4 : i32
      %add3A_372 = arith.addi %add3A_364, %add3A_371 : i32
      %ge3A_373 = arith.constant 80 : i32
      %ge3A_374 = arith.cmpi sge, %add3A_372, %ge3A_373 : i32
      %add3A_375 = arith.constant 4 : i32
      %add3A_376 = arith.addi %add3A_364, %add3A_375 : i32
      %jit3A_377 = arith.constant 2 : i32
      %select_n3A_378 = arith.select %ge3A_374, %jit3A_377, %add3A_376 : i32
      %dma_start3A_379 = arith.constant 0 : i32
      %dma_start3A_380 = tpu.memref_slice %arg6[%select_n3A_378, %dma_start3A_379] : memref<80x128xi32, #tpu.memory_space<vmem>> -> memref<1x128xi32, #tpu.memory_space<vmem>>
      %dma_start3A_381 = tpu.memref_squeeze %dma_start3A_380 : memref<1x128xi32, #tpu.memory_space<vmem>> -> memref<128xi32, #tpu.memory_space<vmem>>
      %dma_start3A_382 = arith.constant 0 : i32
      %dma_start3A_383 = arith.constant 0 : i32
      %dma_start3A_384 = tpu.memref_slice %arg2[%dma_start3A_382, %dma_start3A_383] : memref<10240x128xf32, #tpu.memory_space<hbm>> -> memref<10240x128xf32, #tpu.memory_space<hbm>>
      %dma_start3A_385 = arith.constant -1 : i32
      tpu.enqueue_indirect_dma source(%dma_start3A_384 : memref<10240x128xf32, #tpu.memory_space<hbm>>) target(%arg10 : memref<128x128xf32, #tpu.memory_space<vmem>>) offsets(%dma_start3A_381 : memref<128xi32, #tpu.memory_space<vmem>>) offset_filter(%dma_start3A_385) semaphore(%arg15 : memref<!tpu.dma_semaphore, #tpu.memory_space<semaphore_mem>>)
      %add3A_386 = arith.constant 3 : i32
      %add3A_387 = arith.addi %mul3A_259, %add3A_386 : i32
      %dma_wait3A_388 = arith.constant 0 : i32
      %dma_wait3A_389 = tpu.memref_slice %arg7[%add3A_387, %dma_wait3A_388] : memref<80x128xi32, #tpu.memory_space<vmem>> -> memref<1x128xi32, #tpu.memory_space<vmem>>
      %dma_wait3A_390 = tpu.memref_squeeze %dma_wait3A_389 : memref<1x128xi32, #tpu.memory_space<vmem>> -> memref<128xi32, #tpu.memory_space<vmem>>
      %dma_wait3A_391 = arith.constant 0 : i32
      %dma_wait3A_392 = arith.constant 0 : i32
      %dma_wait3A_393 = tpu.memref_slice %arg12[%dma_wait3A_391, %dma_wait3A_392] : memref<4096x128xf32, #tpu.memory_space<vmem_shared>> -> memref<4096x128xf32, #tpu.memory_space<vmem_shared>>
      tpu.wait_indirect_dma semaphore(%arg20 : memref<!tpu.dma_semaphore, #tpu.memory_space<semaphore_mem>>) src(%arg11 : memref<128x128xf32, #tpu.memory_space<vmem>>) dst(%dma_wait3A_393 : memref<4096x128xf32, #tpu.memory_space<vmem_shared>>)
      %add3A_394 = arith.constant 4 : i32
      %add3A_395 = arith.addi %add3A_387, %add3A_394 : i32
      %ge3A_396 = arith.constant 80 : i32
      %ge3A_397 = arith.cmpi sge, %add3A_395, %ge3A_396 : i32
      %add3A_398 = arith.constant 4 : i32
      %add3A_399 = arith.addi %add3A_387, %add3A_398 : i32
      %jit3A_400 = arith.constant 3 : i32
      %select_n3A_401 = arith.select %ge3A_397, %jit3A_400, %add3A_399 : i32
      %dma_start3A_402 = arith.constant 0 : i32
      %dma_start3A_403 = tpu.memref_slice %arg6[%select_n3A_401, %dma_start3A_402] : memref<80x128xi32, #tpu.memory_space<vmem>> -> memref<1x128xi32, #tpu.memory_space<vmem>>
      %dma_start3A_404 = tpu.memref_squeeze %dma_start3A_403 : memref<1x128xi32, #tpu.memory_space<vmem>> -> memref<128xi32, #tpu.memory_space<vmem>>
      %dma_start3A_405 = arith.constant 0 : i32
      %dma_start3A_406 = arith.constant 0 : i32
      %dma_start3A_407 = tpu.memref_slice %arg2[%dma_start3A_405, %dma_start3A_406] : memref<10240x128xf32, #tpu.memory_space<hbm>> -> memref<10240x128xf32, #tpu.memory_space<hbm>>
      %dma_start3A_408 = arith.constant -1 : i32
      tpu.enqueue_indirect_dma source(%dma_start3A_407 : memref<10240x128xf32, #tpu.memory_space<hbm>>) target(%arg11 : memref<128x128xf32, #tpu.memory_space<vmem>>) offsets(%dma_start3A_404 : memref<128xi32, #tpu.memory_space<vmem>>) offset_filter(%dma_start3A_408) semaphore(%arg16 : memref<!tpu.dma_semaphore, #tpu.memory_space<semaphore_mem>>)
    }
    %scan3A_54 = arith.constant 20 : i32
    %dma_wait3A = arith.constant 0 : i32
    %dma_wait3A_55 = arith.constant 0 : i32
    %dma_wait3A_56 = tpu.memref_slice %arg6[%dma_wait3A, %dma_wait3A_55] : memref<80x128xi32, #tpu.memory_space<vmem>> -> memref<1x128xi32, #tpu.memory_space<vmem>>
    %dma_wait3A_57 = tpu.memref_squeeze %dma_wait3A_56 : memref<1x128xi32, #tpu.memory_space<vmem>> -> memref<128xi32, #tpu.memory_space<vmem>>
    %dma_wait3A_58 = arith.constant 0 : i32
    %dma_wait3A_59 = arith.constant 0 : i32
    %dma_wait3A_60 = tpu.memref_slice %arg2[%dma_wait3A_58, %dma_wait3A_59] : memref<10240x128xf32, #tpu.memory_space<hbm>> -> memref<10240x128xf32, #tpu.memory_space<hbm>>
    tpu.wait_indirect_dma semaphore(%arg13 : memref<!tpu.dma_semaphore, #tpu.memory_space<semaphore_mem>>) src(%dma_wait3A_60 : memref<10240x128xf32, #tpu.memory_space<hbm>>) dst(%arg8 : memref<128x128xf32, #tpu.memory_space<vmem>>)
    %dma_wait3A_61 = arith.constant 1 : i32
    %dma_wait3A_62 = arith.constant 0 : i32
    %dma_wait3A_63 = tpu.memref_slice %arg6[%dma_wait3A_61, %dma_wait3A_62] : memref<80x128xi32, #tpu.memory_space<vmem>> -> memref<1x128xi32, #tpu.memory_space<vmem>>
    %dma_wait3A_64 = tpu.memref_squeeze %dma_wait3A_63 : memref<1x128xi32, #tpu.memory_space<vmem>> -> memref<128xi32, #tpu.memory_space<vmem>>
    %dma_wait3A_65 = arith.constant 0 : i32
    %dma_wait3A_66 = arith.constant 0 : i32
    %dma_wait3A_67 = tpu.memref_slice %arg2[%dma_wait3A_65, %dma_wait3A_66] : memref<10240x128xf32, #tpu.memory_space<hbm>> -> memref<10240x128xf32, #tpu.memory_space<hbm>>
    tpu.wait_indirect_dma semaphore(%arg14 : memref<!tpu.dma_semaphore, #tpu.memory_space<semaphore_mem>>) src(%dma_wait3A_67 : memref<10240x128xf32, #tpu.memory_space<hbm>>) dst(%arg9 : memref<128x128xf32, #tpu.memory_space<vmem>>)
    %dma_wait3A_68 = arith.constant 2 : i32
    %dma_wait3A_69 = arith.constant 0 : i32
    %dma_wait3A_70 = tpu.memref_slice %arg6[%dma_wait3A_68, %dma_wait3A_69] : memref<80x128xi32, #tpu.memory_space<vmem>> -> memref<1x128xi32, #tpu.memory_space<vmem>>
    %dma_wait3A_71 = tpu.memref_squeeze %dma_wait3A_70 : memref<1x128xi32, #tpu.memory_space<vmem>> -> memref<128xi32, #tpu.memory_space<vmem>>
    %dma_wait3A_72 = arith.constant 0 : i32
    %dma_wait3A_73 = arith.constant 0 : i32
    %dma_wait3A_74 = tpu.memref_slice %arg2[%dma_wait3A_72, %dma_wait3A_73] : memref<10240x128xf32, #tpu.memory_space<hbm>> -> memref<10240x128xf32, #tpu.memory_space<hbm>>
    tpu.wait_indirect_dma semaphore(%arg15 : memref<!tpu.dma_semaphore, #tpu.memory_space<semaphore_mem>>) src(%dma_wait3A_74 : memref<10240x128xf32, #tpu.memory_space<hbm>>) dst(%arg10 : memref<128x128xf32, #tpu.memory_space<vmem>>)
    %dma_wait3A_75 = arith.constant 3 : i32
    %dma_wait3A_76 = arith.constant 0 : i32
    %dma_wait3A_77 = tpu.memref_slice %arg6[%dma_wait3A_75, %dma_wait3A_76] : memref<80x128xi32, #tpu.memory_space<vmem>> -> memref<1x128xi32, #tpu.memory_space<vmem>>
    %dma_wait3A_78 = tpu.memref_squeeze %dma_wait3A_77 : memref<1x128xi32, #tpu.memory_space<vmem>> -> memref<128xi32, #tpu.memory_space<vmem>>
    %dma_wait3A_79 = arith.constant 0 : i32
    %dma_wait3A_80 = arith.constant 0 : i32
    %dma_wait3A_81 = tpu.memref_slice %arg2[%dma_wait3A_79, %dma_wait3A_80] : memref<10240x128xf32, #tpu.memory_space<hbm>> -> memref<10240x128xf32, #tpu.memory_space<hbm>>
    tpu.wait_indirect_dma semaphore(%arg16 : memref<!tpu.dma_semaphore, #tpu.memory_space<semaphore_mem>>) src(%dma_wait3A_81 : memref<10240x128xf32, #tpu.memory_space<hbm>>) dst(%arg11 : memref<128x128xf32, #tpu.memory_space<vmem>>)
    %barrier3A_82 = arith.constant 0 : index
    tpu.barrier barrier_id(%barrier3A_82)
    %add3A_83 = arith.constant 0 : i32
    %add3A_84 = arith.addi %add3A_83, %mul3A_2 : i32
    "tpu.region"() ({
      %run_scoped3A = tpu.sem_alloc : memref<!tpu.dma_semaphore, #tpu.memory_space<semaphore_mem>>
      %dma_start3A_257 = arith.constant 0 : i32
      %dma_start3A_258 = tpu.memref_slice %arg4[%arg0, %add3A_84, %dma_start3A_257] : memref<2x12288x128xf32, #tpu.memory_space<hbm>> -> memref<1x256x128xf32, #tpu.memory_space<hbm>>
      %dma_start3A_259 = tpu.memref_squeeze %dma_start3A_258 : memref<1x256x128xf32, #tpu.memory_space<hbm>> -> memref<256x128xf32, #tpu.memory_space<hbm>>
      %dma_start3A_260 = arith.constant 0 : i32
      %dma_start3A_261 = tpu.memref_slice %arg12[%mul3A_2, %dma_start3A_260] : memref<4096x128xf32, #tpu.memory_space<vmem_shared>> -> memref<256x128xf32, #tpu.memory_space<vmem_shared>>
      tpu.enqueue_dma source(%dma_start3A_261 : memref<256x128xf32, #tpu.memory_space<vmem_shared>>) target(%dma_start3A_259 : memref<256x128xf32, #tpu.memory_space<hbm>>) target_semaphore(%run_scoped3A : memref<!tpu.dma_semaphore, #tpu.memory_space<semaphore_mem>>)
      %dma_wait3A_262 = arith.constant 0 : i32
      %dma_wait3A_263 = tpu.memref_slice %arg4[%arg0, %add3A_84, %dma_wait3A_262] : memref<2x12288x128xf32, #tpu.memory_space<hbm>> -> memref<1x256x128xf32, #tpu.memory_space<hbm>>
      %dma_wait3A_264 = tpu.memref_squeeze %dma_wait3A_263 : memref<1x256x128xf32, #tpu.memory_space<hbm>> -> memref<256x128xf32, #tpu.memory_space<hbm>>
      %dma_wait3A_265 = arith.constant 0 : i32
      %dma_wait3A_266 = tpu.memref_slice %arg12[%mul3A_2, %dma_wait3A_265] : memref<4096x128xf32, #tpu.memory_space<vmem_shared>> -> memref<256x128xf32, #tpu.memory_space<vmem_shared>>
      tpu.wait_dma2 semaphore(%run_scoped3A : memref<!tpu.dma_semaphore, #tpu.memory_space<semaphore_mem>>) src(%dma_wait3A_266 : memref<256x128xf32, #tpu.memory_space<vmem_shared>>) dst(%dma_wait3A_264 : memref<256x128xf32, #tpu.memory_space<hbm>>)
      tpu.yield
    }) : () -> ()
    %scan3A_85 = arith.constant 0 : i32
    %scan3A_86 = arith.constant 0 : i32
    %scan3A_87 = arith.constant 80 : i32
    %scan3A_88 = arith.addi %scan3A_86, %scan3A_87 : i32
    %scan3A_89 = arith.constant 1 : i32
    scf.for %scan3A_257 = %scan3A_86 to %scan3A_88 step %scan3A_89  : i32 {
      %get3A = arith.index_cast %scan3A_257 : i32 to index
      %get3A_258 = arith.constant 0 : index
      %get3A_259 = tpu.vector_load %arg5[%get3A, %get3A_258] {strides = array<i32>} : memref<80x128xi32, #tpu.memory_space<vmem>>, vector<1x16xi32>,
      %get3A_260 = vector.shape_cast %get3A_259 : vector<1x16xi32> to vector<16xi32>
      %shift_right_arithmetic3A = arith.constant 14 : i32
      %shift_right_arithmetic3A_261 = vector.broadcast %shift_right_arithmetic3A : i32 to vector<16xi32>
      %shift_right_arithmetic3A_262 = arith.shrsi %get3A_260, %shift_right_arithmetic3A_261 : vector<16xi32>
      %and3A = arith.constant 16383 : i32
      %and3A_263 = vector.broadcast %and3A : i32 to vector<16xi32>
      %and3A_264 = arith.andi %get3A_260, %and3A_263 : vector<16xi32>
      %sub3A = arith.constant 4096 : i32
      %sub3A_265 = vector.broadcast %sub3A : i32 to vector<16xi32>
      %sub3A_266 = arith.subi %and3A_264, %sub3A_265 : vector<16xi32>
      %ge3A = arith.constant 0 : i32
      %ge3A_267 = vector.broadcast %ge3A : i32 to vector<16xi32>
      %ge3A_268 = arith.cmpi sge, %sub3A_266, %ge3A_267 : vector<16xi32>
      %lt3A = arith.constant 4096 : i32
      %lt3A_269 = vector.broadcast %lt3A : i32 to vector<16xi32>
      %lt3A_270 = arith.cmpi slt, %sub3A_266, %lt3A_269 : vector<16xi32>
      %and3A_271 = arith.andi %ge3A_268, %lt3A_270 : vector<16xi1>
      %jit3A = arith.constant -1 : i32
      %broadcast_in_dim3A = vector.broadcast %jit3A : i32 to vector<16xi32>
      %select_n3A = arith.select %and3A_271, %shift_right_arithmetic3A_262, %broadcast_in_dim3A : vector<16xi1>, vector<16xi32>
      %swap3A = arith.index_cast %scan3A_257 : i32 to index
      %swap3A_272 = arith.constant 0 : index
      %swap3A_273 = tpu.vector_load %arg6[%swap3A, %swap3A_272] {strides = array<i32>} : memref<80x128xi32, #tpu.memory_space<vmem>>, vector<1x16xi32>,
      %swap3A_274 = vector.shape_cast %swap3A_273 : vector<1x16xi32> to vector<16xi32>
      %swap3A_275 = vector.shape_cast %select_n3A : vector<16xi32> to vector<1x16xi32>
      tpu.vector_store %arg6[%swap3A, %swap3A_272], %swap3A_275 {strides = array<i32>} : memref<80x128xi32, #tpu.memory_space<vmem>>, vector<1x16xi32>,
      %jit3A_276 = arith.constant -1 : i32
      %broadcast_in_dim3A_277 = vector.broadcast %jit3A_276 : i32 to vector<16xi32>
      %select_n3A_278 = arith.select %and3A_271, %sub3A_266, %broadcast_in_dim3A_277 : vector<16xi1>, vector<16xi32>
      %swap3A_279 = arith.index_cast %scan3A_257 : i32 to index
      %swap3A_280 = arith.constant 0 : index
      %swap3A_281 = tpu.vector_load %arg7[%swap3A_279, %swap3A_280] {strides = array<i32>} : memref<80x128xi32, #tpu.memory_space<vmem>>, vector<1x16xi32>,
      %swap3A_282 = vector.shape_cast %swap3A_281 : vector<1x16xi32> to vector<16xi32>
      %swap3A_283 = vector.shape_cast %select_n3A_278 : vector<16xi32> to vector<1x16xi32>
      tpu.vector_store %arg7[%swap3A_279, %swap3A_280], %swap3A_283 {strides = array<i32>} : memref<80x128xi32, #tpu.memory_space<vmem>>, vector<1x16xi32>,
      %get3A_284 = arith.index_cast %scan3A_257 : i32 to index
      %get3A_285 = arith.constant 16 : index
      %get3A_286 = tpu.vector_load %arg5[%get3A_284, %get3A_285] {strides = array<i32>} : memref<80x128xi32, #tpu.memory_space<vmem>>, vector<1x16xi32>,
      %get3A_287 = vector.shape_cast %get3A_286 : vector<1x16xi32> to vector<16xi32>
      %shift_right_arithmetic3A_288 = arith.constant 14 : i32
      %shift_right_arithmetic3A_289 = vector.broadcast %shift_right_arithmetic3A_288 : i32 to vector<16xi32>
      %shift_right_arithmetic3A_290 = arith.shrsi %get3A_287, %shift_right_arithmetic3A_289 : vector<16xi32>
      %and3A_291 = arith.constant 16383 : i32
      %and3A_292 = vector.broadcast %and3A_291 : i32 to vector<16xi32>
      %and3A_293 = arith.andi %get3A_287, %and3A_292 : vector<16xi32>
      %sub3A_294 = arith.constant 4096 : i32
      %sub3A_295 = vector.broadcast %sub3A_294 : i32 to vector<16xi32>
      %sub3A_296 = arith.subi %and3A_293, %sub3A_295 : vector<16xi32>
      %ge3A_297 = arith.constant 0 : i32
      %ge3A_298 = vector.broadcast %ge3A_297 : i32 to vector<16xi32>
      %ge3A_299 = arith.cmpi sge, %sub3A_296, %ge3A_298 : vector<16xi32>
      %lt3A_300 = arith.constant 4096 : i32
      %lt3A_301 = vector.broadcast %lt3A_300 : i32 to vector<16xi32>
      %lt3A_302 = arith.cmpi slt, %sub3A_296, %lt3A_301 : vector<16xi32>
      %and3A_303 = arith.andi %ge3A_299, %lt3A_302 : vector<16xi1>
      %jit3A_304 = arith.constant -1 : i32
      %broadcast_in_dim3A_305 = vector.broadcast %jit3A_304 : i32 to vector<16xi32>
      %select_n3A_306 = arith.select %and3A_303, %shift_right_arithmetic3A_290, %broadcast_in_dim3A_305 : vector<16xi1>, vector<16xi32>
      %swap3A_307 = arith.index_cast %scan3A_257 : i32 to index
      %swap3A_308 = arith.constant 16 : index
      %swap3A_309 = tpu.vector_load %arg6[%swap3A_307, %swap3A_308] {strides = array<i32>} : memref<80x128xi32, #tpu.memory_space<vmem>>, vector<1x16xi32>,
      %swap3A_310 = vector.shape_cast %swap3A_309 : vector<1x16xi32> to vector<16xi32>
      %swap3A_311 = vector.shape_cast %select_n3A_306 : vector<16xi32> to vector<1x16xi32>
      tpu.vector_store %arg6[%swap3A_307, %swap3A_308], %swap3A_311 {strides = array<i32>} : memref<80x128xi32, #tpu.memory_space<vmem>>, vector<1x16xi32>,
      %jit3A_312 = arith.constant -1 : i32
      %broadcast_in_dim3A_313 = vector.broadcast %jit3A_312 : i32 to vector<16xi32>
      %select_n3A_314 = arith.select %and3A_303, %sub3A_296, %broadcast_in_dim3A_313 : vector<16xi1>, vector<16xi32>
      %swap3A_315 = arith.index_cast %scan3A_257 : i32 to index
      %swap3A_316 = arith.constant 16 : index
      %swap3A_317 = tpu.vector_load %arg7[%swap3A_315, %swap3A_316] {strides = array<i32>} : memref<80x128xi32, #tpu.memory_space<vmem>>, vector<1x16xi32>,
      %swap3A_318 = vector.shape_cast %swap3A_317 : vector<1x16xi32> to vector<16xi32>
      %swap3A_319 = vector.shape_cast %select_n3A_314 : vector<16xi32> to vector<1x16xi32>
      tpu.vector_store %arg7[%swap3A_315, %swap3A_316], %swap3A_319 {strides = array<i32>} : memref<80x128xi32, #tpu.memory_space<vmem>>, vector<1x16xi32>,
      %get3A_320 = arith.index_cast %scan3A_257 : i32 to index
      %get3A_321 = arith.constant 32 : index
      %get3A_322 = tpu.vector_load %arg5[%get3A_320, %get3A_321] {strides = array<i32>} : memref<80x128xi32, #tpu.memory_space<vmem>>, vector<1x16xi32>,
      %get3A_323 = vector.shape_cast %get3A_322 : vector<1x16xi32> to vector<16xi32>
      %shift_right_arithmetic3A_324 = arith.constant 14 : i32
      %shift_right_arithmetic3A_325 = vector.broadcast %shift_right_arithmetic3A_324 : i32 to vector<16xi32>
      %shift_right_arithmetic3A_326 = arith.shrsi %get3A_323, %shift_right_arithmetic3A_325 : vector<16xi32>
      %and3A_327 = arith.constant 16383 : i32
      %and3A_328 = vector.broadcast %and3A_327 : i32 to vector<16xi32>
      %and3A_329 = arith.andi %get3A_323, %and3A_328 : vector<16xi32>
      %sub3A_330 = arith.constant 4096 : i32
      %sub3A_331 = vector.broadcast %sub3A_330 : i32 to vector<16xi32>
      %sub3A_332 = arith.subi %and3A_329, %sub3A_331 : vector<16xi32>
      %ge3A_333 = arith.constant 0 : i32
      %ge3A_334 = vector.broadcast %ge3A_333 : i32 to vector<16xi32>
      %ge3A_335 = arith.cmpi sge, %sub3A_332, %ge3A_334 : vector<16xi32>
      %lt3A_336 = arith.constant 4096 : i32
      %lt3A_337 = vector.broadcast %lt3A_336 : i32 to vector<16xi32>
      %lt3A_338 = arith.cmpi slt, %sub3A_332, %lt3A_337 : vector<16xi32>
      %and3A_339 = arith.andi %ge3A_335, %lt3A_338 : vector<16xi1>
      %jit3A_340 = arith.constant -1 : i32
      %broadcast_in_dim3A_341 = vector.broadcast %jit3A_340 : i32 to vector<16xi32>
      %select_n3A_342 = arith.select %and3A_339, %shift_right_arithmetic3A_326, %broadcast_in_dim3A_341 : vector<16xi1>, vector<16xi32>
      %swap3A_343 = arith.index_cast %scan3A_257 : i32 to index
      %swap3A_344 = arith.constant 32 : index
      %swap3A_345 = tpu.vector_load %arg6[%swap3A_343, %swap3A_344] {strides = array<i32>} : memref<80x128xi32, #tpu.memory_space<vmem>>, vector<1x16xi32>,
      %swap3A_346 = vector.shape_cast %swap3A_345 : vector<1x16xi32> to vector<16xi32>
      %swap3A_347 = vector.shape_cast %select_n3A_342 : vector<16xi32> to vector<1x16xi32>
      tpu.vector_store %arg6[%swap3A_343, %swap3A_344], %swap3A_347 {strides = array<i32>} : memref<80x128xi32, #tpu.memory_space<vmem>>, vector<1x16xi32>,
      %jit3A_348 = arith.constant -1 : i32
      %broadcast_in_dim3A_349 = vector.broadcast %jit3A_348 : i32 to vector<16xi32>
      %select_n3A_350 = arith.select %and3A_339, %sub3A_332, %broadcast_in_dim3A_349 : vector<16xi1>, vector<16xi32>
      %swap3A_351 = arith.index_cast %scan3A_257 : i32 to index
      %swap3A_352 = arith.constant 32 : index
      %swap3A_353 = tpu.vector_load %arg7[%swap3A_351, %swap3A_352] {strides = array<i32>} : memref<80x128xi32, #tpu.memory_space<vmem>>, vector<1x16xi32>,
      %swap3A_354 = vector.shape_cast %swap3A_353 : vector<1x16xi32> to vector<16xi32>
      %swap3A_355 = vector.shape_cast %select_n3A_350 : vector<16xi32> to vector<1x16xi32>
      tpu.vector_store %arg7[%swap3A_351, %swap3A_352], %swap3A_355 {strides = array<i32>} : memref<80x128xi32, #tpu.memory_space<vmem>>, vector<1x16xi32>,
      %get3A_356 = arith.index_cast %scan3A_257 : i32 to index
      %get3A_357 = arith.constant 48 : index
      %get3A_358 = tpu.vector_load %arg5[%get3A_356, %get3A_357] {strides = array<i32>} : memref<80x128xi32, #tpu.memory_space<vmem>>, vector<1x16xi32>,
      %get3A_359 = vector.shape_cast %get3A_358 : vector<1x16xi32> to vector<16xi32>
      %shift_right_arithmetic3A_360 = arith.constant 14 : i32
      %shift_right_arithmetic3A_361 = vector.broadcast %shift_right_arithmetic3A_360 : i32 to vector<16xi32>
      %shift_right_arithmetic3A_362 = arith.shrsi %get3A_359, %shift_right_arithmetic3A_361 : vector<16xi32>
      %and3A_363 = arith.constant 16383 : i32
      %and3A_364 = vector.broadcast %and3A_363 : i32 to vector<16xi32>
      %and3A_365 = arith.andi %get3A_359, %and3A_364 : vector<16xi32>
      %sub3A_366 = arith.constant 4096 : i32
      %sub3A_367 = vector.broadcast %sub3A_366 : i32 to vector<16xi32>
      %sub3A_368 = arith.subi %and3A_365, %sub3A_367 : vector<16xi32>
      %ge3A_369 = arith.constant 0 : i32
      %ge3A_370 = vector.broadcast %ge3A_369 : i32 to vector<16xi32>
      %ge3A_371 = arith.cmpi sge, %sub3A_368, %ge3A_370 : vector<16xi32>
      %lt3A_372 = arith.constant 4096 : i32
      %lt3A_373 = vector.broadcast %lt3A_372 : i32 to vector<16xi32>
      %lt3A_374 = arith.cmpi slt, %sub3A_368, %lt3A_373 : vector<16xi32>
      %and3A_375 = arith.andi %ge3A_371, %lt3A_374 : vector<16xi1>
      %jit3A_376 = arith.constant -1 : i32
      %broadcast_in_dim3A_377 = vector.broadcast %jit3A_376 : i32 to vector<16xi32>
      %select_n3A_378 = arith.select %and3A_375, %shift_right_arithmetic3A_362, %broadcast_in_dim3A_377 : vector<16xi1>, vector<16xi32>
      %swap3A_379 = arith.index_cast %scan3A_257 : i32 to index
      %swap3A_380 = arith.constant 48 : index
      %swap3A_381 = tpu.vector_load %arg6[%swap3A_379, %swap3A_380] {strides = array<i32>} : memref<80x128xi32, #tpu.memory_space<vmem>>, vector<1x16xi32>,
      %swap3A_382 = vector.shape_cast %swap3A_381 : vector<1x16xi32> to vector<16xi32>
      %swap3A_383 = vector.shape_cast %select_n3A_378 : vector<16xi32> to vector<1x16xi32>
      tpu.vector_store %arg6[%swap3A_379, %swap3A_380], %swap3A_383 {strides = array<i32>} : memref<80x128xi32, #tpu.memory_space<vmem>>, vector<1x16xi32>,
      %jit3A_384 = arith.constant -1 : i32
      %broadcast_in_dim3A_385 = vector.broadcast %jit3A_384 : i32 to vector<16xi32>
      %select_n3A_386 = arith.select %and3A_375, %sub3A_368, %broadcast_in_dim3A_385 : vector<16xi1>, vector<16xi32>
      %swap3A_387 = arith.index_cast %scan3A_257 : i32 to index
      %swap3A_388 = arith.constant 48 : index
      %swap3A_389 = tpu.vector_load %arg7[%swap3A_387, %swap3A_388] {strides = array<i32>} : memref<80x128xi32, #tpu.memory_space<vmem>>, vector<1x16xi32>,
      %swap3A_390 = vector.shape_cast %swap3A_389 : vector<1x16xi32> to vector<16xi32>
      %swap3A_391 = vector.shape_cast %select_n3A_386 : vector<16xi32> to vector<1x16xi32>
      tpu.vector_store %arg7[%swap3A_387, %swap3A_388], %swap3A_391 {strides = array<i32>} : memref<80x128xi32, #tpu.memory_space<vmem>>, vector<1x16xi32>,
      %get3A_392 = arith.index_cast %scan3A_257 : i32 to index
      %get3A_393 = arith.constant 64 : index
      %get3A_394 = tpu.vector_load %arg5[%get3A_392, %get3A_393] {strides = array<i32>} : memref<80x128xi32, #tpu.memory_space<vmem>>, vector<1x16xi32>,
      %get3A_395 = vector.shape_cast %get3A_394 : vector<1x16xi32> to vector<16xi32>
      %shift_right_arithmetic3A_396 = arith.constant 14 : i32
      %shift_right_arithmetic3A_397 = vector.broadcast %shift_right_arithmetic3A_396 : i32 to vector<16xi32>
      %shift_right_arithmetic3A_398 = arith.shrsi %get3A_395, %shift_right_arithmetic3A_397 : vector<16xi32>
      %and3A_399 = arith.constant 16383 : i32
      %and3A_400 = vector.broadcast %and3A_399 : i32 to vector<16xi32>
      %and3A_401 = arith.andi %get3A_395, %and3A_400 : vector<16xi32>
      %sub3A_402 = arith.constant 4096 : i32
      %sub3A_403 = vector.broadcast %sub3A_402 : i32 to vector<16xi32>
      %sub3A_404 = arith.subi %and3A_401, %sub3A_403 : vector<16xi32>
      %ge3A_405 = arith.constant 0 : i32
      %ge3A_406 = vector.broadcast %ge3A_405 : i32 to vector<16xi32>
      %ge3A_407 = arith.cmpi sge, %sub3A_404, %ge3A_406 : vector<16xi32>
      %lt3A_408 = arith.constant 4096 : i32
      %lt3A_409 = vector.broadcast %lt3A_408 : i32 to vector<16xi32>
      %lt3A_410 = arith.cmpi slt, %sub3A_404, %lt3A_409 : vector<16xi32>
      %and3A_411 = arith.andi %ge3A_407, %lt3A_410 : vector<16xi1>
      %jit3A_412 = arith.constant -1 : i32
      %broadcast_in_dim3A_413 = vector.broadcast %jit3A_412 : i32 to vector<16xi32>
      %select_n3A_414 = arith.select %and3A_411, %shift_right_arithmetic3A_398, %broadcast_in_dim3A_413 : vector<16xi1>, vector<16xi32>
      %swap3A_415 = arith.index_cast %scan3A_257 : i32 to index
      %swap3A_416 = arith.constant 64 : index
      %swap3A_417 = tpu.vector_load %arg6[%swap3A_415, %swap3A_416] {strides = array<i32>} : memref<80x128xi32, #tpu.memory_space<vmem>>, vector<1x16xi32>,
      %swap3A_418 = vector.shape_cast %swap3A_417 : vector<1x16xi32> to vector<16xi32>
      %swap3A_419 = vector.shape_cast %select_n3A_414 : vector<16xi32> to vector<1x16xi32>
      tpu.vector_store %arg6[%swap3A_415, %swap3A_416], %swap3A_419 {strides = array<i32>} : memref<80x128xi32, #tpu.memory_space<vmem>>, vector<1x16xi32>,
      %jit3A_420 = arith.constant -1 : i32
      %broadcast_in_dim3A_421 = vector.broadcast %jit3A_420 : i32 to vector<16xi32>
      %select_n3A_422 = arith.select %and3A_411, %sub3A_404, %broadcast_in_dim3A_421 : vector<16xi1>, vector<16xi32>
      %swap3A_423 = arith.index_cast %scan3A_257 : i32 to index
      %swap3A_424 = arith.constant 64 : index
      %swap3A_425 = tpu.vector_load %arg7[%swap3A_423, %swap3A_424] {strides = array<i32>} : memref<80x128xi32, #tpu.memory_space<vmem>>, vector<1x16xi32>,
      %swap3A_426 = vector.shape_cast %swap3A_425 : vector<1x16xi32> to vector<16xi32>
      %swap3A_427 = vector.shape_cast %select_n3A_422 : vector<16xi32> to vector<1x16xi32>
      tpu.vector_store %arg7[%swap3A_423, %swap3A_424], %swap3A_427 {strides = array<i32>} : memref<80x128xi32, #tpu.memory_space<vmem>>, vector<1x16xi32>,
      %get3A_428 = arith.index_cast %scan3A_257 : i32 to index
      %get3A_429 = arith.constant 80 : index
      %get3A_430 = tpu.vector_load %arg5[%get3A_428, %get3A_429] {strides = array<i32>} : memref<80x128xi32, #tpu.memory_space<vmem>>, vector<1x16xi32>,
      %get3A_431 = vector.shape_cast %get3A_430 : vector<1x16xi32> to vector<16xi32>
      %shift_right_arithmetic3A_432 = arith.constant 14 : i32
      %shift_right_arithmetic3A_433 = vector.broadcast %shift_right_arithmetic3A_432 : i32 to vector<16xi32>
      %shift_right_arithmetic3A_434 = arith.shrsi %get3A_431, %shift_right_arithmetic3A_433 : vector<16xi32>
      %and3A_435 = arith.constant 16383 : i32
      %and3A_436 = vector.broadcast %and3A_435 : i32 to vector<16xi32>
      %and3A_437 = arith.andi %get3A_431, %and3A_436 : vector<16xi32>
      %sub3A_438 = arith.constant 4096 : i32
      %sub3A_439 = vector.broadcast %sub3A_438 : i32 to vector<16xi32>
      %sub3A_440 = arith.subi %and3A_437, %sub3A_439 : vector<16xi32>
      %ge3A_441 = arith.constant 0 : i32
      %ge3A_442 = vector.broadcast %ge3A_441 : i32 to vector<16xi32>
      %ge3A_443 = arith.cmpi sge, %sub3A_440, %ge3A_442 : vector<16xi32>
      %lt3A_444 = arith.constant 4096 : i32
      %lt3A_445 = vector.broadcast %lt3A_444 : i32 to vector<16xi32>
      %lt3A_446 = arith.cmpi slt, %sub3A_440, %lt3A_445 : vector<16xi32>
      %and3A_447 = arith.andi %ge3A_443, %lt3A_446 : vector<16xi1>
      %jit3A_448 = arith.constant -1 : i32
      %broadcast_in_dim3A_449 = vector.broadcast %jit3A_448 : i32 to vector<16xi32>
      %select_n3A_450 = arith.select %and3A_447, %shift_right_arithmetic3A_434, %broadcast_in_dim3A_449 : vector<16xi1>, vector<16xi32>
      %swap3A_451 = arith.index_cast %scan3A_257 : i32 to index
      %swap3A_452 = arith.constant 80 : index
      %swap3A_453 = tpu.vector_load %arg6[%swap3A_451, %swap3A_452] {strides = array<i32>} : memref<80x128xi32, #tpu.memory_space<vmem>>, vector<1x16xi32>,
      %swap3A_454 = vector.shape_cast %swap3A_453 : vector<1x16xi32> to vector<16xi32>
      %swap3A_455 = vector.shape_cast %select_n3A_450 : vector<16xi32> to vector<1x16xi32>
      tpu.vector_store %arg6[%swap3A_451, %swap3A_452], %swap3A_455 {strides = array<i32>} : memref<80x128xi32, #tpu.memory_space<vmem>>, vector<1x16xi32>,
      %jit3A_456 = arith.constant -1 : i32
      %broadcast_in_dim3A_457 = vector.broadcast %jit3A_456 : i32 to vector<16xi32>
      %select_n3A_458 = arith.select %and3A_447, %sub3A_440, %broadcast_in_dim3A_457 : vector<16xi1>, vector<16xi32>
      %swap3A_459 = arith.index_cast %scan3A_257 : i32 to index
      %swap3A_460 = arith.constant 80 : index
      %swap3A_461 = tpu.vector_load %arg7[%swap3A_459, %swap3A_460] {strides = array<i32>} : memref<80x128xi32, #tpu.memory_space<vmem>>, vector<1x16xi32>,
      %swap3A_462 = vector.shape_cast %swap3A_461 : vector<1x16xi32> to vector<16xi32>
      %swap3A_463 = vector.shape_cast %select_n3A_458 : vector<16xi32> to vector<1x16xi32>
      tpu.vector_store %arg7[%swap3A_459, %swap3A_460], %swap3A_463 {strides = array<i32>} : memref<80x128xi32, #tpu.memory_space<vmem>>, vector<1x16xi32>,
      %get3A_464 = arith.index_cast %scan3A_257 : i32 to index
      %get3A_465 = arith.constant 96 : index
      %get3A_466 = tpu.vector_load %arg5[%get3A_464, %get3A_465] {strides = array<i32>} : memref<80x128xi32, #tpu.memory_space<vmem>>, vector<1x16xi32>,
      %get3A_467 = vector.shape_cast %get3A_466 : vector<1x16xi32> to vector<16xi32>
      %shift_right_arithmetic3A_468 = arith.constant 14 : i32
      %shift_right_arithmetic3A_469 = vector.broadcast %shift_right_arithmetic3A_468 : i32 to vector<16xi32>
      %shift_right_arithmetic3A_470 = arith.shrsi %get3A_467, %shift_right_arithmetic3A_469 : vector<16xi32>
      %and3A_471 = arith.constant 16383 : i32
      %and3A_472 = vector.broadcast %and3A_471 : i32 to vector<16xi32>
      %and3A_473 = arith.andi %get3A_467, %and3A_472 : vector<16xi32>
      %sub3A_474 = arith.constant 4096 : i32
      %sub3A_475 = vector.broadcast %sub3A_474 : i32 to vector<16xi32>
      %sub3A_476 = arith.subi %and3A_473, %sub3A_475 : vector<16xi32>
      %ge3A_477 = arith.constant 0 : i32
      %ge3A_478 = vector.broadcast %ge3A_477 : i32 to vector<16xi32>
      %ge3A_479 = arith.cmpi sge, %sub3A_476, %ge3A_478 : vector<16xi32>
      %lt3A_480 = arith.constant 4096 : i32
      %lt3A_481 = vector.broadcast %lt3A_480 : i32 to vector<16xi32>
      %lt3A_482 = arith.cmpi slt, %sub3A_476, %lt3A_481 : vector<16xi32>
      %and3A_483 = arith.andi %ge3A_479, %lt3A_482 : vector<16xi1>
      %jit3A_484 = arith.constant -1 : i32
      %broadcast_in_dim3A_485 = vector.broadcast %jit3A_484 : i32 to vector<16xi32>
      %select_n3A_486 = arith.select %and3A_483, %shift_right_arithmetic3A_470, %broadcast_in_dim3A_485 : vector<16xi1>, vector<16xi32>
      %swap3A_487 = arith.index_cast %scan3A_257 : i32 to index
      %swap3A_488 = arith.constant 96 : index
      %swap3A_489 = tpu.vector_load %arg6[%swap3A_487, %swap3A_488] {strides = array<i32>} : memref<80x128xi32, #tpu.memory_space<vmem>>, vector<1x16xi32>,
      %swap3A_490 = vector.shape_cast %swap3A_489 : vector<1x16xi32> to vector<16xi32>
      %swap3A_491 = vector.shape_cast %select_n3A_486 : vector<16xi32> to vector<1x16xi32>
      tpu.vector_store %arg6[%swap3A_487, %swap3A_488], %swap3A_491 {strides = array<i32>} : memref<80x128xi32, #tpu.memory_space<vmem>>, vector<1x16xi32>,
      %jit3A_492 = arith.constant -1 : i32
      %broadcast_in_dim3A_493 = vector.broadcast %jit3A_492 : i32 to vector<16xi32>
      %select_n3A_494 = arith.select %and3A_483, %sub3A_476, %broadcast_in_dim3A_493 : vector<16xi1>, vector<16xi32>
      %swap3A_495 = arith.index_cast %scan3A_257 : i32 to index
      %swap3A_496 = arith.constant 96 : index
      %swap3A_497 = tpu.vector_load %arg7[%swap3A_495, %swap3A_496] {strides = array<i32>} : memref<80x128xi32, #tpu.memory_space<vmem>>, vector<1x16xi32>,
      %swap3A_498 = vector.shape_cast %swap3A_497 : vector<1x16xi32> to vector<16xi32>
      %swap3A_499 = vector.shape_cast %select_n3A_494 : vector<16xi32> to vector<1x16xi32>
      tpu.vector_store %arg7[%swap3A_495, %swap3A_496], %swap3A_499 {strides = array<i32>} : memref<80x128xi32, #tpu.memory_space<vmem>>, vector<1x16xi32>,
      %get3A_500 = arith.index_cast %scan3A_257 : i32 to index
      %get3A_501 = arith.constant 112 : index
      %get3A_502 = tpu.vector_load %arg5[%get3A_500, %get3A_501] {strides = array<i32>} : memref<80x128xi32, #tpu.memory_space<vmem>>, vector<1x16xi32>,
      %get3A_503 = vector.shape_cast %get3A_502 : vector<1x16xi32> to vector<16xi32>
      %shift_right_arithmetic3A_504 = arith.constant 14 : i32
      %shift_right_arithmetic3A_505 = vector.broadcast %shift_right_arithmetic3A_504 : i32 to vector<16xi32>
      %shift_right_arithmetic3A_506 = arith.shrsi %get3A_503, %shift_right_arithmetic3A_505 : vector<16xi32>
      %and3A_507 = arith.constant 16383 : i32
      %and3A_508 = vector.broadcast %and3A_507 : i32 to vector<16xi32>
      %and3A_509 = arith.andi %get3A_503, %and3A_508 : vector<16xi32>
      %sub3A_510 = arith.constant 4096 : i32
      %sub3A_511 = vector.broadcast %sub3A_510 : i32 to vector<16xi32>
      %sub3A_512 = arith.subi %and3A_509, %sub3A_511 : vector<16xi32>
      %ge3A_513 = arith.constant 0 : i32
      %ge3A_514 = vector.broadcast %ge3A_513 : i32 to vector<16xi32>
      %ge3A_515 = arith.cmpi sge, %sub3A_512, %ge3A_514 : vector<16xi32>
      %lt3A_516 = arith.constant 4096 : i32
      %lt3A_517 = vector.broadcast %lt3A_516 : i32 to vector<16xi32>
      %lt3A_518 = arith.cmpi slt, %sub3A_512, %lt3A_517 : vector<16xi32>
      %and3A_519 = arith.andi %ge3A_515, %lt3A_518 : vector<16xi1>
      %jit3A_520 = arith.constant -1 : i32
      %broadcast_in_dim3A_521 = vector.broadcast %jit3A_520 : i32 to vector<16xi32>
      %select_n3A_522 = arith.select %and3A_519, %shift_right_arithmetic3A_506, %broadcast_in_dim3A_521 : vector<16xi1>, vector<16xi32>
      %swap3A_523 = arith.index_cast %scan3A_257 : i32 to index
      %swap3A_524 = arith.constant 112 : index
      %swap3A_525 = tpu.vector_load %arg6[%swap3A_523, %swap3A_524] {strides = array<i32>} : memref<80x128xi32, #tpu.memory_space<vmem>>, vector<1x16xi32>,
      %swap3A_526 = vector.shape_cast %swap3A_525 : vector<1x16xi32> to vector<16xi32>
      %swap3A_527 = vector.shape_cast %select_n3A_522 : vector<16xi32> to vector<1x16xi32>
      tpu.vector_store %arg6[%swap3A_523, %swap3A_524], %swap3A_527 {strides = array<i32>} : memref<80x128xi32, #tpu.memory_space<vmem>>, vector<1x16xi32>,
      %jit3A_528 = arith.constant -1 : i32
      %broadcast_in_dim3A_529 = vector.broadcast %jit3A_528 : i32 to vector<16xi32>
      %select_n3A_530 = arith.select %and3A_519, %sub3A_512, %broadcast_in_dim3A_529 : vector<16xi1>, vector<16xi32>
      %swap3A_531 = arith.index_cast %scan3A_257 : i32 to index
      %swap3A_532 = arith.constant 112 : index
      %swap3A_533 = tpu.vector_load %arg7[%swap3A_531, %swap3A_532] {strides = array<i32>} : memref<80x128xi32, #tpu.memory_space<vmem>>, vector<1x16xi32>,
      %swap3A_534 = vector.shape_cast %swap3A_533 : vector<1x16xi32> to vector<16xi32>
      %swap3A_535 = vector.shape_cast %select_n3A_530 : vector<16xi32> to vector<1x16xi32>
      tpu.vector_store %arg7[%swap3A_531, %swap3A_532], %swap3A_535 {strides = array<i32>} : memref<80x128xi32, #tpu.memory_space<vmem>>, vector<1x16xi32>,
    }
    %scan3A_90 = arith.constant 80 : i32
    %scan3A_91 = arith.constant 0 : i32
    %scan3A_92 = arith.constant 0 : i32
    %scan3A_93 = arith.constant 128 : i32
    %scan3A_94 = arith.addi %scan3A_92, %scan3A_93 : i32
    %scan3A_95 = arith.constant 1 : i32
    scf.for %scan3A_257 = %scan3A_92 to %scan3A_94 step %scan3A_95  : i32 {
      %broadcast_in_dim3A = arith.constant 0.000000e+00 : f32
      %broadcast_in_dim3A_258 = vector.broadcast %broadcast_in_dim3A : f32 to vector<16xf32>
      %swap3A = arith.index_cast %scan3A_257 : i32 to index
      %swap3A_259 = arith.constant 0 : index
      %swap3A_260 = tpu.vector_load %arg8[%swap3A, %swap3A_259] {strides = array<i32>} : memref<128x128xf32, #tpu.memory_space<vmem>>, vector<1x16xf32>,
      %swap3A_261 = vector.shape_cast %swap3A_260 : vector<1x16xf32> to vector<16xf32>
      %swap3A_262 = vector.shape_cast %broadcast_in_dim3A_258 : vector<16xf32> to vector<1x16xf32>
      tpu.vector_store %arg8[%swap3A, %swap3A_259], %swap3A_262 {strides = array<i32>} : memref<128x128xf32, #tpu.memory_space<vmem>>, vector<1x16xf32>,
      %broadcast_in_dim3A_263 = arith.constant 0.000000e+00 : f32
      %broadcast_in_dim3A_264 = vector.broadcast %broadcast_in_dim3A_263 : f32 to vector<16xf32>
      %swap3A_265 = arith.index_cast %scan3A_257 : i32 to index
      %swap3A_266 = arith.constant 16 : index
      %swap3A_267 = tpu.vector_load %arg8[%swap3A_265, %swap3A_266] {strides = array<i32>} : memref<128x128xf32, #tpu.memory_space<vmem>>, vector<1x16xf32>,
      %swap3A_268 = vector.shape_cast %swap3A_267 : vector<1x16xf32> to vector<16xf32>
      %swap3A_269 = vector.shape_cast %broadcast_in_dim3A_264 : vector<16xf32> to vector<1x16xf32>
      tpu.vector_store %arg8[%swap3A_265, %swap3A_266], %swap3A_269 {strides = array<i32>} : memref<128x128xf32, #tpu.memory_space<vmem>>, vector<1x16xf32>,
      %broadcast_in_dim3A_270 = arith.constant 0.000000e+00 : f32
      %broadcast_in_dim3A_271 = vector.broadcast %broadcast_in_dim3A_270 : f32 to vector<16xf32>
      %swap3A_272 = arith.index_cast %scan3A_257 : i32 to index
      %swap3A_273 = arith.constant 32 : index
      %swap3A_274 = tpu.vector_load %arg8[%swap3A_272, %swap3A_273] {strides = array<i32>} : memref<128x128xf32, #tpu.memory_space<vmem>>, vector<1x16xf32>,
      %swap3A_275 = vector.shape_cast %swap3A_274 : vector<1x16xf32> to vector<16xf32>
      %swap3A_276 = vector.shape_cast %broadcast_in_dim3A_271 : vector<16xf32> to vector<1x16xf32>
      tpu.vector_store %arg8[%swap3A_272, %swap3A_273], %swap3A_276 {strides = array<i32>} : memref<128x128xf32, #tpu.memory_space<vmem>>, vector<1x16xf32>,
      %broadcast_in_dim3A_277 = arith.constant 0.000000e+00 : f32
      %broadcast_in_dim3A_278 = vector.broadcast %broadcast_in_dim3A_277 : f32 to vector<16xf32>
      %swap3A_279 = arith.index_cast %scan3A_257 : i32 to index
      %swap3A_280 = arith.constant 48 : index
      %swap3A_281 = tpu.vector_load %arg8[%swap3A_279, %swap3A_280] {strides = array<i32>} : memref<128x128xf32, #tpu.memory_space<vmem>>, vector<1x16xf32>,
      %swap3A_282 = vector.shape_cast %swap3A_281 : vector<1x16xf32> to vector<16xf32>
      %swap3A_283 = vector.shape_cast %broadcast_in_dim3A_278 : vector<16xf32> to vector<1x16xf32>
      tpu.vector_store %arg8[%swap3A_279, %swap3A_280], %swap3A_283 {strides = array<i32>} : memref<128x128xf32, #tpu.memory_space<vmem>>, vector<1x16xf32>,
      %broadcast_in_dim3A_284 = arith.constant 0.000000e+00 : f32
      %broadcast_in_dim3A_285 = vector.broadcast %broadcast_in_dim3A_284 : f32 to vector<16xf32>
      %swap3A_286 = arith.index_cast %scan3A_257 : i32 to index
      %swap3A_287 = arith.constant 64 : index
      %swap3A_288 = tpu.vector_load %arg8[%swap3A_286, %swap3A_287] {strides = array<i32>} : memref<128x128xf32, #tpu.memory_space<vmem>>, vector<1x16xf32>,
      %swap3A_289 = vector.shape_cast %swap3A_288 : vector<1x16xf32> to vector<16xf32>
      %swap3A_290 = vector.shape_cast %broadcast_in_dim3A_285 : vector<16xf32> to vector<1x16xf32>
      tpu.vector_store %arg8[%swap3A_286, %swap3A_287], %swap3A_290 {strides = array<i32>} : memref<128x128xf32, #tpu.memory_space<vmem>>, vector<1x16xf32>,
      %broadcast_in_dim3A_291 = arith.constant 0.000000e+00 : f32
      %broadcast_in_dim3A_292 = vector.broadcast %broadcast_in_dim3A_291 : f32 to vector<16xf32>
      %swap3A_293 = arith.index_cast %scan3A_257 : i32 to index
      %swap3A_294 = arith.constant 80 : index
      %swap3A_295 = tpu.vector_load %arg8[%swap3A_293, %swap3A_294] {strides = array<i32>} : memref<128x128xf32, #tpu.memory_space<vmem>>, vector<1x16xf32>,
      %swap3A_296 = vector.shape_cast %swap3A_295 : vector<1x16xf32> to vector<16xf32>
      %swap3A_297 = vector.shape_cast %broadcast_in_dim3A_292 : vector<16xf32> to vector<1x16xf32>
      tpu.vector_store %arg8[%swap3A_293, %swap3A_294], %swap3A_297 {strides = array<i32>} : memref<128x128xf32, #tpu.memory_space<vmem>>, vector<1x16xf32>,
      %broadcast_in_dim3A_298 = arith.constant 0.000000e+00 : f32
      %broadcast_in_dim3A_299 = vector.broadcast %broadcast_in_dim3A_298 : f32 to vector<16xf32>
      %swap3A_300 = arith.index_cast %scan3A_257 : i32 to index
      %swap3A_301 = arith.constant 96 : index
      %swap3A_302 = tpu.vector_load %arg8[%swap3A_300, %swap3A_301] {strides = array<i32>} : memref<128x128xf32, #tpu.memory_space<vmem>>, vector<1x16xf32>,
      %swap3A_303 = vector.shape_cast %swap3A_302 : vector<1x16xf32> to vector<16xf32>
      %swap3A_304 = vector.shape_cast %broadcast_in_dim3A_299 : vector<16xf32> to vector<1x16xf32>
      tpu.vector_store %arg8[%swap3A_300, %swap3A_301], %swap3A_304 {strides = array<i32>} : memref<128x128xf32, #tpu.memory_space<vmem>>, vector<1x16xf32>,
      %broadcast_in_dim3A_305 = arith.constant 0.000000e+00 : f32
      %broadcast_in_dim3A_306 = vector.broadcast %broadcast_in_dim3A_305 : f32 to vector<16xf32>
      %swap3A_307 = arith.index_cast %scan3A_257 : i32 to index
      %swap3A_308 = arith.constant 112 : index
      %swap3A_309 = tpu.vector_load %arg8[%swap3A_307, %swap3A_308] {strides = array<i32>} : memref<128x128xf32, #tpu.memory_space<vmem>>, vector<1x16xf32>,
      %swap3A_310 = vector.shape_cast %swap3A_309 : vector<1x16xf32> to vector<16xf32>
      %swap3A_311 = vector.shape_cast %broadcast_in_dim3A_306 : vector<16xf32> to vector<1x16xf32>
      tpu.vector_store %arg8[%swap3A_307, %swap3A_308], %swap3A_311 {strides = array<i32>} : memref<128x128xf32, #tpu.memory_space<vmem>>, vector<1x16xf32>,
    }
    %scan3A_96 = arith.constant 128 : i32
    %add3A_97 = arith.constant 0 : i32
    %add3A_98 = arith.addi %mul3A_2, %add3A_97 : i32
    "tpu.region"() ({
      %run_scoped3A = tpu.sem_alloc : memref<!tpu.dma_semaphore, #tpu.memory_space<semaphore_mem>>
      %dma_start3A_257 = arith.constant 0 : i32
      %dma_start3A_258 = tpu.memref_slice %arg12[%add3A_98, %dma_start3A_257] : memref<4096x128xf32, #tpu.memory_space<vmem_shared>> -> memref<128x128xf32, #tpu.memory_space<vmem_shared>>
      %dma_start3A_259 = arith.constant 0 : i32
      %dma_start3A_260 = tpu.memref_slice %arg12[%add3A_98, %dma_start3A_259] : memref<4096x128xf32, #tpu.memory_space<vmem_shared>> -> memref<128x128xf32, #tpu.memory_space<vmem_shared>>
      tpu.enqueue_dma source(%arg8 : memref<128x128xf32, #tpu.memory_space<vmem>>) target(%dma_start3A_260 : memref<128x128xf32, #tpu.memory_space<vmem_shared>>) target_semaphore(%run_scoped3A : memref<!tpu.dma_semaphore, #tpu.memory_space<semaphore_mem>>)
      %dma_wait3A_261 = arith.constant 0 : i32
      %dma_wait3A_262 = tpu.memref_slice %arg12[%add3A_98, %dma_wait3A_261] : memref<4096x128xf32, #tpu.memory_space<vmem_shared>> -> memref<128x128xf32, #tpu.memory_space<vmem_shared>>
      %dma_wait3A_263 = arith.constant 0 : i32
      %dma_wait3A_264 = tpu.memref_slice %arg12[%add3A_98, %dma_wait3A_263] : memref<4096x128xf32, #tpu.memory_space<vmem_shared>> -> memref<128x128xf32, #tpu.memory_space<vmem_shared>>
      tpu.wait_dma2 semaphore(%run_scoped3A : memref<!tpu.dma_semaphore, #tpu.memory_space<semaphore_mem>>) src(%arg8 : memref<128x128xf32, #tpu.memory_space<vmem>>) dst(%dma_wait3A_264 : memref<128x128xf32, #tpu.memory_space<vmem_shared>>)
      tpu.yield
    }) : () -> ()
    %add3A_99 = arith.constant 128 : i32
    %add3A_100 = arith.addi %mul3A_2, %add3A_99 : i32
    "tpu.region"() ({
      %run_scoped3A = tpu.sem_alloc : memref<!tpu.dma_semaphore, #tpu.memory_space<semaphore_mem>>
      %dma_start3A_257 = arith.constant 0 : i32
      %dma_start3A_258 = tpu.memref_slice %arg12[%add3A_100, %dma_start3A_257] : memref<4096x128xf32, #tpu.memory_space<vmem_shared>> -> memref<128x128xf32, #tpu.memory_space<vmem_shared>>
      %dma_start3A_259 = arith.constant 0 : i32
      %dma_start3A_260 = tpu.memref_slice %arg12[%add3A_100, %dma_start3A_259] : memref<4096x128xf32, #tpu.memory_space<vmem_shared>> -> memref<128x128xf32, #tpu.memory_space<vmem_shared>>
      tpu.enqueue_dma source(%arg8 : memref<128x128xf32, #tpu.memory_space<vmem>>) target(%dma_start3A_260 : memref<128x128xf32, #tpu.memory_space<vmem_shared>>) target_semaphore(%run_scoped3A : memref<!tpu.dma_semaphore, #tpu.memory_space<semaphore_mem>>)
      %dma_wait3A_261 = arith.constant 0 : i32
      %dma_wait3A_262 = tpu.memref_slice %arg12[%add3A_100, %dma_wait3A_261] : memref<4096x128xf32, #tpu.memory_space<vmem_shared>> -> memref<128x128xf32, #tpu.memory_space<vmem_shared>>
      %dma_wait3A_263 = arith.constant 0 : i32
      %dma_wait3A_264 = tpu.memref_slice %arg12[%add3A_100, %dma_wait3A_263] : memref<4096x128xf32, #tpu.memory_space<vmem_shared>> -> memref<128x128xf32, #tpu.memory_space<vmem_shared>>
      tpu.wait_dma2 semaphore(%run_scoped3A : memref<!tpu.dma_semaphore, #tpu.memory_space<semaphore_mem>>) src(%arg8 : memref<128x128xf32, #tpu.memory_space<vmem>>) dst(%dma_wait3A_264 : memref<128x128xf32, #tpu.memory_space<vmem_shared>>)
      tpu.yield
    }) : () -> ()
    %barrier3A_101 = arith.constant 0 : index
    tpu.barrier barrier_id(%barrier3A_101)
    %dma_start3A_102 = arith.constant 0 : i32
    %dma_start3A_103 = arith.constant 0 : i32
    %dma_start3A_104 = tpu.memref_slice %arg6[%dma_start3A_102, %dma_start3A_103] : memref<80x128xi32, #tpu.memory_space<vmem>> -> memref<1x128xi32, #tpu.memory_space<vmem>>
    %dma_start3A_105 = tpu.memref_squeeze %dma_start3A_104 : memref<1x128xi32, #tpu.memory_space<vmem>> -> memref<128xi32, #tpu.memory_space<vmem>>
    %dma_start3A_106 = arith.constant 0 : i32
    %dma_start3A_107 = arith.constant 0 : i32
    %dma_start3A_108 = tpu.memref_slice %arg2[%dma_start3A_106, %dma_start3A_107] : memref<10240x128xf32, #tpu.memory_space<hbm>> -> memref<10240x128xf32, #tpu.memory_space<hbm>>
    %dma_start3A_109 = arith.constant -1 : i32
    tpu.enqueue_indirect_dma source(%dma_start3A_108 : memref<10240x128xf32, #tpu.memory_space<hbm>>) target(%arg8 : memref<128x128xf32, #tpu.memory_space<vmem>>) offsets(%dma_start3A_105 : memref<128xi32, #tpu.memory_space<vmem>>) offset_filter(%dma_start3A_109) semaphore(%arg13 : memref<!tpu.dma_semaphore, #tpu.memory_space<semaphore_mem>>)
    %dma_start3A_110 = arith.constant 1 : i32
    %dma_start3A_111 = arith.constant 0 : i32
    %dma_start3A_112 = tpu.memref_slice %arg6[%dma_start3A_110, %dma_start3A_111] : memref<80x128xi32, #tpu.memory_space<vmem>> -> memref<1x128xi32, #tpu.memory_space<vmem>>
    %dma_start3A_113 = tpu.memref_squeeze %dma_start3A_112 : memref<1x128xi32, #tpu.memory_space<vmem>> -> memref<128xi32, #tpu.memory_space<vmem>>
    %dma_start3A_114 = arith.constant 0 : i32
    %dma_start3A_115 = arith.constant 0 : i32
    %dma_start3A_116 = tpu.memref_slice %arg2[%dma_start3A_114, %dma_start3A_115] : memref<10240x128xf32, #tpu.memory_space<hbm>> -> memref<10240x128xf32, #tpu.memory_space<hbm>>
    %dma_start3A_117 = arith.constant -1 : i32
    tpu.enqueue_indirect_dma source(%dma_start3A_116 : memref<10240x128xf32, #tpu.memory_space<hbm>>) target(%arg9 : memref<128x128xf32, #tpu.memory_space<vmem>>) offsets(%dma_start3A_113 : memref<128xi32, #tpu.memory_space<vmem>>) offset_filter(%dma_start3A_117) semaphore(%arg14 : memref<!tpu.dma_semaphore, #tpu.memory_space<semaphore_mem>>)
    %dma_start3A_118 = arith.constant 2 : i32
    %dma_start3A_119 = arith.constant 0 : i32
    %dma_start3A_120 = tpu.memref_slice %arg6[%dma_start3A_118, %dma_start3A_119] : memref<80x128xi32, #tpu.memory_space<vmem>> -> memref<1x128xi32, #tpu.memory_space<vmem>>
    %dma_start3A_121 = tpu.memref_squeeze %dma_start3A_120 : memref<1x128xi32, #tpu.memory_space<vmem>> -> memref<128xi32, #tpu.memory_space<vmem>>
    %dma_start3A_122 = arith.constant 0 : i32
    %dma_start3A_123 = arith.constant 0 : i32
    %dma_start3A_124 = tpu.memref_slice %arg2[%dma_start3A_122, %dma_start3A_123] : memref<10240x128xf32, #tpu.memory_space<hbm>> -> memref<10240x128xf32, #tpu.memory_space<hbm>>
    %dma_start3A_125 = arith.constant -1 : i32
    tpu.enqueue_indirect_dma source(%dma_start3A_124 : memref<10240x128xf32, #tpu.memory_space<hbm>>) target(%arg10 : memref<128x128xf32, #tpu.memory_space<vmem>>) offsets(%dma_start3A_121 : memref<128xi32, #tpu.memory_space<vmem>>) offset_filter(%dma_start3A_125) semaphore(%arg15 : memref<!tpu.dma_semaphore, #tpu.memory_space<semaphore_mem>>)
    %dma_start3A_126 = arith.constant 3 : i32
    %dma_start3A_127 = arith.constant 0 : i32
    %dma_start3A_128 = tpu.memref_slice %arg6[%dma_start3A_126, %dma_start3A_127] : memref<80x128xi32, #tpu.memory_space<vmem>> -> memref<1x128xi32, #tpu.memory_space<vmem>>
    %dma_start3A_129 = tpu.memref_squeeze %dma_start3A_128 : memref<1x128xi32, #tpu.memory_space<vmem>> -> memref<128xi32, #tpu.memory_space<vmem>>
    %dma_start3A_130 = arith.constant 0 : i32
    %dma_start3A_131 = arith.constant 0 : i32
    %dma_start3A_132 = tpu.memref_slice %arg2[%dma_start3A_130, %dma_start3A_131] : memref<10240x128xf32, #tpu.memory_space<hbm>> -> memref<10240x128xf32, #tpu.memory_space<hbm>>
    %dma_start3A_133 = arith.constant -1 : i32
    tpu.enqueue_indirect_dma source(%dma_start3A_132 : memref<10240x128xf32, #tpu.memory_space<hbm>>) target(%arg11 : memref<128x128xf32, #tpu.memory_space<vmem>>) offsets(%dma_start3A_129 : memref<128xi32, #tpu.memory_space<vmem>>) offset_filter(%dma_start3A_133) semaphore(%arg16 : memref<!tpu.dma_semaphore, #tpu.memory_space<semaphore_mem>>)
    %scan3A_134 = arith.constant 0 : i32
    %scan3A_135 = arith.constant 0 : i32
    %scan3A_136 = arith.constant 20 : i32
    %scan3A_137 = arith.addi %scan3A_135, %scan3A_136 : i32
    %scan3A_138 = arith.constant 1 : i32
    scf.for %scan3A_257 = %scan3A_135 to %scan3A_137 step %scan3A_138  : i32 {
      %mul3A_258 = arith.constant 4 : i32
      %mul3A_259 = arith.muli %mul3A_258, %scan3A_257 : i32
      %add3A_260 = arith.constant 0 : i32
      %add3A_261 = arith.addi %mul3A_259, %add3A_260 : i32
      %dma_wait3A_262 = arith.constant 0 : i32
      %dma_wait3A_263 = tpu.memref_slice %arg6[%add3A_261, %dma_wait3A_262] : memref<80x128xi32, #tpu.memory_space<vmem>> -> memref<1x128xi32, #tpu.memory_space<vmem>>
      %dma_wait3A_264 = tpu.memref_squeeze %dma_wait3A_263 : memref<1x128xi32, #tpu.memory_space<vmem>> -> memref<128xi32, #tpu.memory_space<vmem>>
      %dma_wait3A_265 = arith.constant 0 : i32
      %dma_wait3A_266 = arith.constant 0 : i32
      %dma_wait3A_267 = tpu.memref_slice %arg2[%dma_wait3A_265, %dma_wait3A_266] : memref<10240x128xf32, #tpu.memory_space<hbm>> -> memref<10240x128xf32, #tpu.memory_space<hbm>>
      tpu.wait_indirect_dma semaphore(%arg13 : memref<!tpu.dma_semaphore, #tpu.memory_space<semaphore_mem>>) src(%dma_wait3A_267 : memref<10240x128xf32, #tpu.memory_space<hbm>>) dst(%arg8 : memref<128x128xf32, #tpu.memory_space<vmem>>)
      %dma_start3A_268 = arith.constant 0 : i32
      %dma_start3A_269 = tpu.memref_slice %arg7[%add3A_261, %dma_start3A_268] : memref<80x128xi32, #tpu.memory_space<vmem>> -> memref<1x128xi32, #tpu.memory_space<vmem>>
      %dma_start3A_270 = tpu.memref_squeeze %dma_start3A_269 : memref<1x128xi32, #tpu.memory_space<vmem>> -> memref<128xi32, #tpu.memory_space<vmem>>
      %dma_start3A_271 = arith.constant 0 : i32
      %dma_start3A_272 = arith.constant 0 : i32
      %dma_start3A_273 = tpu.memref_slice %arg12[%dma_start3A_271, %dma_start3A_272] : memref<4096x128xf32, #tpu.memory_space<vmem_shared>> -> memref<4096x128xf32, #tpu.memory_space<vmem_shared>>
      %dma_start3A_274 = arith.constant -1 : i32
      tpu.enqueue_indirect_dma source(%arg8 : memref<128x128xf32, #tpu.memory_space<vmem>>) target(%dma_start3A_273 : memref<4096x128xf32, #tpu.memory_space<vmem_shared>>) offsets(%dma_start3A_270 : memref<128xi32, #tpu.memory_space<vmem>>) offset_filter(%dma_start3A_274) semaphore(%arg17 : memref<!tpu.dma_semaphore, #tpu.memory_space<semaphore_mem>>) {add = true}
      %add3A_275 = arith.constant 1 : i32
      %add3A_276 = arith.addi %mul3A_259, %add3A_275 : i32
      %dma_wait3A_277 = arith.constant 0 : i32
      %dma_wait3A_278 = tpu.memref_slice %arg6[%add3A_276, %dma_wait3A_277] : memref<80x128xi32, #tpu.memory_space<vmem>> -> memref<1x128xi32, #tpu.memory_space<vmem>>
      %dma_wait3A_279 = tpu.memref_squeeze %dma_wait3A_278 : memref<1x128xi32, #tpu.memory_space<vmem>> -> memref<128xi32, #tpu.memory_space<vmem>>
      %dma_wait3A_280 = arith.constant 0 : i32
      %dma_wait3A_281 = arith.constant 0 : i32
      %dma_wait3A_282 = tpu.memref_slice %arg2[%dma_wait3A_280, %dma_wait3A_281] : memref<10240x128xf32, #tpu.memory_space<hbm>> -> memref<10240x128xf32, #tpu.memory_space<hbm>>
      tpu.wait_indirect_dma semaphore(%arg14 : memref<!tpu.dma_semaphore, #tpu.memory_space<semaphore_mem>>) src(%dma_wait3A_282 : memref<10240x128xf32, #tpu.memory_space<hbm>>) dst(%arg9 : memref<128x128xf32, #tpu.memory_space<vmem>>)
      %dma_start3A_283 = arith.constant 0 : i32
      %dma_start3A_284 = tpu.memref_slice %arg7[%add3A_276, %dma_start3A_283] : memref<80x128xi32, #tpu.memory_space<vmem>> -> memref<1x128xi32, #tpu.memory_space<vmem>>
      %dma_start3A_285 = tpu.memref_squeeze %dma_start3A_284 : memref<1x128xi32, #tpu.memory_space<vmem>> -> memref<128xi32, #tpu.memory_space<vmem>>
      %dma_start3A_286 = arith.constant 0 : i32
      %dma_start3A_287 = arith.constant 0 : i32
      %dma_start3A_288 = tpu.memref_slice %arg12[%dma_start3A_286, %dma_start3A_287] : memref<4096x128xf32, #tpu.memory_space<vmem_shared>> -> memref<4096x128xf32, #tpu.memory_space<vmem_shared>>
      %dma_start3A_289 = arith.constant -1 : i32
      tpu.enqueue_indirect_dma source(%arg9 : memref<128x128xf32, #tpu.memory_space<vmem>>) target(%dma_start3A_288 : memref<4096x128xf32, #tpu.memory_space<vmem_shared>>) offsets(%dma_start3A_285 : memref<128xi32, #tpu.memory_space<vmem>>) offset_filter(%dma_start3A_289) semaphore(%arg18 : memref<!tpu.dma_semaphore, #tpu.memory_space<semaphore_mem>>) {add = true}
      %add3A_290 = arith.constant 2 : i32
      %add3A_291 = arith.addi %mul3A_259, %add3A_290 : i32
      %dma_wait3A_292 = arith.constant 0 : i32
      %dma_wait3A_293 = tpu.memref_slice %arg6[%add3A_291, %dma_wait3A_292] : memref<80x128xi32, #tpu.memory_space<vmem>> -> memref<1x128xi32, #tpu.memory_space<vmem>>
      %dma_wait3A_294 = tpu.memref_squeeze %dma_wait3A_293 : memref<1x128xi32, #tpu.memory_space<vmem>> -> memref<128xi32, #tpu.memory_space<vmem>>
      %dma_wait3A_295 = arith.constant 0 : i32
      %dma_wait3A_296 = arith.constant 0 : i32
      %dma_wait3A_297 = tpu.memref_slice %arg2[%dma_wait3A_295, %dma_wait3A_296] : memref<10240x128xf32, #tpu.memory_space<hbm>> -> memref<10240x128xf32, #tpu.memory_space<hbm>>
      tpu.wait_indirect_dma semaphore(%arg15 : memref<!tpu.dma_semaphore, #tpu.memory_space<semaphore_mem>>) src(%dma_wait3A_297 : memref<10240x128xf32, #tpu.memory_space<hbm>>) dst(%arg10 : memref<128x128xf32, #tpu.memory_space<vmem>>)
      %dma_start3A_298 = arith.constant 0 : i32
      %dma_start3A_299 = tpu.memref_slice %arg7[%add3A_291, %dma_start3A_298] : memref<80x128xi32, #tpu.memory_space<vmem>> -> memref<1x128xi32, #tpu.memory_space<vmem>>
      %dma_start3A_300 = tpu.memref_squeeze %dma_start3A_299 : memref<1x128xi32, #tpu.memory_space<vmem>> -> memref<128xi32, #tpu.memory_space<vmem>>
      %dma_start3A_301 = arith.constant 0 : i32
      %dma_start3A_302 = arith.constant 0 : i32
      %dma_start3A_303 = tpu.memref_slice %arg12[%dma_start3A_301, %dma_start3A_302] : memref<4096x128xf32, #tpu.memory_space<vmem_shared>> -> memref<4096x128xf32, #tpu.memory_space<vmem_shared>>
      %dma_start3A_304 = arith.constant -1 : i32
      tpu.enqueue_indirect_dma source(%arg10 : memref<128x128xf32, #tpu.memory_space<vmem>>) target(%dma_start3A_303 : memref<4096x128xf32, #tpu.memory_space<vmem_shared>>) offsets(%dma_start3A_300 : memref<128xi32, #tpu.memory_space<vmem>>) offset_filter(%dma_start3A_304) semaphore(%arg19 : memref<!tpu.dma_semaphore, #tpu.memory_space<semaphore_mem>>) {add = true}
      %add3A_305 = arith.constant 3 : i32
      %add3A_306 = arith.addi %mul3A_259, %add3A_305 : i32
      %dma_wait3A_307 = arith.constant 0 : i32
      %dma_wait3A_308 = tpu.memref_slice %arg6[%add3A_306, %dma_wait3A_307] : memref<80x128xi32, #tpu.memory_space<vmem>> -> memref<1x128xi32, #tpu.memory_space<vmem>>
      %dma_wait3A_309 = tpu.memref_squeeze %dma_wait3A_308 : memref<1x128xi32, #tpu.memory_space<vmem>> -> memref<128xi32, #tpu.memory_space<vmem>>
      %dma_wait3A_310 = arith.constant 0 : i32
      %dma_wait3A_311 = arith.constant 0 : i32
      %dma_wait3A_312 = tpu.memref_slice %arg2[%dma_wait3A_310, %dma_wait3A_311] : memref<10240x128xf32, #tpu.memory_space<hbm>> -> memref<10240x128xf32, #tpu.memory_space<hbm>>
      tpu.wait_indirect_dma semaphore(%arg16 : memref<!tpu.dma_semaphore, #tpu.memory_space<semaphore_mem>>) src(%dma_wait3A_312 : memref<10240x128xf32, #tpu.memory_space<hbm>>) dst(%arg11 : memref<128x128xf32, #tpu.memory_space<vmem>>)
      %dma_start3A_313 = arith.constant 0 : i32
      %dma_start3A_314 = tpu.memref_slice %arg7[%add3A_306, %dma_start3A_313] : memref<80x128xi32, #tpu.memory_space<vmem>> -> memref<1x128xi32, #tpu.memory_space<vmem>>
      %dma_start3A_315 = tpu.memref_squeeze %dma_start3A_314 : memref<1x128xi32, #tpu.memory_space<vmem>> -> memref<128xi32, #tpu.memory_space<vmem>>
      %dma_start3A_316 = arith.constant 0 : i32
      %dma_start3A_317 = arith.constant 0 : i32
      %dma_start3A_318 = tpu.memref_slice %arg12[%dma_start3A_316, %dma_start3A_317] : memref<4096x128xf32, #tpu.memory_space<vmem_shared>> -> memref<4096x128xf32, #tpu.memory_space<vmem_shared>>
      %dma_start3A_319 = arith.constant -1 : i32
      tpu.enqueue_indirect_dma source(%arg11 : memref<128x128xf32, #tpu.memory_space<vmem>>) target(%dma_start3A_318 : memref<4096x128xf32, #tpu.memory_space<vmem_shared>>) offsets(%dma_start3A_315 : memref<128xi32, #tpu.memory_space<vmem>>) offset_filter(%dma_start3A_319) semaphore(%arg20 : memref<!tpu.dma_semaphore, #tpu.memory_space<semaphore_mem>>) {add = true}
      %add3A_320 = arith.constant 0 : i32
      %add3A_321 = arith.addi %mul3A_259, %add3A_320 : i32
      %dma_wait3A_322 = arith.constant 0 : i32
      %dma_wait3A_323 = tpu.memref_slice %arg7[%add3A_321, %dma_wait3A_322] : memref<80x128xi32, #tpu.memory_space<vmem>> -> memref<1x128xi32, #tpu.memory_space<vmem>>
      %dma_wait3A_324 = tpu.memref_squeeze %dma_wait3A_323 : memref<1x128xi32, #tpu.memory_space<vmem>> -> memref<128xi32, #tpu.memory_space<vmem>>
      %dma_wait3A_325 = arith.constant 0 : i32
      %dma_wait3A_326 = arith.constant 0 : i32
      %dma_wait3A_327 = tpu.memref_slice %arg12[%dma_wait3A_325, %dma_wait3A_326] : memref<4096x128xf32, #tpu.memory_space<vmem_shared>> -> memref<4096x128xf32, #tpu.memory_space<vmem_shared>>
      tpu.wait_indirect_dma semaphore(%arg17 : memref<!tpu.dma_semaphore, #tpu.memory_space<semaphore_mem>>) src(%arg8 : memref<128x128xf32, #tpu.memory_space<vmem>>) dst(%dma_wait3A_327 : memref<4096x128xf32, #tpu.memory_space<vmem_shared>>)
      %add3A_328 = arith.constant 4 : i32
      %add3A_329 = arith.addi %add3A_321, %add3A_328 : i32
      %ge3A = arith.constant 80 : i32
      %ge3A_330 = arith.cmpi sge, %add3A_329, %ge3A : i32
      %add3A_331 = arith.constant 4 : i32
      %add3A_332 = arith.addi %add3A_321, %add3A_331 : i32
      %jit3A = arith.constant 0 : i32
      %select_n3A = arith.select %ge3A_330, %jit3A, %add3A_332 : i32
      %dma_start3A_333 = arith.constant 0 : i32
      %dma_start3A_334 = tpu.memref_slice %arg6[%select_n3A, %dma_start3A_333] : memref<80x128xi32, #tpu.memory_space<vmem>> -> memref<1x128xi32, #tpu.memory_space<vmem>>
      %dma_start3A_335 = tpu.memref_squeeze %dma_start3A_334 : memref<1x128xi32, #tpu.memory_space<vmem>> -> memref<128xi32, #tpu.memory_space<vmem>>
      %dma_start3A_336 = arith.constant 0 : i32
      %dma_start3A_337 = arith.constant 0 : i32
      %dma_start3A_338 = tpu.memref_slice %arg2[%dma_start3A_336, %dma_start3A_337] : memref<10240x128xf32, #tpu.memory_space<hbm>> -> memref<10240x128xf32, #tpu.memory_space<hbm>>
      %dma_start3A_339 = arith.constant -1 : i32
      tpu.enqueue_indirect_dma source(%dma_start3A_338 : memref<10240x128xf32, #tpu.memory_space<hbm>>) target(%arg8 : memref<128x128xf32, #tpu.memory_space<vmem>>) offsets(%dma_start3A_335 : memref<128xi32, #tpu.memory_space<vmem>>) offset_filter(%dma_start3A_339) semaphore(%arg13 : memref<!tpu.dma_semaphore, #tpu.memory_space<semaphore_mem>>)
      %add3A_340 = arith.constant 1 : i32
      %add3A_341 = arith.addi %mul3A_259, %add3A_340 : i32
      %dma_wait3A_342 = arith.constant 0 : i32
      %dma_wait3A_343 = tpu.memref_slice %arg7[%add3A_341, %dma_wait3A_342] : memref<80x128xi32, #tpu.memory_space<vmem>> -> memref<1x128xi32, #tpu.memory_space<vmem>>
      %dma_wait3A_344 = tpu.memref_squeeze %dma_wait3A_343 : memref<1x128xi32, #tpu.memory_space<vmem>> -> memref<128xi32, #tpu.memory_space<vmem>>
      %dma_wait3A_345 = arith.constant 0 : i32
      %dma_wait3A_346 = arith.constant 0 : i32
      %dma_wait3A_347 = tpu.memref_slice %arg12[%dma_wait3A_345, %dma_wait3A_346] : memref<4096x128xf32, #tpu.memory_space<vmem_shared>> -> memref<4096x128xf32, #tpu.memory_space<vmem_shared>>
      tpu.wait_indirect_dma semaphore(%arg18 : memref<!tpu.dma_semaphore, #tpu.memory_space<semaphore_mem>>) src(%arg9 : memref<128x128xf32, #tpu.memory_space<vmem>>) dst(%dma_wait3A_347 : memref<4096x128xf32, #tpu.memory_space<vmem_shared>>)
      %add3A_348 = arith.constant 4 : i32
      %add3A_349 = arith.addi %add3A_341, %add3A_348 : i32
      %ge3A_350 = arith.constant 80 : i32
      %ge3A_351 = arith.cmpi sge, %add3A_349, %ge3A_350 : i32
      %add3A_352 = arith.constant 4 : i32
      %add3A_353 = arith.addi %add3A_341, %add3A_352 : i32
      %jit3A_354 = arith.constant 1 : i32
      %select_n3A_355 = arith.select %ge3A_351, %jit3A_354, %add3A_353 : i32
      %dma_start3A_356 = arith.constant 0 : i32
      %dma_start3A_357 = tpu.memref_slice %arg6[%select_n3A_355, %dma_start3A_356] : memref<80x128xi32, #tpu.memory_space<vmem>> -> memref<1x128xi32, #tpu.memory_space<vmem>>
      %dma_start3A_358 = tpu.memref_squeeze %dma_start3A_357 : memref<1x128xi32, #tpu.memory_space<vmem>> -> memref<128xi32, #tpu.memory_space<vmem>>
      %dma_start3A_359 = arith.constant 0 : i32
      %dma_start3A_360 = arith.constant 0 : i32
      %dma_start3A_361 = tpu.memref_slice %arg2[%dma_start3A_359, %dma_start3A_360] : memref<10240x128xf32, #tpu.memory_space<hbm>> -> memref<10240x128xf32, #tpu.memory_space<hbm>>
      %dma_start3A_362 = arith.constant -1 : i32
      tpu.enqueue_indirect_dma source(%dma_start3A_361 : memref<10240x128xf32, #tpu.memory_space<hbm>>) target(%arg9 : memref<128x128xf32, #tpu.memory_space<vmem>>) offsets(%dma_start3A_358 : memref<128xi32, #tpu.memory_space<vmem>>) offset_filter(%dma_start3A_362) semaphore(%arg14 : memref<!tpu.dma_semaphore, #tpu.memory_space<semaphore_mem>>)
      %add3A_363 = arith.constant 2 : i32
      %add3A_364 = arith.addi %mul3A_259, %add3A_363 : i32
      %dma_wait3A_365 = arith.constant 0 : i32
      %dma_wait3A_366 = tpu.memref_slice %arg7[%add3A_364, %dma_wait3A_365] : memref<80x128xi32, #tpu.memory_space<vmem>> -> memref<1x128xi32, #tpu.memory_space<vmem>>
      %dma_wait3A_367 = tpu.memref_squeeze %dma_wait3A_366 : memref<1x128xi32, #tpu.memory_space<vmem>> -> memref<128xi32, #tpu.memory_space<vmem>>
      %dma_wait3A_368 = arith.constant 0 : i32
      %dma_wait3A_369 = arith.constant 0 : i32
      %dma_wait3A_370 = tpu.memref_slice %arg12[%dma_wait3A_368, %dma_wait3A_369] : memref<4096x128xf32, #tpu.memory_space<vmem_shared>> -> memref<4096x128xf32, #tpu.memory_space<vmem_shared>>
      tpu.wait_indirect_dma semaphore(%arg19 : memref<!tpu.dma_semaphore, #tpu.memory_space<semaphore_mem>>) src(%arg10 : memref<128x128xf32, #tpu.memory_space<vmem>>) dst(%dma_wait3A_370 : memref<4096x128xf32, #tpu.memory_space<vmem_shared>>)
      %add3A_371 = arith.constant 4 : i32
      %add3A_372 = arith.addi %add3A_364, %add3A_371 : i32
      %ge3A_373 = arith.constant 80 : i32
      %ge3A_374 = arith.cmpi sge, %add3A_372, %ge3A_373 : i32
      %add3A_375 = arith.constant 4 : i32
      %add3A_376 = arith.addi %add3A_364, %add3A_375 : i32
      %jit3A_377 = arith.constant 2 : i32
      %select_n3A_378 = arith.select %ge3A_374, %jit3A_377, %add3A_376 : i32
      %dma_start3A_379 = arith.constant 0 : i32
      %dma_start3A_380 = tpu.memref_slice %arg6[%select_n3A_378, %dma_start3A_379] : memref<80x128xi32, #tpu.memory_space<vmem>> -> memref<1x128xi32, #tpu.memory_space<vmem>>
      %dma_start3A_381 = tpu.memref_squeeze %dma_start3A_380 : memref<1x128xi32, #tpu.memory_space<vmem>> -> memref<128xi32, #tpu.memory_space<vmem>>
      %dma_start3A_382 = arith.constant 0 : i32
      %dma_start3A_383 = arith.constant 0 : i32
      %dma_start3A_384 = tpu.memref_slice %arg2[%dma_start3A_382, %dma_start3A_383] : memref<10240x128xf32, #tpu.memory_space<hbm>> -> memref<10240x128xf32, #tpu.memory_space<hbm>>
      %dma_start3A_385 = arith.constant -1 : i32
      tpu.enqueue_indirect_dma source(%dma_start3A_384 : memref<10240x128xf32, #tpu.memory_space<hbm>>) target(%arg10 : memref<128x128xf32, #tpu.memory_space<vmem>>) offsets(%dma_start3A_381 : memref<128xi32, #tpu.memory_space<vmem>>) offset_filter(%dma_start3A_385) semaphore(%arg15 : memref<!tpu.dma_semaphore, #tpu.memory_space<semaphore_mem>>)
      %add3A_386 = arith.constant 3 : i32
      %add3A_387 = arith.addi %mul3A_259, %add3A_386 : i32
      %dma_wait3A_388 = arith.constant 0 : i32
      %dma_wait3A_389 = tpu.memref_slice %arg7[%add3A_387, %dma_wait3A_388] : memref<80x128xi32, #tpu.memory_space<vmem>> -> memref<1x128xi32, #tpu.memory_space<vmem>>
      %dma_wait3A_390 = tpu.memref_squeeze %dma_wait3A_389 : memref<1x128xi32, #tpu.memory_space<vmem>> -> memref<128xi32, #tpu.memory_space<vmem>>
      %dma_wait3A_391 = arith.constant 0 : i32
      %dma_wait3A_392 = arith.constant 0 : i32
      %dma_wait3A_393 = tpu.memref_slice %arg12[%dma_wait3A_391, %dma_wait3A_392] : memref<4096x128xf32, #tpu.memory_space<vmem_shared>> -> memref<4096x128xf32, #tpu.memory_space<vmem_shared>>
      tpu.wait_indirect_dma semaphore(%arg20 : memref<!tpu.dma_semaphore, #tpu.memory_space<semaphore_mem>>) src(%arg11 : memref<128x128xf32, #tpu.memory_space<vmem>>) dst(%dma_wait3A_393 : memref<4096x128xf32, #tpu.memory_space<vmem_shared>>)
      %add3A_394 = arith.constant 4 : i32
      %add3A_395 = arith.addi %add3A_387, %add3A_394 : i32
      %ge3A_396 = arith.constant 80 : i32
      %ge3A_397 = arith.cmpi sge, %add3A_395, %ge3A_396 : i32
      %add3A_398 = arith.constant 4 : i32
      %add3A_399 = arith.addi %add3A_387, %add3A_398 : i32
      %jit3A_400 = arith.constant 3 : i32
      %select_n3A_401 = arith.select %ge3A_397, %jit3A_400, %add3A_399 : i32
      %dma_start3A_402 = arith.constant 0 : i32
      %dma_start3A_403 = tpu.memref_slice %arg6[%select_n3A_401, %dma_start3A_402] : memref<80x128xi32, #tpu.memory_space<vmem>> -> memref<1x128xi32, #tpu.memory_space<vmem>>
      %dma_start3A_404 = tpu.memref_squeeze %dma_start3A_403 : memref<1x128xi32, #tpu.memory_space<vmem>> -> memref<128xi32, #tpu.memory_space<vmem>>
      %dma_start3A_405 = arith.constant 0 : i32
      %dma_start3A_406 = arith.constant 0 : i32
      %dma_start3A_407 = tpu.memref_slice %arg2[%dma_start3A_405, %dma_start3A_406] : memref<10240x128xf32, #tpu.memory_space<hbm>> -> memref<10240x128xf32, #tpu.memory_space<hbm>>
      %dma_start3A_408 = arith.constant -1 : i32
      tpu.enqueue_indirect_dma source(%dma_start3A_407 : memref<10240x128xf32, #tpu.memory_space<hbm>>) target(%arg11 : memref<128x128xf32, #tpu.memory_space<vmem>>) offsets(%dma_start3A_404 : memref<128xi32, #tpu.memory_space<vmem>>) offset_filter(%dma_start3A_408) semaphore(%arg16 : memref<!tpu.dma_semaphore, #tpu.memory_space<semaphore_mem>>)
    }
    %scan3A_139 = arith.constant 20 : i32
    %dma_wait3A_140 = arith.constant 0 : i32
    %dma_wait3A_141 = arith.constant 0 : i32
    %dma_wait3A_142 = tpu.memref_slice %arg6[%dma_wait3A_140, %dma_wait3A_141] : memref<80x128xi32, #tpu.memory_space<vmem>> -> memref<1x128xi32, #tpu.memory_space<vmem>>
    %dma_wait3A_143 = tpu.memref_squeeze %dma_wait3A_142 : memref<1x128xi32, #tpu.memory_space<vmem>> -> memref<128xi32, #tpu.memory_space<vmem>>
    %dma_wait3A_144 = arith.constant 0 : i32
    %dma_wait3A_145 = arith.constant 0 : i32
    %dma_wait3A_146 = tpu.memref_slice %arg2[%dma_wait3A_144, %dma_wait3A_145] : memref<10240x128xf32, #tpu.memory_space<hbm>> -> memref<10240x128xf32, #tpu.memory_space<hbm>>
    tpu.wait_indirect_dma semaphore(%arg13 : memref<!tpu.dma_semaphore, #tpu.memory_space<semaphore_mem>>) src(%dma_wait3A_146 : memref<10240x128xf32, #tpu.memory_space<hbm>>) dst(%arg8 : memref<128x128xf32, #tpu.memory_space<vmem>>)
    %dma_wait3A_147 = arith.constant 1 : i32
    %dma_wait3A_148 = arith.constant 0 : i32
    %dma_wait3A_149 = tpu.memref_slice %arg6[%dma_wait3A_147, %dma_wait3A_148] : memref<80x128xi32, #tpu.memory_space<vmem>> -> memref<1x128xi32, #tpu.memory_space<vmem>>
    %dma_wait3A_150 = tpu.memref_squeeze %dma_wait3A_149 : memref<1x128xi32, #tpu.memory_space<vmem>> -> memref<128xi32, #tpu.memory_space<vmem>>
    %dma_wait3A_151 = arith.constant 0 : i32
    %dma_wait3A_152 = arith.constant 0 : i32
    %dma_wait3A_153 = tpu.memref_slice %arg2[%dma_wait3A_151, %dma_wait3A_152] : memref<10240x128xf32, #tpu.memory_space<hbm>> -> memref<10240x128xf32, #tpu.memory_space<hbm>>
    tpu.wait_indirect_dma semaphore(%arg14 : memref<!tpu.dma_semaphore, #tpu.memory_space<semaphore_mem>>) src(%dma_wait3A_153 : memref<10240x128xf32, #tpu.memory_space<hbm>>) dst(%arg9 : memref<128x128xf32, #tpu.memory_space<vmem>>)
    %dma_wait3A_154 = arith.constant 2 : i32
    %dma_wait3A_155 = arith.constant 0 : i32
    %dma_wait3A_156 = tpu.memref_slice %arg6[%dma_wait3A_154, %dma_wait3A_155] : memref<80x128xi32, #tpu.memory_space<vmem>> -> memref<1x128xi32, #tpu.memory_space<vmem>>
    %dma_wait3A_157 = tpu.memref_squeeze %dma_wait3A_156 : memref<1x128xi32, #tpu.memory_space<vmem>> -> memref<128xi32, #tpu.memory_space<vmem>>
    %dma_wait3A_158 = arith.constant 0 : i32
    %dma_wait3A_159 = arith.constant 0 : i32
    %dma_wait3A_160 = tpu.memref_slice %arg2[%dma_wait3A_158, %dma_wait3A_159] : memref<10240x128xf32, #tpu.memory_space<hbm>> -> memref<10240x128xf32, #tpu.memory_space<hbm>>
    tpu.wait_indirect_dma semaphore(%arg15 : memref<!tpu.dma_semaphore, #tpu.memory_space<semaphore_mem>>) src(%dma_wait3A_160 : memref<10240x128xf32, #tpu.memory_space<hbm>>) dst(%arg10 : memref<128x128xf32, #tpu.memory_space<vmem>>)
    %dma_wait3A_161 = arith.constant 3 : i32
    %dma_wait3A_162 = arith.constant 0 : i32
    %dma_wait3A_163 = tpu.memref_slice %arg6[%dma_wait3A_161, %dma_wait3A_162] : memref<80x128xi32, #tpu.memory_space<vmem>> -> memref<1x128xi32, #tpu.memory_space<vmem>>
    %dma_wait3A_164 = tpu.memref_squeeze %dma_wait3A_163 : memref<1x128xi32, #tpu.memory_space<vmem>> -> memref<128xi32, #tpu.memory_space<vmem>>
    %dma_wait3A_165 = arith.constant 0 : i32
    %dma_wait3A_166 = arith.constant 0 : i32
    %dma_wait3A_167 = tpu.memref_slice %arg2[%dma_wait3A_165, %dma_wait3A_166] : memref<10240x128xf32, #tpu.memory_space<hbm>> -> memref<10240x128xf32, #tpu.memory_space<hbm>>
    tpu.wait_indirect_dma semaphore(%arg16 : memref<!tpu.dma_semaphore, #tpu.memory_space<semaphore_mem>>) src(%dma_wait3A_167 : memref<10240x128xf32, #tpu.memory_space<hbm>>) dst(%arg11 : memref<128x128xf32, #tpu.memory_space<vmem>>)
    %barrier3A_168 = arith.constant 0 : index
    tpu.barrier barrier_id(%barrier3A_168)
    %add3A_169 = arith.constant 4096 : i32
    %add3A_170 = arith.addi %add3A_169, %mul3A_2 : i32
    "tpu.region"() ({
      %run_scoped3A = tpu.sem_alloc : memref<!tpu.dma_semaphore, #tpu.memory_space<semaphore_mem>>
      %dma_start3A_257 = arith.constant 0 : i32
      %dma_start3A_258 = tpu.memref_slice %arg4[%arg0, %add3A_170, %dma_start3A_257] : memref<2x12288x128xf32, #tpu.memory_space<hbm>> -> memref<1x256x128xf32, #tpu.memory_space<hbm>>
      %dma_start3A_259 = tpu.memref_squeeze %dma_start3A_258 : memref<1x256x128xf32, #tpu.memory_space<hbm>> -> memref<256x128xf32, #tpu.memory_space<hbm>>
      %dma_start3A_260 = arith.constant 0 : i32
      %dma_start3A_261 = tpu.memref_slice %arg12[%mul3A_2, %dma_start3A_260] : memref<4096x128xf32, #tpu.memory_space<vmem_shared>> -> memref<256x128xf32, #tpu.memory_space<vmem_shared>>
      tpu.enqueue_dma source(%dma_start3A_261 : memref<256x128xf32, #tpu.memory_space<vmem_shared>>) target(%dma_start3A_259 : memref<256x128xf32, #tpu.memory_space<hbm>>) target_semaphore(%run_scoped3A : memref<!tpu.dma_semaphore, #tpu.memory_space<semaphore_mem>>)
      %dma_wait3A_262 = arith.constant 0 : i32
      %dma_wait3A_263 = tpu.memref_slice %arg4[%arg0, %add3A_170, %dma_wait3A_262] : memref<2x12288x128xf32, #tpu.memory_space<hbm>> -> memref<1x256x128xf32, #tpu.memory_space<hbm>>
      %dma_wait3A_264 = tpu.memref_squeeze %dma_wait3A_263 : memref<1x256x128xf32, #tpu.memory_space<hbm>> -> memref<256x128xf32, #tpu.memory_space<hbm>>
      %dma_wait3A_265 = arith.constant 0 : i32
      %dma_wait3A_266 = tpu.memref_slice %arg12[%mul3A_2, %dma_wait3A_265] : memref<4096x128xf32, #tpu.memory_space<vmem_shared>> -> memref<256x128xf32, #tpu.memory_space<vmem_shared>>
      tpu.wait_dma2 semaphore(%run_scoped3A : memref<!tpu.dma_semaphore, #tpu.memory_space<semaphore_mem>>) src(%dma_wait3A_266 : memref<256x128xf32, #tpu.memory_space<vmem_shared>>) dst(%dma_wait3A_264 : memref<256x128xf32, #tpu.memory_space<hbm>>)
      tpu.yield
    }) : () -> ()
    %scan3A_171 = arith.constant 0 : i32
    %scan3A_172 = arith.constant 0 : i32
    %scan3A_173 = arith.constant 80 : i32
    %scan3A_174 = arith.addi %scan3A_172, %scan3A_173 : i32
    %scan3A_175 = arith.constant 1 : i32
    scf.for %scan3A_257 = %scan3A_172 to %scan3A_174 step %scan3A_175  : i32 {
      %get3A = arith.index_cast %scan3A_257 : i32 to index
      %get3A_258 = arith.constant 0 : index
      %get3A_259 = tpu.vector_load %arg5[%get3A, %get3A_258] {strides = array<i32>} : memref<80x128xi32, #tpu.memory_space<vmem>>, vector<1x16xi32>,
      %get3A_260 = vector.shape_cast %get3A_259 : vector<1x16xi32> to vector<16xi32>
      %shift_right_arithmetic3A = arith.constant 14 : i32
      %shift_right_arithmetic3A_261 = vector.broadcast %shift_right_arithmetic3A : i32 to vector<16xi32>
      %shift_right_arithmetic3A_262 = arith.shrsi %get3A_260, %shift_right_arithmetic3A_261 : vector<16xi32>
      %and3A = arith.constant 16383 : i32
      %and3A_263 = vector.broadcast %and3A : i32 to vector<16xi32>
      %and3A_264 = arith.andi %get3A_260, %and3A_263 : vector<16xi32>
      %sub3A = arith.constant 8192 : i32
      %sub3A_265 = vector.broadcast %sub3A : i32 to vector<16xi32>
      %sub3A_266 = arith.subi %and3A_264, %sub3A_265 : vector<16xi32>
      %ge3A = arith.constant 0 : i32
      %ge3A_267 = vector.broadcast %ge3A : i32 to vector<16xi32>
      %ge3A_268 = arith.cmpi sge, %sub3A_266, %ge3A_267 : vector<16xi32>
      %lt3A = arith.constant 4096 : i32
      %lt3A_269 = vector.broadcast %lt3A : i32 to vector<16xi32>
      %lt3A_270 = arith.cmpi slt, %sub3A_266, %lt3A_269 : vector<16xi32>
      %and3A_271 = arith.andi %ge3A_268, %lt3A_270 : vector<16xi1>
      %jit3A = arith.constant -1 : i32
      %broadcast_in_dim3A = vector.broadcast %jit3A : i32 to vector<16xi32>
      %select_n3A = arith.select %and3A_271, %shift_right_arithmetic3A_262, %broadcast_in_dim3A : vector<16xi1>, vector<16xi32>
      %swap3A = arith.index_cast %scan3A_257 : i32 to index
      %swap3A_272 = arith.constant 0 : index
      %swap3A_273 = tpu.vector_load %arg6[%swap3A, %swap3A_272] {strides = array<i32>} : memref<80x128xi32, #tpu.memory_space<vmem>>, vector<1x16xi32>,
      %swap3A_274 = vector.shape_cast %swap3A_273 : vector<1x16xi32> to vector<16xi32>
      %swap3A_275 = vector.shape_cast %select_n3A : vector<16xi32> to vector<1x16xi32>
      tpu.vector_store %arg6[%swap3A, %swap3A_272], %swap3A_275 {strides = array<i32>} : memref<80x128xi32, #tpu.memory_space<vmem>>, vector<1x16xi32>,
      %jit3A_276 = arith.constant -1 : i32
      %broadcast_in_dim3A_277 = vector.broadcast %jit3A_276 : i32 to vector<16xi32>
      %select_n3A_278 = arith.select %and3A_271, %sub3A_266, %broadcast_in_dim3A_277 : vector<16xi1>, vector<16xi32>
      %swap3A_279 = arith.index_cast %scan3A_257 : i32 to index
      %swap3A_280 = arith.constant 0 : index
      %swap3A_281 = tpu.vector_load %arg7[%swap3A_279, %swap3A_280] {strides = array<i32>} : memref<80x128xi32, #tpu.memory_space<vmem>>, vector<1x16xi32>,
      %swap3A_282 = vector.shape_cast %swap3A_281 : vector<1x16xi32> to vector<16xi32>
      %swap3A_283 = vector.shape_cast %select_n3A_278 : vector<16xi32> to vector<1x16xi32>
      tpu.vector_store %arg7[%swap3A_279, %swap3A_280], %swap3A_283 {strides = array<i32>} : memref<80x128xi32, #tpu.memory_space<vmem>>, vector<1x16xi32>,
      %get3A_284 = arith.index_cast %scan3A_257 : i32 to index
      %get3A_285 = arith.constant 16 : index
      %get3A_286 = tpu.vector_load %arg5[%get3A_284, %get3A_285] {strides = array<i32>} : memref<80x128xi32, #tpu.memory_space<vmem>>, vector<1x16xi32>,
      %get3A_287 = vector.shape_cast %get3A_286 : vector<1x16xi32> to vector<16xi32>
      %shift_right_arithmetic3A_288 = arith.constant 14 : i32
      %shift_right_arithmetic3A_289 = vector.broadcast %shift_right_arithmetic3A_288 : i32 to vector<16xi32>
      %shift_right_arithmetic3A_290 = arith.shrsi %get3A_287, %shift_right_arithmetic3A_289 : vector<16xi32>
      %and3A_291 = arith.constant 16383 : i32
      %and3A_292 = vector.broadcast %and3A_291 : i32 to vector<16xi32>
      %and3A_293 = arith.andi %get3A_287, %and3A_292 : vector<16xi32>
      %sub3A_294 = arith.constant 8192 : i32
      %sub3A_295 = vector.broadcast %sub3A_294 : i32 to vector<16xi32>
      %sub3A_296 = arith.subi %and3A_293, %sub3A_295 : vector<16xi32>
      %ge3A_297 = arith.constant 0 : i32
      %ge3A_298 = vector.broadcast %ge3A_297 : i32 to vector<16xi32>
      %ge3A_299 = arith.cmpi sge, %sub3A_296, %ge3A_298 : vector<16xi32>
      %lt3A_300 = arith.constant 4096 : i32
      %lt3A_301 = vector.broadcast %lt3A_300 : i32 to vector<16xi32>
      %lt3A_302 = arith.cmpi slt, %sub3A_296, %lt3A_301 : vector<16xi32>
      %and3A_303 = arith.andi %ge3A_299, %lt3A_302 : vector<16xi1>
      %jit3A_304 = arith.constant -1 : i32
      %broadcast_in_dim3A_305 = vector.broadcast %jit3A_304 : i32 to vector<16xi32>
      %select_n3A_306 = arith.select %and3A_303, %shift_right_arithmetic3A_290, %broadcast_in_dim3A_305 : vector<16xi1>, vector<16xi32>
      %swap3A_307 = arith.index_cast %scan3A_257 : i32 to index
      %swap3A_308 = arith.constant 16 : index
      %swap3A_309 = tpu.vector_load %arg6[%swap3A_307, %swap3A_308] {strides = array<i32>} : memref<80x128xi32, #tpu.memory_space<vmem>>, vector<1x16xi32>,
      %swap3A_310 = vector.shape_cast %swap3A_309 : vector<1x16xi32> to vector<16xi32>
      %swap3A_311 = vector.shape_cast %select_n3A_306 : vector<16xi32> to vector<1x16xi32>
      tpu.vector_store %arg6[%swap3A_307, %swap3A_308], %swap3A_311 {strides = array<i32>} : memref<80x128xi32, #tpu.memory_space<vmem>>, vector<1x16xi32>,
      %jit3A_312 = arith.constant -1 : i32
      %broadcast_in_dim3A_313 = vector.broadcast %jit3A_312 : i32 to vector<16xi32>
      %select_n3A_314 = arith.select %and3A_303, %sub3A_296, %broadcast_in_dim3A_313 : vector<16xi1>, vector<16xi32>
      %swap3A_315 = arith.index_cast %scan3A_257 : i32 to index
      %swap3A_316 = arith.constant 16 : index
      %swap3A_317 = tpu.vector_load %arg7[%swap3A_315, %swap3A_316] {strides = array<i32>} : memref<80x128xi32, #tpu.memory_space<vmem>>, vector<1x16xi32>,
      %swap3A_318 = vector.shape_cast %swap3A_317 : vector<1x16xi32> to vector<16xi32>
      %swap3A_319 = vector.shape_cast %select_n3A_314 : vector<16xi32> to vector<1x16xi32>
      tpu.vector_store %arg7[%swap3A_315, %swap3A_316], %swap3A_319 {strides = array<i32>} : memref<80x128xi32, #tpu.memory_space<vmem>>, vector<1x16xi32>,
      %get3A_320 = arith.index_cast %scan3A_257 : i32 to index
      %get3A_321 = arith.constant 32 : index
      %get3A_322 = tpu.vector_load %arg5[%get3A_320, %get3A_321] {strides = array<i32>} : memref<80x128xi32, #tpu.memory_space<vmem>>, vector<1x16xi32>,
      %get3A_323 = vector.shape_cast %get3A_322 : vector<1x16xi32> to vector<16xi32>
      %shift_right_arithmetic3A_324 = arith.constant 14 : i32
      %shift_right_arithmetic3A_325 = vector.broadcast %shift_right_arithmetic3A_324 : i32 to vector<16xi32>
      %shift_right_arithmetic3A_326 = arith.shrsi %get3A_323, %shift_right_arithmetic3A_325 : vector<16xi32>
      %and3A_327 = arith.constant 16383 : i32
      %and3A_328 = vector.broadcast %and3A_327 : i32 to vector<16xi32>
      %and3A_329 = arith.andi %get3A_323, %and3A_328 : vector<16xi32>
      %sub3A_330 = arith.constant 8192 : i32
      %sub3A_331 = vector.broadcast %sub3A_330 : i32 to vector<16xi32>
      %sub3A_332 = arith.subi %and3A_329, %sub3A_331 : vector<16xi32>
      %ge3A_333 = arith.constant 0 : i32
      %ge3A_334 = vector.broadcast %ge3A_333 : i32 to vector<16xi32>
      %ge3A_335 = arith.cmpi sge, %sub3A_332, %ge3A_334 : vector<16xi32>
      %lt3A_336 = arith.constant 4096 : i32
      %lt3A_337 = vector.broadcast %lt3A_336 : i32 to vector<16xi32>
      %lt3A_338 = arith.cmpi slt, %sub3A_332, %lt3A_337 : vector<16xi32>
      %and3A_339 = arith.andi %ge3A_335, %lt3A_338 : vector<16xi1>
      %jit3A_340 = arith.constant -1 : i32
      %broadcast_in_dim3A_341 = vector.broadcast %jit3A_340 : i32 to vector<16xi32>
      %select_n3A_342 = arith.select %and3A_339, %shift_right_arithmetic3A_326, %broadcast_in_dim3A_341 : vector<16xi1>, vector<16xi32>
      %swap3A_343 = arith.index_cast %scan3A_257 : i32 to index
      %swap3A_344 = arith.constant 32 : index
      %swap3A_345 = tpu.vector_load %arg6[%swap3A_343, %swap3A_344] {strides = array<i32>} : memref<80x128xi32, #tpu.memory_space<vmem>>, vector<1x16xi32>,
      %swap3A_346 = vector.shape_cast %swap3A_345 : vector<1x16xi32> to vector<16xi32>
      %swap3A_347 = vector.shape_cast %select_n3A_342 : vector<16xi32> to vector<1x16xi32>
      tpu.vector_store %arg6[%swap3A_343, %swap3A_344], %swap3A_347 {strides = array<i32>} : memref<80x128xi32, #tpu.memory_space<vmem>>, vector<1x16xi32>,
      %jit3A_348 = arith.constant -1 : i32
      %broadcast_in_dim3A_349 = vector.broadcast %jit3A_348 : i32 to vector<16xi32>
      %select_n3A_350 = arith.select %and3A_339, %sub3A_332, %broadcast_in_dim3A_349 : vector<16xi1>, vector<16xi32>
      %swap3A_351 = arith.index_cast %scan3A_257 : i32 to index
      %swap3A_352 = arith.constant 32 : index
      %swap3A_353 = tpu.vector_load %arg7[%swap3A_351, %swap3A_352] {strides = array<i32>} : memref<80x128xi32, #tpu.memory_space<vmem>>, vector<1x16xi32>,
      %swap3A_354 = vector.shape_cast %swap3A_353 : vector<1x16xi32> to vector<16xi32>
      %swap3A_355 = vector.shape_cast %select_n3A_350 : vector<16xi32> to vector<1x16xi32>
      tpu.vector_store %arg7[%swap3A_351, %swap3A_352], %swap3A_355 {strides = array<i32>} : memref<80x128xi32, #tpu.memory_space<vmem>>, vector<1x16xi32>,
      %get3A_356 = arith.index_cast %scan3A_257 : i32 to index
      %get3A_357 = arith.constant 48 : index
      %get3A_358 = tpu.vector_load %arg5[%get3A_356, %get3A_357] {strides = array<i32>} : memref<80x128xi32, #tpu.memory_space<vmem>>, vector<1x16xi32>,
      %get3A_359 = vector.shape_cast %get3A_358 : vector<1x16xi32> to vector<16xi32>
      %shift_right_arithmetic3A_360 = arith.constant 14 : i32
      %shift_right_arithmetic3A_361 = vector.broadcast %shift_right_arithmetic3A_360 : i32 to vector<16xi32>
      %shift_right_arithmetic3A_362 = arith.shrsi %get3A_359, %shift_right_arithmetic3A_361 : vector<16xi32>
      %and3A_363 = arith.constant 16383 : i32
      %and3A_364 = vector.broadcast %and3A_363 : i32 to vector<16xi32>
      %and3A_365 = arith.andi %get3A_359, %and3A_364 : vector<16xi32>
      %sub3A_366 = arith.constant 8192 : i32
      %sub3A_367 = vector.broadcast %sub3A_366 : i32 to vector<16xi32>
      %sub3A_368 = arith.subi %and3A_365, %sub3A_367 : vector<16xi32>
      %ge3A_369 = arith.constant 0 : i32
      %ge3A_370 = vector.broadcast %ge3A_369 : i32 to vector<16xi32>
      %ge3A_371 = arith.cmpi sge, %sub3A_368, %ge3A_370 : vector<16xi32>
      %lt3A_372 = arith.constant 4096 : i32
      %lt3A_373 = vector.broadcast %lt3A_372 : i32 to vector<16xi32>
      %lt3A_374 = arith.cmpi slt, %sub3A_368, %lt3A_373 : vector<16xi32>
      %and3A_375 = arith.andi %ge3A_371, %lt3A_374 : vector<16xi1>
      %jit3A_376 = arith.constant -1 : i32
      %broadcast_in_dim3A_377 = vector.broadcast %jit3A_376 : i32 to vector<16xi32>
      %select_n3A_378 = arith.select %and3A_375, %shift_right_arithmetic3A_362, %broadcast_in_dim3A_377 : vector<16xi1>, vector<16xi32>
      %swap3A_379 = arith.index_cast %scan3A_257 : i32 to index
      %swap3A_380 = arith.constant 48 : index
      %swap3A_381 = tpu.vector_load %arg6[%swap3A_379, %swap3A_380] {strides = array<i32>} : memref<80x128xi32, #tpu.memory_space<vmem>>, vector<1x16xi32>,
      %swap3A_382 = vector.shape_cast %swap3A_381 : vector<1x16xi32> to vector<16xi32>
      %swap3A_383 = vector.shape_cast %select_n3A_378 : vector<16xi32> to vector<1x16xi32>
      tpu.vector_store %arg6[%swap3A_379, %swap3A_380], %swap3A_383 {strides = array<i32>} : memref<80x128xi32, #tpu.memory_space<vmem>>, vector<1x16xi32>,
      %jit3A_384 = arith.constant -1 : i32
      %broadcast_in_dim3A_385 = vector.broadcast %jit3A_384 : i32 to vector<16xi32>
      %select_n3A_386 = arith.select %and3A_375, %sub3A_368, %broadcast_in_dim3A_385 : vector<16xi1>, vector<16xi32>
      %swap3A_387 = arith.index_cast %scan3A_257 : i32 to index
      %swap3A_388 = arith.constant 48 : index
      %swap3A_389 = tpu.vector_load %arg7[%swap3A_387, %swap3A_388] {strides = array<i32>} : memref<80x128xi32, #tpu.memory_space<vmem>>, vector<1x16xi32>,
      %swap3A_390 = vector.shape_cast %swap3A_389 : vector<1x16xi32> to vector<16xi32>
      %swap3A_391 = vector.shape_cast %select_n3A_386 : vector<16xi32> to vector<1x16xi32>
      tpu.vector_store %arg7[%swap3A_387, %swap3A_388], %swap3A_391 {strides = array<i32>} : memref<80x128xi32, #tpu.memory_space<vmem>>, vector<1x16xi32>,
      %get3A_392 = arith.index_cast %scan3A_257 : i32 to index
      %get3A_393 = arith.constant 64 : index
      %get3A_394 = tpu.vector_load %arg5[%get3A_392, %get3A_393] {strides = array<i32>} : memref<80x128xi32, #tpu.memory_space<vmem>>, vector<1x16xi32>,
      %get3A_395 = vector.shape_cast %get3A_394 : vector<1x16xi32> to vector<16xi32>
      %shift_right_arithmetic3A_396 = arith.constant 14 : i32
      %shift_right_arithmetic3A_397 = vector.broadcast %shift_right_arithmetic3A_396 : i32 to vector<16xi32>
      %shift_right_arithmetic3A_398 = arith.shrsi %get3A_395, %shift_right_arithmetic3A_397 : vector<16xi32>
      %and3A_399 = arith.constant 16383 : i32
      %and3A_400 = vector.broadcast %and3A_399 : i32 to vector<16xi32>
      %and3A_401 = arith.andi %get3A_395, %and3A_400 : vector<16xi32>
      %sub3A_402 = arith.constant 8192 : i32
      %sub3A_403 = vector.broadcast %sub3A_402 : i32 to vector<16xi32>
      %sub3A_404 = arith.subi %and3A_401, %sub3A_403 : vector<16xi32>
      %ge3A_405 = arith.constant 0 : i32
      %ge3A_406 = vector.broadcast %ge3A_405 : i32 to vector<16xi32>
      %ge3A_407 = arith.cmpi sge, %sub3A_404, %ge3A_406 : vector<16xi32>
      %lt3A_408 = arith.constant 4096 : i32
      %lt3A_409 = vector.broadcast %lt3A_408 : i32 to vector<16xi32>
      %lt3A_410 = arith.cmpi slt, %sub3A_404, %lt3A_409 : vector<16xi32>
      %and3A_411 = arith.andi %ge3A_407, %lt3A_410 : vector<16xi1>
      %jit3A_412 = arith.constant -1 : i32
      %broadcast_in_dim3A_413 = vector.broadcast %jit3A_412 : i32 to vector<16xi32>
      %select_n3A_414 = arith.select %and3A_411, %shift_right_arithmetic3A_398, %broadcast_in_dim3A_413 : vector<16xi1>, vector<16xi32>
      %swap3A_415 = arith.index_cast %scan3A_257 : i32 to index
      %swap3A_416 = arith.constant 64 : index
      %swap3A_417 = tpu.vector_load %arg6[%swap3A_415, %swap3A_416] {strides = array<i32>} : memref<80x128xi32, #tpu.memory_space<vmem>>, vector<1x16xi32>,
      %swap3A_418 = vector.shape_cast %swap3A_417 : vector<1x16xi32> to vector<16xi32>
      %swap3A_419 = vector.shape_cast %select_n3A_414 : vector<16xi32> to vector<1x16xi32>
      tpu.vector_store %arg6[%swap3A_415, %swap3A_416], %swap3A_419 {strides = array<i32>} : memref<80x128xi32, #tpu.memory_space<vmem>>, vector<1x16xi32>,
      %jit3A_420 = arith.constant -1 : i32
      %broadcast_in_dim3A_421 = vector.broadcast %jit3A_420 : i32 to vector<16xi32>
      %select_n3A_422 = arith.select %and3A_411, %sub3A_404, %broadcast_in_dim3A_421 : vector<16xi1>, vector<16xi32>
      %swap3A_423 = arith.index_cast %scan3A_257 : i32 to index
      %swap3A_424 = arith.constant 64 : index
      %swap3A_425 = tpu.vector_load %arg7[%swap3A_423, %swap3A_424] {strides = array<i32>} : memref<80x128xi32, #tpu.memory_space<vmem>>, vector<1x16xi32>,
      %swap3A_426 = vector.shape_cast %swap3A_425 : vector<1x16xi32> to vector<16xi32>
      %swap3A_427 = vector.shape_cast %select_n3A_422 : vector<16xi32> to vector<1x16xi32>
      tpu.vector_store %arg7[%swap3A_423, %swap3A_424], %swap3A_427 {strides = array<i32>} : memref<80x128xi32, #tpu.memory_space<vmem>>, vector<1x16xi32>,
      %get3A_428 = arith.index_cast %scan3A_257 : i32 to index
      %get3A_429 = arith.constant 80 : index
      %get3A_430 = tpu.vector_load %arg5[%get3A_428, %get3A_429] {strides = array<i32>} : memref<80x128xi32, #tpu.memory_space<vmem>>, vector<1x16xi32>,
      %get3A_431 = vector.shape_cast %get3A_430 : vector<1x16xi32> to vector<16xi32>
      %shift_right_arithmetic3A_432 = arith.constant 14 : i32
      %shift_right_arithmetic3A_433 = vector.broadcast %shift_right_arithmetic3A_432 : i32 to vector<16xi32>
      %shift_right_arithmetic3A_434 = arith.shrsi %get3A_431, %shift_right_arithmetic3A_433 : vector<16xi32>
      %and3A_435 = arith.constant 16383 : i32
      %and3A_436 = vector.broadcast %and3A_435 : i32 to vector<16xi32>
      %and3A_437 = arith.andi %get3A_431, %and3A_436 : vector<16xi32>
      %sub3A_438 = arith.constant 8192 : i32
      %sub3A_439 = vector.broadcast %sub3A_438 : i32 to vector<16xi32>
      %sub3A_440 = arith.subi %and3A_437, %sub3A_439 : vector<16xi32>
      %ge3A_441 = arith.constant 0 : i32
      %ge3A_442 = vector.broadcast %ge3A_441 : i32 to vector<16xi32>
      %ge3A_443 = arith.cmpi sge, %sub3A_440, %ge3A_442 : vector<16xi32>
      %lt3A_444 = arith.constant 4096 : i32
      %lt3A_445 = vector.broadcast %lt3A_444 : i32 to vector<16xi32>
      %lt3A_446 = arith.cmpi slt, %sub3A_440, %lt3A_445 : vector<16xi32>
      %and3A_447 = arith.andi %ge3A_443, %lt3A_446 : vector<16xi1>
      %jit3A_448 = arith.constant -1 : i32
      %broadcast_in_dim3A_449 = vector.broadcast %jit3A_448 : i32 to vector<16xi32>
      %select_n3A_450 = arith.select %and3A_447, %shift_right_arithmetic3A_434, %broadcast_in_dim3A_449 : vector<16xi1>, vector<16xi32>
      %swap3A_451 = arith.index_cast %scan3A_257 : i32 to index
      %swap3A_452 = arith.constant 80 : index
      %swap3A_453 = tpu.vector_load %arg6[%swap3A_451, %swap3A_452] {strides = array<i32>} : memref<80x128xi32, #tpu.memory_space<vmem>>, vector<1x16xi32>,
      %swap3A_454 = vector.shape_cast %swap3A_453 : vector<1x16xi32> to vector<16xi32>
      %swap3A_455 = vector.shape_cast %select_n3A_450 : vector<16xi32> to vector<1x16xi32>
      tpu.vector_store %arg6[%swap3A_451, %swap3A_452], %swap3A_455 {strides = array<i32>} : memref<80x128xi32, #tpu.memory_space<vmem>>, vector<1x16xi32>,
      %jit3A_456 = arith.constant -1 : i32
      %broadcast_in_dim3A_457 = vector.broadcast %jit3A_456 : i32 to vector<16xi32>
      %select_n3A_458 = arith.select %and3A_447, %sub3A_440, %broadcast_in_dim3A_457 : vector<16xi1>, vector<16xi32>
      %swap3A_459 = arith.index_cast %scan3A_257 : i32 to index
      %swap3A_460 = arith.constant 80 : index
      %swap3A_461 = tpu.vector_load %arg7[%swap3A_459, %swap3A_460] {strides = array<i32>} : memref<80x128xi32, #tpu.memory_space<vmem>>, vector<1x16xi32>,
      %swap3A_462 = vector.shape_cast %swap3A_461 : vector<1x16xi32> to vector<16xi32>
      %swap3A_463 = vector.shape_cast %select_n3A_458 : vector<16xi32> to vector<1x16xi32>
      tpu.vector_store %arg7[%swap3A_459, %swap3A_460], %swap3A_463 {strides = array<i32>} : memref<80x128xi32, #tpu.memory_space<vmem>>, vector<1x16xi32>,
      %get3A_464 = arith.index_cast %scan3A_257 : i32 to index
      %get3A_465 = arith.constant 96 : index
      %get3A_466 = tpu.vector_load %arg5[%get3A_464, %get3A_465] {strides = array<i32>} : memref<80x128xi32, #tpu.memory_space<vmem>>, vector<1x16xi32>,
      %get3A_467 = vector.shape_cast %get3A_466 : vector<1x16xi32> to vector<16xi32>
      %shift_right_arithmetic3A_468 = arith.constant 14 : i32
      %shift_right_arithmetic3A_469 = vector.broadcast %shift_right_arithmetic3A_468 : i32 to vector<16xi32>
      %shift_right_arithmetic3A_470 = arith.shrsi %get3A_467, %shift_right_arithmetic3A_469 : vector<16xi32>
      %and3A_471 = arith.constant 16383 : i32
      %and3A_472 = vector.broadcast %and3A_471 : i32 to vector<16xi32>
      %and3A_473 = arith.andi %get3A_467, %and3A_472 : vector<16xi32>
      %sub3A_474 = arith.constant 8192 : i32
      %sub3A_475 = vector.broadcast %sub3A_474 : i32 to vector<16xi32>
      %sub3A_476 = arith.subi %and3A_473, %sub3A_475 : vector<16xi32>
      %ge3A_477 = arith.constant 0 : i32
      %ge3A_478 = vector.broadcast %ge3A_477 : i32 to vector<16xi32>
      %ge3A_479 = arith.cmpi sge, %sub3A_476, %ge3A_478 : vector<16xi32>
      %lt3A_480 = arith.constant 4096 : i32
      %lt3A_481 = vector.broadcast %lt3A_480 : i32 to vector<16xi32>
      %lt3A_482 = arith.cmpi slt, %sub3A_476, %lt3A_481 : vector<16xi32>
      %and3A_483 = arith.andi %ge3A_479, %lt3A_482 : vector<16xi1>
      %jit3A_484 = arith.constant -1 : i32
      %broadcast_in_dim3A_485 = vector.broadcast %jit3A_484 : i32 to vector<16xi32>
      %select_n3A_486 = arith.select %and3A_483, %shift_right_arithmetic3A_470, %broadcast_in_dim3A_485 : vector<16xi1>, vector<16xi32>
      %swap3A_487 = arith.index_cast %scan3A_257 : i32 to index
      %swap3A_488 = arith.constant 96 : index
      %swap3A_489 = tpu.vector_load %arg6[%swap3A_487, %swap3A_488] {strides = array<i32>} : memref<80x128xi32, #tpu.memory_space<vmem>>, vector<1x16xi32>,
      %swap3A_490 = vector.shape_cast %swap3A_489 : vector<1x16xi32> to vector<16xi32>
      %swap3A_491 = vector.shape_cast %select_n3A_486 : vector<16xi32> to vector<1x16xi32>
      tpu.vector_store %arg6[%swap3A_487, %swap3A_488], %swap3A_491 {strides = array<i32>} : memref<80x128xi32, #tpu.memory_space<vmem>>, vector<1x16xi32>,
      %jit3A_492 = arith.constant -1 : i32
      %broadcast_in_dim3A_493 = vector.broadcast %jit3A_492 : i32 to vector<16xi32>
      %select_n3A_494 = arith.select %and3A_483, %sub3A_476, %broadcast_in_dim3A_493 : vector<16xi1>, vector<16xi32>
      %swap3A_495 = arith.index_cast %scan3A_257 : i32 to index
      %swap3A_496 = arith.constant 96 : index
      %swap3A_497 = tpu.vector_load %arg7[%swap3A_495, %swap3A_496] {strides = array<i32>} : memref<80x128xi32, #tpu.memory_space<vmem>>, vector<1x16xi32>,
      %swap3A_498 = vector.shape_cast %swap3A_497 : vector<1x16xi32> to vector<16xi32>
      %swap3A_499 = vector.shape_cast %select_n3A_494 : vector<16xi32> to vector<1x16xi32>
      tpu.vector_store %arg7[%swap3A_495, %swap3A_496], %swap3A_499 {strides = array<i32>} : memref<80x128xi32, #tpu.memory_space<vmem>>, vector<1x16xi32>,
      %get3A_500 = arith.index_cast %scan3A_257 : i32 to index
      %get3A_501 = arith.constant 112 : index
      %get3A_502 = tpu.vector_load %arg5[%get3A_500, %get3A_501] {strides = array<i32>} : memref<80x128xi32, #tpu.memory_space<vmem>>, vector<1x16xi32>,
      %get3A_503 = vector.shape_cast %get3A_502 : vector<1x16xi32> to vector<16xi32>
      %shift_right_arithmetic3A_504 = arith.constant 14 : i32
      %shift_right_arithmetic3A_505 = vector.broadcast %shift_right_arithmetic3A_504 : i32 to vector<16xi32>
      %shift_right_arithmetic3A_506 = arith.shrsi %get3A_503, %shift_right_arithmetic3A_505 : vector<16xi32>
      %and3A_507 = arith.constant 16383 : i32
      %and3A_508 = vector.broadcast %and3A_507 : i32 to vector<16xi32>
      %and3A_509 = arith.andi %get3A_503, %and3A_508 : vector<16xi32>
      %sub3A_510 = arith.constant 8192 : i32
      %sub3A_511 = vector.broadcast %sub3A_510 : i32 to vector<16xi32>
      %sub3A_512 = arith.subi %and3A_509, %sub3A_511 : vector<16xi32>
      %ge3A_513 = arith.constant 0 : i32
      %ge3A_514 = vector.broadcast %ge3A_513 : i32 to vector<16xi32>
      %ge3A_515 = arith.cmpi sge, %sub3A_512, %ge3A_514 : vector<16xi32>
      %lt3A_516 = arith.constant 4096 : i32
      %lt3A_517 = vector.broadcast %lt3A_516 : i32 to vector<16xi32>
      %lt3A_518 = arith.cmpi slt, %sub3A_512, %lt3A_517 : vector<16xi32>
      %and3A_519 = arith.andi %ge3A_515, %lt3A_518 : vector<16xi1>
      %jit3A_520 = arith.constant -1 : i32
      %broadcast_in_dim3A_521 = vector.broadcast %jit3A_520 : i32 to vector<16xi32>
      %select_n3A_522 = arith.select %and3A_519, %shift_right_arithmetic3A_506, %broadcast_in_dim3A_521 : vector<16xi1>, vector<16xi32>
      %swap3A_523 = arith.index_cast %scan3A_257 : i32 to index
      %swap3A_524 = arith.constant 112 : index
      %swap3A_525 = tpu.vector_load %arg6[%swap3A_523, %swap3A_524] {strides = array<i32>} : memref<80x128xi32, #tpu.memory_space<vmem>>, vector<1x16xi32>,
      %swap3A_526 = vector.shape_cast %swap3A_525 : vector<1x16xi32> to vector<16xi32>
      %swap3A_527 = vector.shape_cast %select_n3A_522 : vector<16xi32> to vector<1x16xi32>
      tpu.vector_store %arg6[%swap3A_523, %swap3A_524], %swap3A_527 {strides = array<i32>} : memref<80x128xi32, #tpu.memory_space<vmem>>, vector<1x16xi32>,
      %jit3A_528 = arith.constant -1 : i32
      %broadcast_in_dim3A_529 = vector.broadcast %jit3A_528 : i32 to vector<16xi32>
      %select_n3A_530 = arith.select %and3A_519, %sub3A_512, %broadcast_in_dim3A_529 : vector<16xi1>, vector<16xi32>
      %swap3A_531 = arith.index_cast %scan3A_257 : i32 to index
      %swap3A_532 = arith.constant 112 : index
      %swap3A_533 = tpu.vector_load %arg7[%swap3A_531, %swap3A_532] {strides = array<i32>} : memref<80x128xi32, #tpu.memory_space<vmem>>, vector<1x16xi32>,
      %swap3A_534 = vector.shape_cast %swap3A_533 : vector<1x16xi32> to vector<16xi32>
      %swap3A_535 = vector.shape_cast %select_n3A_530 : vector<16xi32> to vector<1x16xi32>
      tpu.vector_store %arg7[%swap3A_531, %swap3A_532], %swap3A_535 {strides = array<i32>} : memref<80x128xi32, #tpu.memory_space<vmem>>, vector<1x16xi32>,
    }
    %scan3A_176 = arith.constant 80 : i32
    %scan3A_177 = arith.constant 0 : i32
    %scan3A_178 = arith.constant 0 : i32
    %scan3A_179 = arith.constant 128 : i32
    %scan3A_180 = arith.addi %scan3A_178, %scan3A_179 : i32
    %scan3A_181 = arith.constant 1 : i32
    scf.for %scan3A_257 = %scan3A_178 to %scan3A_180 step %scan3A_181  : i32 {
      %broadcast_in_dim3A = arith.constant 0.000000e+00 : f32
      %broadcast_in_dim3A_258 = vector.broadcast %broadcast_in_dim3A : f32 to vector<16xf32>
      %swap3A = arith.index_cast %scan3A_257 : i32 to index
      %swap3A_259 = arith.constant 0 : index
      %swap3A_260 = tpu.vector_load %arg8[%swap3A, %swap3A_259] {strides = array<i32>} : memref<128x128xf32, #tpu.memory_space<vmem>>, vector<1x16xf32>,
      %swap3A_261 = vector.shape_cast %swap3A_260 : vector<1x16xf32> to vector<16xf32>
      %swap3A_262 = vector.shape_cast %broadcast_in_dim3A_258 : vector<16xf32> to vector<1x16xf32>
      tpu.vector_store %arg8[%swap3A, %swap3A_259], %swap3A_262 {strides = array<i32>} : memref<128x128xf32, #tpu.memory_space<vmem>>, vector<1x16xf32>,
      %broadcast_in_dim3A_263 = arith.constant 0.000000e+00 : f32
      %broadcast_in_dim3A_264 = vector.broadcast %broadcast_in_dim3A_263 : f32 to vector<16xf32>
      %swap3A_265 = arith.index_cast %scan3A_257 : i32 to index
      %swap3A_266 = arith.constant 16 : index
      %swap3A_267 = tpu.vector_load %arg8[%swap3A_265, %swap3A_266] {strides = array<i32>} : memref<128x128xf32, #tpu.memory_space<vmem>>, vector<1x16xf32>,
      %swap3A_268 = vector.shape_cast %swap3A_267 : vector<1x16xf32> to vector<16xf32>
      %swap3A_269 = vector.shape_cast %broadcast_in_dim3A_264 : vector<16xf32> to vector<1x16xf32>
      tpu.vector_store %arg8[%swap3A_265, %swap3A_266], %swap3A_269 {strides = array<i32>} : memref<128x128xf32, #tpu.memory_space<vmem>>, vector<1x16xf32>,
      %broadcast_in_dim3A_270 = arith.constant 0.000000e+00 : f32
      %broadcast_in_dim3A_271 = vector.broadcast %broadcast_in_dim3A_270 : f32 to vector<16xf32>
      %swap3A_272 = arith.index_cast %scan3A_257 : i32 to index
      %swap3A_273 = arith.constant 32 : index
      %swap3A_274 = tpu.vector_load %arg8[%swap3A_272, %swap3A_273] {strides = array<i32>} : memref<128x128xf32, #tpu.memory_space<vmem>>, vector<1x16xf32>,
      %swap3A_275 = vector.shape_cast %swap3A_274 : vector<1x16xf32> to vector<16xf32>
      %swap3A_276 = vector.shape_cast %broadcast_in_dim3A_271 : vector<16xf32> to vector<1x16xf32>
      tpu.vector_store %arg8[%swap3A_272, %swap3A_273], %swap3A_276 {strides = array<i32>} : memref<128x128xf32, #tpu.memory_space<vmem>>, vector<1x16xf32>,
      %broadcast_in_dim3A_277 = arith.constant 0.000000e+00 : f32
      %broadcast_in_dim3A_278 = vector.broadcast %broadcast_in_dim3A_277 : f32 to vector<16xf32>
      %swap3A_279 = arith.index_cast %scan3A_257 : i32 to index
      %swap3A_280 = arith.constant 48 : index
      %swap3A_281 = tpu.vector_load %arg8[%swap3A_279, %swap3A_280] {strides = array<i32>} : memref<128x128xf32, #tpu.memory_space<vmem>>, vector<1x16xf32>,
      %swap3A_282 = vector.shape_cast %swap3A_281 : vector<1x16xf32> to vector<16xf32>
      %swap3A_283 = vector.shape_cast %broadcast_in_dim3A_278 : vector<16xf32> to vector<1x16xf32>
      tpu.vector_store %arg8[%swap3A_279, %swap3A_280], %swap3A_283 {strides = array<i32>} : memref<128x128xf32, #tpu.memory_space<vmem>>, vector<1x16xf32>,
      %broadcast_in_dim3A_284 = arith.constant 0.000000e+00 : f32
      %broadcast_in_dim3A_285 = vector.broadcast %broadcast_in_dim3A_284 : f32 to vector<16xf32>
      %swap3A_286 = arith.index_cast %scan3A_257 : i32 to index
      %swap3A_287 = arith.constant 64 : index
      %swap3A_288 = tpu.vector_load %arg8[%swap3A_286, %swap3A_287] {strides = array<i32>} : memref<128x128xf32, #tpu.memory_space<vmem>>, vector<1x16xf32>,
      %swap3A_289 = vector.shape_cast %swap3A_288 : vector<1x16xf32> to vector<16xf32>
      %swap3A_290 = vector.shape_cast %broadcast_in_dim3A_285 : vector<16xf32> to vector<1x16xf32>
      tpu.vector_store %arg8[%swap3A_286, %swap3A_287], %swap3A_290 {strides = array<i32>} : memref<128x128xf32, #tpu.memory_space<vmem>>, vector<1x16xf32>,
      %broadcast_in_dim3A_291 = arith.constant 0.000000e+00 : f32
      %broadcast_in_dim3A_292 = vector.broadcast %broadcast_in_dim3A_291 : f32 to vector<16xf32>
      %swap3A_293 = arith.index_cast %scan3A_257 : i32 to index
      %swap3A_294 = arith.constant 80 : index
      %swap3A_295 = tpu.vector_load %arg8[%swap3A_293, %swap3A_294] {strides = array<i32>} : memref<128x128xf32, #tpu.memory_space<vmem>>, vector<1x16xf32>,
      %swap3A_296 = vector.shape_cast %swap3A_295 : vector<1x16xf32> to vector<16xf32>
      %swap3A_297 = vector.shape_cast %broadcast_in_dim3A_292 : vector<16xf32> to vector<1x16xf32>
      tpu.vector_store %arg8[%swap3A_293, %swap3A_294], %swap3A_297 {strides = array<i32>} : memref<128x128xf32, #tpu.memory_space<vmem>>, vector<1x16xf32>,
      %broadcast_in_dim3A_298 = arith.constant 0.000000e+00 : f32
      %broadcast_in_dim3A_299 = vector.broadcast %broadcast_in_dim3A_298 : f32 to vector<16xf32>
      %swap3A_300 = arith.index_cast %scan3A_257 : i32 to index
      %swap3A_301 = arith.constant 96 : index
      %swap3A_302 = tpu.vector_load %arg8[%swap3A_300, %swap3A_301] {strides = array<i32>} : memref<128x128xf32, #tpu.memory_space<vmem>>, vector<1x16xf32>,
      %swap3A_303 = vector.shape_cast %swap3A_302 : vector<1x16xf32> to vector<16xf32>
      %swap3A_304 = vector.shape_cast %broadcast_in_dim3A_299 : vector<16xf32> to vector<1x16xf32>
      tpu.vector_store %arg8[%swap3A_300, %swap3A_301], %swap3A_304 {strides = array<i32>} : memref<128x128xf32, #tpu.memory_space<vmem>>, vector<1x16xf32>,
      %broadcast_in_dim3A_305 = arith.constant 0.000000e+00 : f32
      %broadcast_in_dim3A_306 = vector.broadcast %broadcast_in_dim3A_305 : f32 to vector<16xf32>
      %swap3A_307 = arith.index_cast %scan3A_257 : i32 to index
      %swap3A_308 = arith.constant 112 : index
      %swap3A_309 = tpu.vector_load %arg8[%swap3A_307, %swap3A_308] {strides = array<i32>} : memref<128x128xf32, #tpu.memory_space<vmem>>, vector<1x16xf32>,
      %swap3A_310 = vector.shape_cast %swap3A_309 : vector<1x16xf32> to vector<16xf32>
      %swap3A_311 = vector.shape_cast %broadcast_in_dim3A_306 : vector<16xf32> to vector<1x16xf32>
      tpu.vector_store %arg8[%swap3A_307, %swap3A_308], %swap3A_311 {strides = array<i32>} : memref<128x128xf32, #tpu.memory_space<vmem>>, vector<1x16xf32>,
    }
    %scan3A_182 = arith.constant 128 : i32
    %add3A_183 = arith.constant 0 : i32
    %add3A_184 = arith.addi %mul3A_2, %add3A_183 : i32
    "tpu.region"() ({
      %run_scoped3A = tpu.sem_alloc : memref<!tpu.dma_semaphore, #tpu.memory_space<semaphore_mem>>
      %dma_start3A_257 = arith.constant 0 : i32
      %dma_start3A_258 = tpu.memref_slice %arg12[%add3A_184, %dma_start3A_257] : memref<4096x128xf32, #tpu.memory_space<vmem_shared>> -> memref<128x128xf32, #tpu.memory_space<vmem_shared>>
      %dma_start3A_259 = arith.constant 0 : i32
      %dma_start3A_260 = tpu.memref_slice %arg12[%add3A_184, %dma_start3A_259] : memref<4096x128xf32, #tpu.memory_space<vmem_shared>> -> memref<128x128xf32, #tpu.memory_space<vmem_shared>>
      tpu.enqueue_dma source(%arg8 : memref<128x128xf32, #tpu.memory_space<vmem>>) target(%dma_start3A_260 : memref<128x128xf32, #tpu.memory_space<vmem_shared>>) target_semaphore(%run_scoped3A : memref<!tpu.dma_semaphore, #tpu.memory_space<semaphore_mem>>)
      %dma_wait3A_261 = arith.constant 0 : i32
      %dma_wait3A_262 = tpu.memref_slice %arg12[%add3A_184, %dma_wait3A_261] : memref<4096x128xf32, #tpu.memory_space<vmem_shared>> -> memref<128x128xf32, #tpu.memory_space<vmem_shared>>
      %dma_wait3A_263 = arith.constant 0 : i32
      %dma_wait3A_264 = tpu.memref_slice %arg12[%add3A_184, %dma_wait3A_263] : memref<4096x128xf32, #tpu.memory_space<vmem_shared>> -> memref<128x128xf32, #tpu.memory_space<vmem_shared>>
      tpu.wait_dma2 semaphore(%run_scoped3A : memref<!tpu.dma_semaphore, #tpu.memory_space<semaphore_mem>>) src(%arg8 : memref<128x128xf32, #tpu.memory_space<vmem>>) dst(%dma_wait3A_264 : memref<128x128xf32, #tpu.memory_space<vmem_shared>>)
      tpu.yield
    }) : () -> ()
    %add3A_185 = arith.constant 128 : i32
    %add3A_186 = arith.addi %mul3A_2, %add3A_185 : i32
    "tpu.region"() ({
      %run_scoped3A = tpu.sem_alloc : memref<!tpu.dma_semaphore, #tpu.memory_space<semaphore_mem>>
      %dma_start3A_257 = arith.constant 0 : i32
      %dma_start3A_258 = tpu.memref_slice %arg12[%add3A_186, %dma_start3A_257] : memref<4096x128xf32, #tpu.memory_space<vmem_shared>> -> memref<128x128xf32, #tpu.memory_space<vmem_shared>>
      %dma_start3A_259 = arith.constant 0 : i32
      %dma_start3A_260 = tpu.memref_slice %arg12[%add3A_186, %dma_start3A_259] : memref<4096x128xf32, #tpu.memory_space<vmem_shared>> -> memref<128x128xf32, #tpu.memory_space<vmem_shared>>
      tpu.enqueue_dma source(%arg8 : memref<128x128xf32, #tpu.memory_space<vmem>>) target(%dma_start3A_260 : memref<128x128xf32, #tpu.memory_space<vmem_shared>>) target_semaphore(%run_scoped3A : memref<!tpu.dma_semaphore, #tpu.memory_space<semaphore_mem>>)
      %dma_wait3A_261 = arith.constant 0 : i32
      %dma_wait3A_262 = tpu.memref_slice %arg12[%add3A_186, %dma_wait3A_261] : memref<4096x128xf32, #tpu.memory_space<vmem_shared>> -> memref<128x128xf32, #tpu.memory_space<vmem_shared>>
      %dma_wait3A_263 = arith.constant 0 : i32
      %dma_wait3A_264 = tpu.memref_slice %arg12[%add3A_186, %dma_wait3A_263] : memref<4096x128xf32, #tpu.memory_space<vmem_shared>> -> memref<128x128xf32, #tpu.memory_space<vmem_shared>>
      tpu.wait_dma2 semaphore(%run_scoped3A : memref<!tpu.dma_semaphore, #tpu.memory_space<semaphore_mem>>) src(%arg8 : memref<128x128xf32, #tpu.memory_space<vmem>>) dst(%dma_wait3A_264 : memref<128x128xf32, #tpu.memory_space<vmem_shared>>)
      tpu.yield
    }) : () -> ()
    %barrier3A_187 = arith.constant 0 : index
    tpu.barrier barrier_id(%barrier3A_187)
    %dma_start3A_188 = arith.constant 0 : i32
    %dma_start3A_189 = arith.constant 0 : i32
    %dma_start3A_190 = tpu.memref_slice %arg6[%dma_start3A_188, %dma_start3A_189] : memref<80x128xi32, #tpu.memory_space<vmem>> -> memref<1x128xi32, #tpu.memory_space<vmem>>
    %dma_start3A_191 = tpu.memref_squeeze %dma_start3A_190 : memref<1x128xi32, #tpu.memory_space<vmem>> -> memref<128xi32, #tpu.memory_space<vmem>>
    %dma_start3A_192 = arith.constant 0 : i32
    %dma_start3A_193 = arith.constant 0 : i32
    %dma_start3A_194 = tpu.memref_slice %arg2[%dma_start3A_192, %dma_start3A_193] : memref<10240x128xf32, #tpu.memory_space<hbm>> -> memref<10240x128xf32, #tpu.memory_space<hbm>>
    %dma_start3A_195 = arith.constant -1 : i32
    tpu.enqueue_indirect_dma source(%dma_start3A_194 : memref<10240x128xf32, #tpu.memory_space<hbm>>) target(%arg8 : memref<128x128xf32, #tpu.memory_space<vmem>>) offsets(%dma_start3A_191 : memref<128xi32, #tpu.memory_space<vmem>>) offset_filter(%dma_start3A_195) semaphore(%arg13 : memref<!tpu.dma_semaphore, #tpu.memory_space<semaphore_mem>>)
    %dma_start3A_196 = arith.constant 1 : i32
    %dma_start3A_197 = arith.constant 0 : i32
    %dma_start3A_198 = tpu.memref_slice %arg6[%dma_start3A_196, %dma_start3A_197] : memref<80x128xi32, #tpu.memory_space<vmem>> -> memref<1x128xi32, #tpu.memory_space<vmem>>
    %dma_start3A_199 = tpu.memref_squeeze %dma_start3A_198 : memref<1x128xi32, #tpu.memory_space<vmem>> -> memref<128xi32, #tpu.memory_space<vmem>>
    %dma_start3A_200 = arith.constant 0 : i32
    %dma_start3A_201 = arith.constant 0 : i32
    %dma_start3A_202 = tpu.memref_slice %arg2[%dma_start3A_200, %dma_start3A_201] : memref<10240x128xf32, #tpu.memory_space<hbm>> -> memref<10240x128xf32, #tpu.memory_space<hbm>>
    %dma_start3A_203 = arith.constant -1 : i32
    tpu.enqueue_indirect_dma source(%dma_start3A_202 : memref<10240x128xf32, #tpu.memory_space<hbm>>) target(%arg9 : memref<128x128xf32, #tpu.memory_space<vmem>>) offsets(%dma_start3A_199 : memref<128xi32, #tpu.memory_space<vmem>>) offset_filter(%dma_start3A_203) semaphore(%arg14 : memref<!tpu.dma_semaphore, #tpu.memory_space<semaphore_mem>>)
    %dma_start3A_204 = arith.constant 2 : i32
    %dma_start3A_205 = arith.constant 0 : i32
    %dma_start3A_206 = tpu.memref_slice %arg6[%dma_start3A_204, %dma_start3A_205] : memref<80x128xi32, #tpu.memory_space<vmem>> -> memref<1x128xi32, #tpu.memory_space<vmem>>
    %dma_start3A_207 = tpu.memref_squeeze %dma_start3A_206 : memref<1x128xi32, #tpu.memory_space<vmem>> -> memref<128xi32, #tpu.memory_space<vmem>>
    %dma_start3A_208 = arith.constant 0 : i32
    %dma_start3A_209 = arith.constant 0 : i32
    %dma_start3A_210 = tpu.memref_slice %arg2[%dma_start3A_208, %dma_start3A_209] : memref<10240x128xf32, #tpu.memory_space<hbm>> -> memref<10240x128xf32, #tpu.memory_space<hbm>>
    %dma_start3A_211 = arith.constant -1 : i32
    tpu.enqueue_indirect_dma source(%dma_start3A_210 : memref<10240x128xf32, #tpu.memory_space<hbm>>) target(%arg10 : memref<128x128xf32, #tpu.memory_space<vmem>>) offsets(%dma_start3A_207 : memref<128xi32, #tpu.memory_space<vmem>>) offset_filter(%dma_start3A_211) semaphore(%arg15 : memref<!tpu.dma_semaphore, #tpu.memory_space<semaphore_mem>>)
    %dma_start3A_212 = arith.constant 3 : i32
    %dma_start3A_213 = arith.constant 0 : i32
    %dma_start3A_214 = tpu.memref_slice %arg6[%dma_start3A_212, %dma_start3A_213] : memref<80x128xi32, #tpu.memory_space<vmem>> -> memref<1x128xi32, #tpu.memory_space<vmem>>
    %dma_start3A_215 = tpu.memref_squeeze %dma_start3A_214 : memref<1x128xi32, #tpu.memory_space<vmem>> -> memref<128xi32, #tpu.memory_space<vmem>>
    %dma_start3A_216 = arith.constant 0 : i32
    %dma_start3A_217 = arith.constant 0 : i32
    %dma_start3A_218 = tpu.memref_slice %arg2[%dma_start3A_216, %dma_start3A_217] : memref<10240x128xf32, #tpu.memory_space<hbm>> -> memref<10240x128xf32, #tpu.memory_space<hbm>>
    %dma_start3A_219 = arith.constant -1 : i32
    tpu.enqueue_indirect_dma source(%dma_start3A_218 : memref<10240x128xf32, #tpu.memory_space<hbm>>) target(%arg11 : memref<128x128xf32, #tpu.memory_space<vmem>>) offsets(%dma_start3A_215 : memref<128xi32, #tpu.memory_space<vmem>>) offset_filter(%dma_start3A_219) semaphore(%arg16 : memref<!tpu.dma_semaphore, #tpu.memory_space<semaphore_mem>>)
    %scan3A_220 = arith.constant 0 : i32
    %scan3A_221 = arith.constant 0 : i32
    %scan3A_222 = arith.constant 20 : i32
    %scan3A_223 = arith.addi %scan3A_221, %scan3A_222 : i32
    %scan3A_224 = arith.constant 1 : i32
    scf.for %scan3A_257 = %scan3A_221 to %scan3A_223 step %scan3A_224  : i32 {
      %mul3A_258 = arith.constant 4 : i32
      %mul3A_259 = arith.muli %mul3A_258, %scan3A_257 : i32
      %add3A_260 = arith.constant 0 : i32
      %add3A_261 = arith.addi %mul3A_259, %add3A_260 : i32
      %dma_wait3A_262 = arith.constant 0 : i32
      %dma_wait3A_263 = tpu.memref_slice %arg6[%add3A_261, %dma_wait3A_262] : memref<80x128xi32, #tpu.memory_space<vmem>> -> memref<1x128xi32, #tpu.memory_space<vmem>>
      %dma_wait3A_264 = tpu.memref_squeeze %dma_wait3A_263 : memref<1x128xi32, #tpu.memory_space<vmem>> -> memref<128xi32, #tpu.memory_space<vmem>>
      %dma_wait3A_265 = arith.constant 0 : i32
      %dma_wait3A_266 = arith.constant 0 : i32
      %dma_wait3A_267 = tpu.memref_slice %arg2[%dma_wait3A_265, %dma_wait3A_266] : memref<10240x128xf32, #tpu.memory_space<hbm>> -> memref<10240x128xf32, #tpu.memory_space<hbm>>
      tpu.wait_indirect_dma semaphore(%arg13 : memref<!tpu.dma_semaphore, #tpu.memory_space<semaphore_mem>>) src(%dma_wait3A_267 : memref<10240x128xf32, #tpu.memory_space<hbm>>) dst(%arg8 : memref<128x128xf32, #tpu.memory_space<vmem>>)
      %dma_start3A_268 = arith.constant 0 : i32
      %dma_start3A_269 = tpu.memref_slice %arg7[%add3A_261, %dma_start3A_268] : memref<80x128xi32, #tpu.memory_space<vmem>> -> memref<1x128xi32, #tpu.memory_space<vmem>>
      %dma_start3A_270 = tpu.memref_squeeze %dma_start3A_269 : memref<1x128xi32, #tpu.memory_space<vmem>> -> memref<128xi32, #tpu.memory_space<vmem>>
      %dma_start3A_271 = arith.constant 0 : i32
      %dma_start3A_272 = arith.constant 0 : i32
      %dma_start3A_273 = tpu.memref_slice %arg12[%dma_start3A_271, %dma_start3A_272] : memref<4096x128xf32, #tpu.memory_space<vmem_shared>> -> memref<4096x128xf32, #tpu.memory_space<vmem_shared>>
      %dma_start3A_274 = arith.constant -1 : i32
      tpu.enqueue_indirect_dma source(%arg8 : memref<128x128xf32, #tpu.memory_space<vmem>>) target(%dma_start3A_273 : memref<4096x128xf32, #tpu.memory_space<vmem_shared>>) offsets(%dma_start3A_270 : memref<128xi32, #tpu.memory_space<vmem>>) offset_filter(%dma_start3A_274) semaphore(%arg17 : memref<!tpu.dma_semaphore, #tpu.memory_space<semaphore_mem>>) {add = true}
      %add3A_275 = arith.constant 1 : i32
      %add3A_276 = arith.addi %mul3A_259, %add3A_275 : i32
      %dma_wait3A_277 = arith.constant 0 : i32
      %dma_wait3A_278 = tpu.memref_slice %arg6[%add3A_276, %dma_wait3A_277] : memref<80x128xi32, #tpu.memory_space<vmem>> -> memref<1x128xi32, #tpu.memory_space<vmem>>
      %dma_wait3A_279 = tpu.memref_squeeze %dma_wait3A_278 : memref<1x128xi32, #tpu.memory_space<vmem>> -> memref<128xi32, #tpu.memory_space<vmem>>
      %dma_wait3A_280 = arith.constant 0 : i32
      %dma_wait3A_281 = arith.constant 0 : i32
      %dma_wait3A_282 = tpu.memref_slice %arg2[%dma_wait3A_280, %dma_wait3A_281] : memref<10240x128xf32, #tpu.memory_space<hbm>> -> memref<10240x128xf32, #tpu.memory_space<hbm>>
      tpu.wait_indirect_dma semaphore(%arg14 : memref<!tpu.dma_semaphore, #tpu.memory_space<semaphore_mem>>) src(%dma_wait3A_282 : memref<10240x128xf32, #tpu.memory_space<hbm>>) dst(%arg9 : memref<128x128xf32, #tpu.memory_space<vmem>>)
      %dma_start3A_283 = arith.constant 0 : i32
      %dma_start3A_284 = tpu.memref_slice %arg7[%add3A_276, %dma_start3A_283] : memref<80x128xi32, #tpu.memory_space<vmem>> -> memref<1x128xi32, #tpu.memory_space<vmem>>
      %dma_start3A_285 = tpu.memref_squeeze %dma_start3A_284 : memref<1x128xi32, #tpu.memory_space<vmem>> -> memref<128xi32, #tpu.memory_space<vmem>>
      %dma_start3A_286 = arith.constant 0 : i32
      %dma_start3A_287 = arith.constant 0 : i32
      %dma_start3A_288 = tpu.memref_slice %arg12[%dma_start3A_286, %dma_start3A_287] : memref<4096x128xf32, #tpu.memory_space<vmem_shared>> -> memref<4096x128xf32, #tpu.memory_space<vmem_shared>>
      %dma_start3A_289 = arith.constant -1 : i32
      tpu.enqueue_indirect_dma source(%arg9 : memref<128x128xf32, #tpu.memory_space<vmem>>) target(%dma_start3A_288 : memref<4096x128xf32, #tpu.memory_space<vmem_shared>>) offsets(%dma_start3A_285 : memref<128xi32, #tpu.memory_space<vmem>>) offset_filter(%dma_start3A_289) semaphore(%arg18 : memref<!tpu.dma_semaphore, #tpu.memory_space<semaphore_mem>>) {add = true}
      %add3A_290 = arith.constant 2 : i32
      %add3A_291 = arith.addi %mul3A_259, %add3A_290 : i32
      %dma_wait3A_292 = arith.constant 0 : i32
      %dma_wait3A_293 = tpu.memref_slice %arg6[%add3A_291, %dma_wait3A_292] : memref<80x128xi32, #tpu.memory_space<vmem>> -> memref<1x128xi32, #tpu.memory_space<vmem>>
      %dma_wait3A_294 = tpu.memref_squeeze %dma_wait3A_293 : memref<1x128xi32, #tpu.memory_space<vmem>> -> memref<128xi32, #tpu.memory_space<vmem>>
      %dma_wait3A_295 = arith.constant 0 : i32
      %dma_wait3A_296 = arith.constant 0 : i32
      %dma_wait3A_297 = tpu.memref_slice %arg2[%dma_wait3A_295, %dma_wait3A_296] : memref<10240x128xf32, #tpu.memory_space<hbm>> -> memref<10240x128xf32, #tpu.memory_space<hbm>>
      tpu.wait_indirect_dma semaphore(%arg15 : memref<!tpu.dma_semaphore, #tpu.memory_space<semaphore_mem>>) src(%dma_wait3A_297 : memref<10240x128xf32, #tpu.memory_space<hbm>>) dst(%arg10 : memref<128x128xf32, #tpu.memory_space<vmem>>)
      %dma_start3A_298 = arith.constant 0 : i32
      %dma_start3A_299 = tpu.memref_slice %arg7[%add3A_291, %dma_start3A_298] : memref<80x128xi32, #tpu.memory_space<vmem>> -> memref<1x128xi32, #tpu.memory_space<vmem>>
      %dma_start3A_300 = tpu.memref_squeeze %dma_start3A_299 : memref<1x128xi32, #tpu.memory_space<vmem>> -> memref<128xi32, #tpu.memory_space<vmem>>
      %dma_start3A_301 = arith.constant 0 : i32
      %dma_start3A_302 = arith.constant 0 : i32
      %dma_start3A_303 = tpu.memref_slice %arg12[%dma_start3A_301, %dma_start3A_302] : memref<4096x128xf32, #tpu.memory_space<vmem_shared>> -> memref<4096x128xf32, #tpu.memory_space<vmem_shared>>
      %dma_start3A_304 = arith.constant -1 : i32
      tpu.enqueue_indirect_dma source(%arg10 : memref<128x128xf32, #tpu.memory_space<vmem>>) target(%dma_start3A_303 : memref<4096x128xf32, #tpu.memory_space<vmem_shared>>) offsets(%dma_start3A_300 : memref<128xi32, #tpu.memory_space<vmem>>) offset_filter(%dma_start3A_304) semaphore(%arg19 : memref<!tpu.dma_semaphore, #tpu.memory_space<semaphore_mem>>) {add = true}
      %add3A_305 = arith.constant 3 : i32
      %add3A_306 = arith.addi %mul3A_259, %add3A_305 : i32
      %dma_wait3A_307 = arith.constant 0 : i32
      %dma_wait3A_308 = tpu.memref_slice %arg6[%add3A_306, %dma_wait3A_307] : memref<80x128xi32, #tpu.memory_space<vmem>> -> memref<1x128xi32, #tpu.memory_space<vmem>>
      %dma_wait3A_309 = tpu.memref_squeeze %dma_wait3A_308 : memref<1x128xi32, #tpu.memory_space<vmem>> -> memref<128xi32, #tpu.memory_space<vmem>>
      %dma_wait3A_310 = arith.constant 0 : i32
      %dma_wait3A_311 = arith.constant 0 : i32
      %dma_wait3A_312 = tpu.memref_slice %arg2[%dma_wait3A_310, %dma_wait3A_311] : memref<10240x128xf32, #tpu.memory_space<hbm>> -> memref<10240x128xf32, #tpu.memory_space<hbm>>
      tpu.wait_indirect_dma semaphore(%arg16 : memref<!tpu.dma_semaphore, #tpu.memory_space<semaphore_mem>>) src(%dma_wait3A_312 : memref<10240x128xf32, #tpu.memory_space<hbm>>) dst(%arg11 : memref<128x128xf32, #tpu.memory_space<vmem>>)
      %dma_start3A_313 = arith.constant 0 : i32
      %dma_start3A_314 = tpu.memref_slice %arg7[%add3A_306, %dma_start3A_313] : memref<80x128xi32, #tpu.memory_space<vmem>> -> memref<1x128xi32, #tpu.memory_space<vmem>>
      %dma_start3A_315 = tpu.memref_squeeze %dma_start3A_314 : memref<1x128xi32, #tpu.memory_space<vmem>> -> memref<128xi32, #tpu.memory_space<vmem>>
      %dma_start3A_316 = arith.constant 0 : i32
      %dma_start3A_317 = arith.constant 0 : i32
      %dma_start3A_318 = tpu.memref_slice %arg12[%dma_start3A_316, %dma_start3A_317] : memref<4096x128xf32, #tpu.memory_space<vmem_shared>> -> memref<4096x128xf32, #tpu.memory_space<vmem_shared>>
      %dma_start3A_319 = arith.constant -1 : i32
      tpu.enqueue_indirect_dma source(%arg11 : memref<128x128xf32, #tpu.memory_space<vmem>>) target(%dma_start3A_318 : memref<4096x128xf32, #tpu.memory_space<vmem_shared>>) offsets(%dma_start3A_315 : memref<128xi32, #tpu.memory_space<vmem>>) offset_filter(%dma_start3A_319) semaphore(%arg20 : memref<!tpu.dma_semaphore, #tpu.memory_space<semaphore_mem>>) {add = true}
      %add3A_320 = arith.constant 0 : i32
      %add3A_321 = arith.addi %mul3A_259, %add3A_320 : i32
      %dma_wait3A_322 = arith.constant 0 : i32
      %dma_wait3A_323 = tpu.memref_slice %arg7[%add3A_321, %dma_wait3A_322] : memref<80x128xi32, #tpu.memory_space<vmem>> -> memref<1x128xi32, #tpu.memory_space<vmem>>
      %dma_wait3A_324 = tpu.memref_squeeze %dma_wait3A_323 : memref<1x128xi32, #tpu.memory_space<vmem>> -> memref<128xi32, #tpu.memory_space<vmem>>
      %dma_wait3A_325 = arith.constant 0 : i32
      %dma_wait3A_326 = arith.constant 0 : i32
      %dma_wait3A_327 = tpu.memref_slice %arg12[%dma_wait3A_325, %dma_wait3A_326] : memref<4096x128xf32, #tpu.memory_space<vmem_shared>> -> memref<4096x128xf32, #tpu.memory_space<vmem_shared>>
      tpu.wait_indirect_dma semaphore(%arg17 : memref<!tpu.dma_semaphore, #tpu.memory_space<semaphore_mem>>) src(%arg8 : memref<128x128xf32, #tpu.memory_space<vmem>>) dst(%dma_wait3A_327 : memref<4096x128xf32, #tpu.memory_space<vmem_shared>>)
      %add3A_328 = arith.constant 4 : i32
      %add3A_329 = arith.addi %add3A_321, %add3A_328 : i32
      %ge3A = arith.constant 80 : i32
      %ge3A_330 = arith.cmpi sge, %add3A_329, %ge3A : i32
      %add3A_331 = arith.constant 4 : i32
      %add3A_332 = arith.addi %add3A_321, %add3A_331 : i32
      %jit3A = arith.constant 0 : i32
      %select_n3A = arith.select %ge3A_330, %jit3A, %add3A_332 : i32
      %dma_start3A_333 = arith.constant 0 : i32
      %dma_start3A_334 = tpu.memref_slice %arg6[%select_n3A, %dma_start3A_333] : memref<80x128xi32, #tpu.memory_space<vmem>> -> memref<1x128xi32, #tpu.memory_space<vmem>>
      %dma_start3A_335 = tpu.memref_squeeze %dma_start3A_334 : memref<1x128xi32, #tpu.memory_space<vmem>> -> memref<128xi32, #tpu.memory_space<vmem>>
      %dma_start3A_336 = arith.constant 0 : i32
      %dma_start3A_337 = arith.constant 0 : i32
      %dma_start3A_338 = tpu.memref_slice %arg2[%dma_start3A_336, %dma_start3A_337] : memref<10240x128xf32, #tpu.memory_space<hbm>> -> memref<10240x128xf32, #tpu.memory_space<hbm>>
      %dma_start3A_339 = arith.constant -1 : i32
      tpu.enqueue_indirect_dma source(%dma_start3A_338 : memref<10240x128xf32, #tpu.memory_space<hbm>>) target(%arg8 : memref<128x128xf32, #tpu.memory_space<vmem>>) offsets(%dma_start3A_335 : memref<128xi32, #tpu.memory_space<vmem>>) offset_filter(%dma_start3A_339) semaphore(%arg13 : memref<!tpu.dma_semaphore, #tpu.memory_space<semaphore_mem>>)
      %add3A_340 = arith.constant 1 : i32
      %add3A_341 = arith.addi %mul3A_259, %add3A_340 : i32
      %dma_wait3A_342 = arith.constant 0 : i32
      %dma_wait3A_343 = tpu.memref_slice %arg7[%add3A_341, %dma_wait3A_342] : memref<80x128xi32, #tpu.memory_space<vmem>> -> memref<1x128xi32, #tpu.memory_space<vmem>>
      %dma_wait3A_344 = tpu.memref_squeeze %dma_wait3A_343 : memref<1x128xi32, #tpu.memory_space<vmem>> -> memref<128xi32, #tpu.memory_space<vmem>>
      %dma_wait3A_345 = arith.constant 0 : i32
      %dma_wait3A_346 = arith.constant 0 : i32
      %dma_wait3A_347 = tpu.memref_slice %arg12[%dma_wait3A_345, %dma_wait3A_346] : memref<4096x128xf32, #tpu.memory_space<vmem_shared>> -> memref<4096x128xf32, #tpu.memory_space<vmem_shared>>
      tpu.wait_indirect_dma semaphore(%arg18 : memref<!tpu.dma_semaphore, #tpu.memory_space<semaphore_mem>>) src(%arg9 : memref<128x128xf32, #tpu.memory_space<vmem>>) dst(%dma_wait3A_347 : memref<4096x128xf32, #tpu.memory_space<vmem_shared>>)
      %add3A_348 = arith.constant 4 : i32
      %add3A_349 = arith.addi %add3A_341, %add3A_348 : i32
      %ge3A_350 = arith.constant 80 : i32
      %ge3A_351 = arith.cmpi sge, %add3A_349, %ge3A_350 : i32
      %add3A_352 = arith.constant 4 : i32
      %add3A_353 = arith.addi %add3A_341, %add3A_352 : i32
      %jit3A_354 = arith.constant 1 : i32
      %select_n3A_355 = arith.select %ge3A_351, %jit3A_354, %add3A_353 : i32
      %dma_start3A_356 = arith.constant 0 : i32
      %dma_start3A_357 = tpu.memref_slice %arg6[%select_n3A_355, %dma_start3A_356] : memref<80x128xi32, #tpu.memory_space<vmem>> -> memref<1x128xi32, #tpu.memory_space<vmem>>
      %dma_start3A_358 = tpu.memref_squeeze %dma_start3A_357 : memref<1x128xi32, #tpu.memory_space<vmem>> -> memref<128xi32, #tpu.memory_space<vmem>>
      %dma_start3A_359 = arith.constant 0 : i32
      %dma_start3A_360 = arith.constant 0 : i32
      %dma_start3A_361 = tpu.memref_slice %arg2[%dma_start3A_359, %dma_start3A_360] : memref<10240x128xf32, #tpu.memory_space<hbm>> -> memref<10240x128xf32, #tpu.memory_space<hbm>>
      %dma_start3A_362 = arith.constant -1 : i32
      tpu.enqueue_indirect_dma source(%dma_start3A_361 : memref<10240x128xf32, #tpu.memory_space<hbm>>) target(%arg9 : memref<128x128xf32, #tpu.memory_space<vmem>>) offsets(%dma_start3A_358 : memref<128xi32, #tpu.memory_space<vmem>>) offset_filter(%dma_start3A_362) semaphore(%arg14 : memref<!tpu.dma_semaphore, #tpu.memory_space<semaphore_mem>>)
      %add3A_363 = arith.constant 2 : i32
      %add3A_364 = arith.addi %mul3A_259, %add3A_363 : i32
      %dma_wait3A_365 = arith.constant 0 : i32
      %dma_wait3A_366 = tpu.memref_slice %arg7[%add3A_364, %dma_wait3A_365] : memref<80x128xi32, #tpu.memory_space<vmem>> -> memref<1x128xi32, #tpu.memory_space<vmem>>
      %dma_wait3A_367 = tpu.memref_squeeze %dma_wait3A_366 : memref<1x128xi32, #tpu.memory_space<vmem>> -> memref<128xi32, #tpu.memory_space<vmem>>
      %dma_wait3A_368 = arith.constant 0 : i32
      %dma_wait3A_369 = arith.constant 0 : i32
      %dma_wait3A_370 = tpu.memref_slice %arg12[%dma_wait3A_368, %dma_wait3A_369] : memref<4096x128xf32, #tpu.memory_space<vmem_shared>> -> memref<4096x128xf32, #tpu.memory_space<vmem_shared>>
      tpu.wait_indirect_dma semaphore(%arg19 : memref<!tpu.dma_semaphore, #tpu.memory_space<semaphore_mem>>) src(%arg10 : memref<128x128xf32, #tpu.memory_space<vmem>>) dst(%dma_wait3A_370 : memref<4096x128xf32, #tpu.memory_space<vmem_shared>>)
      %add3A_371 = arith.constant 4 : i32
      %add3A_372 = arith.addi %add3A_364, %add3A_371 : i32
      %ge3A_373 = arith.constant 80 : i32
      %ge3A_374 = arith.cmpi sge, %add3A_372, %ge3A_373 : i32
      %add3A_375 = arith.constant 4 : i32
      %add3A_376 = arith.addi %add3A_364, %add3A_375 : i32
      %jit3A_377 = arith.constant 2 : i32
      %select_n3A_378 = arith.select %ge3A_374, %jit3A_377, %add3A_376 : i32
      %dma_start3A_379 = arith.constant 0 : i32
      %dma_start3A_380 = tpu.memref_slice %arg6[%select_n3A_378, %dma_start3A_379] : memref<80x128xi32, #tpu.memory_space<vmem>> -> memref<1x128xi32, #tpu.memory_space<vmem>>
      %dma_start3A_381 = tpu.memref_squeeze %dma_start3A_380 : memref<1x128xi32, #tpu.memory_space<vmem>> -> memref<128xi32, #tpu.memory_space<vmem>>
      %dma_start3A_382 = arith.constant 0 : i32
      %dma_start3A_383 = arith.constant 0 : i32
      %dma_start3A_384 = tpu.memref_slice %arg2[%dma_start3A_382, %dma_start3A_383] : memref<10240x128xf32, #tpu.memory_space<hbm>> -> memref<10240x128xf32, #tpu.memory_space<hbm>>
      %dma_start3A_385 = arith.constant -1 : i32
      tpu.enqueue_indirect_dma source(%dma_start3A_384 : memref<10240x128xf32, #tpu.memory_space<hbm>>) target(%arg10 : memref<128x128xf32, #tpu.memory_space<vmem>>) offsets(%dma_start3A_381 : memref<128xi32, #tpu.memory_space<vmem>>) offset_filter(%dma_start3A_385) semaphore(%arg15 : memref<!tpu.dma_semaphore, #tpu.memory_space<semaphore_mem>>)
      %add3A_386 = arith.constant 3 : i32
      %add3A_387 = arith.addi %mul3A_259, %add3A_386 : i32
      %dma_wait3A_388 = arith.constant 0 : i32
      %dma_wait3A_389 = tpu.memref_slice %arg7[%add3A_387, %dma_wait3A_388] : memref<80x128xi32, #tpu.memory_space<vmem>> -> memref<1x128xi32, #tpu.memory_space<vmem>>
      %dma_wait3A_390 = tpu.memref_squeeze %dma_wait3A_389 : memref<1x128xi32, #tpu.memory_space<vmem>> -> memref<128xi32, #tpu.memory_space<vmem>>
      %dma_wait3A_391 = arith.constant 0 : i32
      %dma_wait3A_392 = arith.constant 0 : i32
      %dma_wait3A_393 = tpu.memref_slice %arg12[%dma_wait3A_391, %dma_wait3A_392] : memref<4096x128xf32, #tpu.memory_space<vmem_shared>> -> memref<4096x128xf32, #tpu.memory_space<vmem_shared>>
      tpu.wait_indirect_dma semaphore(%arg20 : memref<!tpu.dma_semaphore, #tpu.memory_space<semaphore_mem>>) src(%arg11 : memref<128x128xf32, #tpu.memory_space<vmem>>) dst(%dma_wait3A_393 : memref<4096x128xf32, #tpu.memory_space<vmem_shared>>)
      %add3A_394 = arith.constant 4 : i32
      %add3A_395 = arith.addi %add3A_387, %add3A_394 : i32
      %ge3A_396 = arith.constant 80 : i32
      %ge3A_397 = arith.cmpi sge, %add3A_395, %ge3A_396 : i32
      %add3A_398 = arith.constant 4 : i32
      %add3A_399 = arith.addi %add3A_387, %add3A_398 : i32
      %jit3A_400 = arith.constant 3 : i32
      %select_n3A_401 = arith.select %ge3A_397, %jit3A_400, %add3A_399 : i32
      %dma_start3A_402 = arith.constant 0 : i32
      %dma_start3A_403 = tpu.memref_slice %arg6[%select_n3A_401, %dma_start3A_402] : memref<80x128xi32, #tpu.memory_space<vmem>> -> memref<1x128xi32, #tpu.memory_space<vmem>>
      %dma_start3A_404 = tpu.memref_squeeze %dma_start3A_403 : memref<1x128xi32, #tpu.memory_space<vmem>> -> memref<128xi32, #tpu.memory_space<vmem>>
      %dma_start3A_405 = arith.constant 0 : i32
      %dma_start3A_406 = arith.constant 0 : i32
      %dma_start3A_407 = tpu.memref_slice %arg2[%dma_start3A_405, %dma_start3A_406] : memref<10240x128xf32, #tpu.memory_space<hbm>> -> memref<10240x128xf32, #tpu.memory_space<hbm>>
      %dma_start3A_408 = arith.constant -1 : i32
      tpu.enqueue_indirect_dma source(%dma_start3A_407 : memref<10240x128xf32, #tpu.memory_space<hbm>>) target(%arg11 : memref<128x128xf32, #tpu.memory_space<vmem>>) offsets(%dma_start3A_404 : memref<128xi32, #tpu.memory_space<vmem>>) offset_filter(%dma_start3A_408) semaphore(%arg16 : memref<!tpu.dma_semaphore, #tpu.memory_space<semaphore_mem>>)
    }
    %scan3A_225 = arith.constant 20 : i32
    %dma_wait3A_226 = arith.constant 0 : i32
    %dma_wait3A_227 = arith.constant 0 : i32
    %dma_wait3A_228 = tpu.memref_slice %arg6[%dma_wait3A_226, %dma_wait3A_227] : memref<80x128xi32, #tpu.memory_space<vmem>> -> memref<1x128xi32, #tpu.memory_space<vmem>>
    %dma_wait3A_229 = tpu.memref_squeeze %dma_wait3A_228 : memref<1x128xi32, #tpu.memory_space<vmem>> -> memref<128xi32, #tpu.memory_space<vmem>>
    %dma_wait3A_230 = arith.constant 0 : i32
    %dma_wait3A_231 = arith.constant 0 : i32
    %dma_wait3A_232 = tpu.memref_slice %arg2[%dma_wait3A_230, %dma_wait3A_231] : memref<10240x128xf32, #tpu.memory_space<hbm>> -> memref<10240x128xf32, #tpu.memory_space<hbm>>
    tpu.wait_indirect_dma semaphore(%arg13 : memref<!tpu.dma_semaphore, #tpu.memory_space<semaphore_mem>>) src(%dma_wait3A_232 : memref<10240x128xf32, #tpu.memory_space<hbm>>) dst(%arg8 : memref<128x128xf32, #tpu.memory_space<vmem>>)
    %dma_wait3A_233 = arith.constant 1 : i32
    %dma_wait3A_234 = arith.constant 0 : i32
    %dma_wait3A_235 = tpu.memref_slice %arg6[%dma_wait3A_233, %dma_wait3A_234] : memref<80x128xi32, #tpu.memory_space<vmem>> -> memref<1x128xi32, #tpu.memory_space<vmem>>
    %dma_wait3A_236 = tpu.memref_squeeze %dma_wait3A_235 : memref<1x128xi32, #tpu.memory_space<vmem>> -> memref<128xi32, #tpu.memory_space<vmem>>
    %dma_wait3A_237 = arith.constant 0 : i32
    %dma_wait3A_238 = arith.constant 0 : i32
    %dma_wait3A_239 = tpu.memref_slice %arg2[%dma_wait3A_237, %dma_wait3A_238] : memref<10240x128xf32, #tpu.memory_space<hbm>> -> memref<10240x128xf32, #tpu.memory_space<hbm>>
    tpu.wait_indirect_dma semaphore(%arg14 : memref<!tpu.dma_semaphore, #tpu.memory_space<semaphore_mem>>) src(%dma_wait3A_239 : memref<10240x128xf32, #tpu.memory_space<hbm>>) dst(%arg9 : memref<128x128xf32, #tpu.memory_space<vmem>>)
    %dma_wait3A_240 = arith.constant 2 : i32
    %dma_wait3A_241 = arith.constant 0 : i32
    %dma_wait3A_242 = tpu.memref_slice %arg6[%dma_wait3A_240, %dma_wait3A_241] : memref<80x128xi32, #tpu.memory_space<vmem>> -> memref<1x128xi32, #tpu.memory_space<vmem>>
    %dma_wait3A_243 = tpu.memref_squeeze %dma_wait3A_242 : memref<1x128xi32, #tpu.memory_space<vmem>> -> memref<128xi32, #tpu.memory_space<vmem>>
    %dma_wait3A_244 = arith.constant 0 : i32
    %dma_wait3A_245 = arith.constant 0 : i32
    %dma_wait3A_246 = tpu.memref_slice %arg2[%dma_wait3A_244, %dma_wait3A_245] : memref<10240x128xf32, #tpu.memory_space<hbm>> -> memref<10240x128xf32, #tpu.memory_space<hbm>>
    tpu.wait_indirect_dma semaphore(%arg15 : memref<!tpu.dma_semaphore, #tpu.memory_space<semaphore_mem>>) src(%dma_wait3A_246 : memref<10240x128xf32, #tpu.memory_space<hbm>>) dst(%arg10 : memref<128x128xf32, #tpu.memory_space<vmem>>)
    %dma_wait3A_247 = arith.constant 3 : i32
    %dma_wait3A_248 = arith.constant 0 : i32
    %dma_wait3A_249 = tpu.memref_slice %arg6[%dma_wait3A_247, %dma_wait3A_248] : memref<80x128xi32, #tpu.memory_space<vmem>> -> memref<1x128xi32, #tpu.memory_space<vmem>>
    %dma_wait3A_250 = tpu.memref_squeeze %dma_wait3A_249 : memref<1x128xi32, #tpu.memory_space<vmem>> -> memref<128xi32, #tpu.memory_space<vmem>>
    %dma_wait3A_251 = arith.constant 0 : i32
    %dma_wait3A_252 = arith.constant 0 : i32
    %dma_wait3A_253 = tpu.memref_slice %arg2[%dma_wait3A_251, %dma_wait3A_252] : memref<10240x128xf32, #tpu.memory_space<hbm>> -> memref<10240x128xf32, #tpu.memory_space<hbm>>
    tpu.wait_indirect_dma semaphore(%arg16 : memref<!tpu.dma_semaphore, #tpu.memory_space<semaphore_mem>>) src(%dma_wait3A_253 : memref<10240x128xf32, #tpu.memory_space<hbm>>) dst(%arg11 : memref<128x128xf32, #tpu.memory_space<vmem>>)
    %barrier3A_254 = arith.constant 0 : index
    tpu.barrier barrier_id(%barrier3A_254)
    %add3A_255 = arith.constant 8192 : i32
    %add3A_256 = arith.addi %add3A_255, %mul3A_2 : i32
    "tpu.region"() ({
      %run_scoped3A = tpu.sem_alloc : memref<!tpu.dma_semaphore, #tpu.memory_space<semaphore_mem>>
      %dma_start3A_257 = arith.constant 0 : i32
      %dma_start3A_258 = tpu.memref_slice %arg4[%arg0, %add3A_256, %dma_start3A_257] : memref<2x12288x128xf32, #tpu.memory_space<hbm>> -> memref<1x256x128xf32, #tpu.memory_space<hbm>>
      %dma_start3A_259 = tpu.memref_squeeze %dma_start3A_258 : memref<1x256x128xf32, #tpu.memory_space<hbm>> -> memref<256x128xf32, #tpu.memory_space<hbm>>
      %dma_start3A_260 = arith.constant 0 : i32
      %dma_start3A_261 = tpu.memref_slice %arg12[%mul3A_2, %dma_start3A_260] : memref<4096x128xf32, #tpu.memory_space<vmem_shared>> -> memref<256x128xf32, #tpu.memory_space<vmem_shared>>
      tpu.enqueue_dma source(%dma_start3A_261 : memref<256x128xf32, #tpu.memory_space<vmem_shared>>) target(%dma_start3A_259 : memref<256x128xf32, #tpu.memory_space<hbm>>) target_semaphore(%run_scoped3A : memref<!tpu.dma_semaphore, #tpu.memory_space<semaphore_mem>>)
      %dma_wait3A_262 = arith.constant 0 : i32
      %dma_wait3A_263 = tpu.memref_slice %arg4[%arg0, %add3A_256, %dma_wait3A_262] : memref<2x12288x128xf32, #tpu.memory_space<hbm>> -> memref<1x256x128xf32, #tpu.memory_space<hbm>>
      %dma_wait3A_264 = tpu.memref_squeeze %dma_wait3A_263 : memref<1x256x128xf32, #tpu.memory_space<hbm>> -> memref<256x128xf32, #tpu.memory_space<hbm>>
      %dma_wait3A_265 = arith.constant 0 : i32
      %dma_wait3A_266 = tpu.memref_slice %arg12[%mul3A_2, %dma_wait3A_265] : memref<4096x128xf32, #tpu.memory_space<vmem_shared>> -> memref<256x128xf32, #tpu.memory_space<vmem_shared>>
      tpu.wait_dma2 semaphore(%run_scoped3A : memref<!tpu.dma_semaphore, #tpu.memory_space<semaphore_mem>>) src(%dma_wait3A_266 : memref<256x128xf32, #tpu.memory_space<vmem_shared>>) dst(%dma_wait3A_264 : memref<256x128xf32, #tpu.memory_space<hbm>>)
      tpu.yield
    }) : () -> ()
    return
  }
}

module attributes {stable_mosaic.version = 14 : i64} {
  func.func @_pack_body(%arg0: i32, %arg1: memref<2560x128xi32, #tpu.memory_space<vmem>>, %arg2: memref<2560x128xi32, #tpu.memory_space<vmem>>, %arg3: memref<2560x128xi32, #tpu.memory_space<vmem>>) attributes {dimension_semantics = [#tpu.dimension_semantics<arbitrary>], iteration_bounds = array<i64: 1>, scalar_prefetch = 0 : i64, scratch_operands = 0 : i64, tpu.core_type = #tpu.core_type<tc>, window_params = [{pipeline_mode = #tpu.pipeline_mode<synchronous>, transform_indices = @transform_0, window_bounds = array<i64: 2560, 128>}, {pipeline_mode = #tpu.pipeline_mode<synchronous>, transform_indices = @transform_1, window_bounds = array<i64: 2560, 128>}, {pipeline_mode = #tpu.pipeline_mode<synchronous>, transform_indices = @transform_2, window_bounds = array<i64: 2560, 128>}]} {
    %get3A = arith.constant 0 : index
    %get3A_0 = arith.constant 0 : index
    %get3A_1 = vector.load %arg1[%get3A, %get3A_0] : memref<2560x128xi32, #tpu.memory_space<vmem>>, vector<2560x128xi32>
    %shift_left3A = arith.constant 14 : i32
    %shift_left3A_2 = vector.broadcast %shift_left3A : i32 to vector<2560x128xi32>
    %shift_left3A_3 = arith.shli %get3A_1, %shift_left3A_2 : vector<2560x128xi32>
    %get3A_4 = arith.constant 0 : index
    %get3A_5 = arith.constant 0 : index
    %get3A_6 = vector.load %arg2[%get3A_4, %get3A_5] : memref<2560x128xi32, #tpu.memory_space<vmem>>, vector<2560x128xi32>
    %or3A = arith.ori %shift_left3A_3, %get3A_6 : vector<2560x128xi32>
    %swap3A = arith.constant 0 : index
    %swap3A_7 = arith.constant 0 : index
    %swap3A_8 = vector.load %arg3[%swap3A, %swap3A_7] : memref<2560x128xi32, #tpu.memory_space<vmem>>, vector<2560x128xi32>
    tpu.vector_store %arg3[%swap3A, %swap3A_7], %or3A {strides = array<i32>} : memref<2560x128xi32, #tpu.memory_space<vmem>>, vector<2560x128xi32>,
    return
  }
  func.func @transform_0(%arg0: i32) -> (i32, i32) {
    %c0_i32 = arith.constant 0 : i32
    %c0_i32_0 = arith.constant 0 : i32
    %c0_i32_1 = arith.constant 0 : i32
    return %c0_i32, %c0_i32_0 : i32, i32
  }
  func.func @transform_1(%arg0: i32) -> (i32, i32) {
    %c0_i32 = arith.constant 0 : i32
    %c0_i32_0 = arith.constant 0 : i32
    %c0_i32_1 = arith.constant 0 : i32
    return %c0_i32, %c0_i32_0 : i32, i32
  }
  func.func @transform_2(%arg0: i32) -> (i32, i32) {
    %c0_i32 = arith.constant 0 : i32
    %c0_i32_0 = arith.constant 0 : i32
    %c0_i32_1 = arith.constant 0 : i32
    return %c0_i32, %c0_i32_0 : i32, i32
  }
}

module attributes {stable_mosaic.version = 14 : i64} {
  func.func @_mm_body(%arg0: i32, %arg1: memref<1024x128xf32, #tpu.memory_space<vmem>>, %arg2: memref<128x128xf32, #tpu.memory_space<vmem>>, %arg3: memref<1024x1xf32, #tpu.memory_space<vmem>>, %arg4: memref<1024x128xf32, #tpu.memory_space<vmem>>) attributes {dimension_semantics = [#tpu.dimension_semantics<arbitrary>], iteration_bounds = array<i64: 10>, scalar_prefetch = 0 : i64, scratch_operands = 0 : i64, tpu.core_type = #tpu.core_type<tc>, window_params = [{transform_indices = @transform_0, window_bounds = array<i64: 1024, 128>}, {pipeline_mode = #tpu.pipeline_mode<synchronous>, transform_indices = @transform_1, window_bounds = array<i64: 128, 128>}, {transform_indices = @transform_2, window_bounds = array<i64: 1024, 1>}, {transform_indices = @transform_3, window_bounds = array<i64: 1024, 128>}]} {
    %mul3A = arith.constant 1024 : i32
    %mul3A_0 = arith.muli %arg0, %mul3A : i32
    %iota3A = tpu.iota {dimensions = array<i32: 0>} : vector<1024x1xi32>
    %add3A = vector.broadcast %mul3A_0 : i32 to vector<1024x1xi32>
    %add3A_1 = arith.addi %add3A, %iota3A : vector<1024x1xi32>
    %get3A = arith.constant 0 : index
    %get3A_2 = arith.constant 0 : index
    %get3A_3 = vector.load %arg3[%get3A, %get3A_2] : memref<1024x1xf32, #tpu.memory_space<vmem>>, vector<1024x1xf32>
    %get3A_4 = arith.constant 0 : index
    %get3A_5 = arith.constant 0 : index
    %get3A_6 = vector.load %arg1[%get3A_4, %get3A_5] : memref<1024x128xf32, #tpu.memory_space<vmem>>, vector<1024x128xf32>
    %get3A_7 = arith.constant 0 : index
    %get3A_8 = arith.constant 0 : index
    %get3A_9 = vector.load %arg2[%get3A_7, %get3A_8] : memref<128x128xf32, #tpu.memory_space<vmem>>, vector<128x128xf32>
    %dot_general3A = arith.constant dense<0.000000e+00> : vector<1024x128xf32>
    %dot_general3A_10 = tpu.matmul %get3A_6, %get3A_9, %dot_general3A {dimension_numbers = #tpu.dot_dimension_numbers<[1], [0], [0], [1], [0, 0, 1, 1], [], []>, transpose_lhs_hint = false} : vector<1024x128xf32>, vector<128x128xf32>, vector<1024x128xf32> -> vector<1024x128xf32>
    %mul3A_11 = vector.broadcast %get3A_3 : vector<1024x1xf32> to vector<1024x128xf32>
    %mul3A_12 = arith.mulf %mul3A_11, %dot_general3A_10 : vector<1024x128xf32>
    %lt3A = arith.constant 10000 : i32
    %lt3A_13 = vector.broadcast %lt3A : i32 to vector<1024x1xi32>
    %lt3A_14 = arith.cmpi slt, %add3A_1, %lt3A_13 : vector<1024x1xi32>
    %jit3A = arith.constant 0.000000e+00 : f32
    %broadcast_in_dim3A = vector.shape_cast %lt3A_14 : vector<1024x1xi1> to vector<1024x1xi1>
    %broadcast_in_dim3A_15 = vector.broadcast %broadcast_in_dim3A : vector<1024x1xi1> to vector<1024x128xi1>
    %broadcast_in_dim3A_16 = vector.broadcast %jit3A : f32 to vector<1024x128xf32>
    %select_n3A = arith.select %broadcast_in_dim3A_15, %mul3A_12, %broadcast_in_dim3A_16 : vector<1024x128xi1>, vector<1024x128xf32>
    %swap3A = arith.constant 0 : index
    %swap3A_17 = arith.constant 0 : index
    %swap3A_18 = vector.load %arg4[%swap3A, %swap3A_17] : memref<1024x128xf32, #tpu.memory_space<vmem>>, vector<1024x128xf32>
    tpu.vector_store %arg4[%swap3A, %swap3A_17], %select_n3A {strides = array<i32>} : memref<1024x128xf32, #tpu.memory_space<vmem>>, vector<1024x128xf32>,
    return
  }
  func.func @transform_0(%arg0: i32) -> (i32, i32) {
    %c0_i32 = arith.constant 0 : i32
    %c0_i32_0 = arith.constant 0 : i32
    return %arg0, %c0_i32 : i32, i32
  }
  func.func @transform_1(%arg0: i32) -> (i32, i32) {
    %c0_i32 = arith.constant 0 : i32
    %c0_i32_0 = arith.constant 0 : i32
    %c0_i32_1 = arith.constant 0 : i32
    return %c0_i32, %c0_i32_0 : i32, i32
  }
  func.func @transform_2(%arg0: i32) -> (i32, i32) {
    %c0_i32 = arith.constant 0 : i32
    %c0_i32_0 = arith.constant 0 : i32
    return %arg0, %c0_i32 : i32, i32
  }
  func.func @transform_3(%arg0: i32) -> (i32, i32) {
    %c0_i32 = arith.constant 0 : i32
    %c0_i32_0 = arith.constant 0 : i32
    return %arg0, %c0_i32 : i32, i32
  }
}

module attributes {stable_mosaic.version = 14 : i64} {
  func.func @_epi_body(%arg0: i32, %arg1: memref<2x1024x128xf32, #tpu.memory_space<vmem>>, %arg2: memref<1024x128xf32, #tpu.memory_space<vmem>>, %arg3: memref<1024x1xf32, #tpu.memory_space<vmem>>, %arg4: memref<1024x128xf32, #tpu.memory_space<vmem>>, %arg5: memref<1x128xf32, #tpu.memory_space<vmem>>, %arg6: memref<1x128xf32, #tpu.memory_space<vmem>>, %arg7: memref<1x128xf32, #tpu.memory_space<vmem>>, %arg8: memref<1x128xf32, #tpu.memory_space<vmem>>, %arg9: memref<1x128xf32, #tpu.memory_space<vmem>>, %arg10: memref<1x1xf32, #tpu.memory_space<vmem>>, %arg11: memref<1x1xf32, #tpu.memory_space<vmem>>, %arg12: memref<1024x128xf32, #tpu.memory_space<vmem>>, %arg13: memref<1024x1xf32, #tpu.memory_space<vmem>>) attributes {dimension_semantics = [#tpu.dimension_semantics<arbitrary>], iteration_bounds = array<i64: 10>, scalar_prefetch = 0 : i64, scratch_operands = 0 : i64, tpu.core_type = #tpu.core_type<tc>, window_params = [{transform_indices = @transform_0, window_bounds = array<i64: 2, 1024, 128>}, {transform_indices = @transform_1, window_bounds = array<i64: 1024, 128>}, {transform_indices = @transform_2, window_bounds = array<i64: 1024, 1>}, {transform_indices = @transform_3, window_bounds = array<i64: 1024, 128>}, {pipeline_mode = #tpu.pipeline_mode<synchronous>, transform_indices = @transform_4, window_bounds = array<i64: 1, 128>}, {pipeline_mode = #tpu.pipeline_mode<synchronous>, transform_indices = @transform_5, window_bounds = array<i64: 1, 128>}, {pipeline_mode = #tpu.pipeline_mode<synchronous>, transform_indices = @transform_6, window_bounds = array<i64: 1, 128>}, {pipeline_mode = #tpu.pipeline_mode<synchronous>, transform_indices = @transform_7, window_bounds = array<i64: 1, 128>}, {pipeline_mode = #tpu.pipeline_mode<synchronous>, transform_indices = @transform_8, window_bounds = array<i64: 1, 128>}, {pipeline_mode = #tpu.pipeline_mode<synchronous>, transform_indices = @transform_9, window_bounds = array<i64: 1, 1>}, {pipeline_mode = #tpu.pipeline_mode<synchronous>, transform_indices = @transform_10, window_bounds = array<i64: 1, 1>}, {transform_indices = @transform_11, window_bounds = array<i64: 1024, 128>}, {transform_indices = @transform_12, window_bounds = array<i64: 1024, 1>}]} {
    %get3A = arith.constant 0 : index
    %get3A_0 = arith.constant 0 : index
    %get3A_1 = arith.constant 0 : index
    %get3A_2 = vector.load %arg1[%get3A, %get3A_0, %get3A_1] : memref<2x1024x128xf32, #tpu.memory_space<vmem>>, vector<1x1024x128xf32>
    %get3A_3 = vector.shape_cast %get3A_2 : vector<1x1024x128xf32> to vector<1024x128xf32>
    %get3A_4 = arith.constant 1 : index
    %get3A_5 = arith.constant 0 : index
    %get3A_6 = arith.constant 0 : index
    %get3A_7 = vector.load %arg1[%get3A_4, %get3A_5, %get3A_6] : memref<2x1024x128xf32, #tpu.memory_space<vmem>>, vector<1x1024x128xf32>
    %get3A_8 = vector.shape_cast %get3A_7 : vector<1x1024x128xf32> to vector<1024x128xf32>
    %add3A = arith.addf %get3A_3, %get3A_8 : vector<1024x128xf32>
    %get3A_9 = arith.constant 0 : index
    %get3A_10 = arith.constant 0 : index
    %get3A_11 = vector.load %arg3[%get3A_9, %get3A_10] : memref<1024x1xf32, #tpu.memory_space<vmem>>, vector<1024x1xf32>
    %get3A_12 = arith.constant 0 : index
    %get3A_13 = arith.constant 0 : index
    %get3A_14 = vector.load %arg2[%get3A_12, %get3A_13] : memref<1024x128xf32, #tpu.memory_space<vmem>>, vector<1024x128xf32>
    %add3A_15 = arith.addf %add3A, %get3A_14 : vector<1024x128xf32>
    %mul3A = vector.broadcast %get3A_11 : vector<1024x1xf32> to vector<1024x128xf32>
    %mul3A_16 = arith.mulf %mul3A, %add3A_15 : vector<1024x128xf32>
    %get3A_17 = arith.constant 0 : index
    %get3A_18 = arith.constant 0 : index
    %get3A_19 = vector.load %arg5[%get3A_17, %get3A_18] : memref<1x128xf32, #tpu.memory_space<vmem>>, vector<1x128xf32>
    %add3A_20 = vector.broadcast %get3A_19 : vector<1x128xf32> to vector<1024x128xf32>
    %add3A_21 = arith.addf %mul3A_16, %add3A_20 : vector<1024x128xf32>
    %get3A_22 = arith.constant 0 : index
    %get3A_23 = arith.constant 0 : index
    %get3A_24 = vector.load %arg6[%get3A_22, %get3A_23] : memref<1x128xf32, #tpu.memory_space<vmem>>, vector<1x128xf32>
    %get3A_25 = arith.constant 0 : index
    %get3A_26 = arith.constant 0 : index
    %get3A_27 = vector.load %arg9[%get3A_25, %get3A_26] : memref<1x128xf32, #tpu.memory_space<vmem>>, vector<1x128xf32>
    %add3A_28 = arith.constant 9.99999974E-6 : f32
    %add3A_29 = vector.broadcast %add3A_28 : f32 to vector<1x128xf32>
    %add3A_30 = arith.addf %get3A_27, %add3A_29 : vector<1x128xf32>
    %rsqrt3A = math.rsqrt %add3A_30 : vector<1x128xf32>
    %mul3A_31 = arith.mulf %get3A_24, %rsqrt3A : vector<1x128xf32>
    %get3A_32 = arith.constant 0 : index
    %get3A_33 = arith.constant 0 : index
    %get3A_34 = vector.load %arg8[%get3A_32, %get3A_33] : memref<1x128xf32, #tpu.memory_space<vmem>>, vector<1x128xf32>
    %sub3A = vector.broadcast %get3A_34 : vector<1x128xf32> to vector<1024x128xf32>
    %sub3A_35 = arith.subf %add3A_21, %sub3A : vector<1024x128xf32>
    %mul3A_36 = vector.broadcast %mul3A_31 : vector<1x128xf32> to vector<1024x128xf32>
    %mul3A_37 = arith.mulf %sub3A_35, %mul3A_36 : vector<1024x128xf32>
    %get3A_38 = arith.constant 0 : index
    %get3A_39 = arith.constant 0 : index
    %get3A_40 = vector.load %arg7[%get3A_38, %get3A_39] : memref<1x128xf32, #tpu.memory_space<vmem>>, vector<1x128xf32>
    %add3A_41 = vector.broadcast %get3A_40 : vector<1x128xf32> to vector<1024x128xf32>
    %add3A_42 = arith.addf %mul3A_37, %add3A_41 : vector<1024x128xf32>
    %get3A_43 = arith.constant 0 : index
    %get3A_44 = arith.constant 0 : index
    %get3A_45 = vector.load %arg10[%get3A_43, %get3A_44] : memref<1x1xf32, #tpu.memory_space<vmem>>, vector<1x1xf32>
    %get3A_46 = vector.extract %get3A_45[0, 0] : f32 from vector<1x1xf32>
    %gt3A = arith.constant 0.000000e+00 : f32
    %gt3A_47 = arith.cmpf ogt, %get3A_46, %gt3A : f32
    %max3A = arith.constant 0.000000e+00 : f32
    %max3A_48 = vector.broadcast %max3A : f32 to vector<1024x128xf32>
    %max3A_49 = arith.maximumf %add3A_42, %max3A_48 : vector<1024x128xf32>
    %select_n3A = arith.select %gt3A_47, %max3A_49, %add3A_42 : vector<1024x128xf32>
    %get3A_50 = arith.constant 0 : index
    %get3A_51 = arith.constant 0 : index
    %get3A_52 = vector.load %arg11[%get3A_50, %get3A_51] : memref<1x1xf32, #tpu.memory_space<vmem>>, vector<1x1xf32>
    %get3A_53 = vector.extract %get3A_52[0, 0] : f32 from vector<1x1xf32>
    %gt3A_54 = arith.constant 0.000000e+00 : f32
    %gt3A_55 = arith.cmpf ogt, %get3A_53, %gt3A_54 : f32
    %get3A_56 = arith.constant 0 : index
    %get3A_57 = arith.constant 0 : index
    %get3A_58 = vector.load %arg4[%get3A_56, %get3A_57] : memref<1024x128xf32, #tpu.memory_space<vmem>>, vector<1024x128xf32>
    %select_n3A_59 = arith.select %gt3A_55, %select_n3A, %get3A_58 : vector<1024x128xf32>
    %swap3A = arith.constant 0 : index
    %swap3A_60 = arith.constant 0 : index
    %swap3A_61 = vector.load %arg12[%swap3A, %swap3A_60] : memref<1024x128xf32, #tpu.memory_space<vmem>>, vector<1024x128xf32>
    tpu.vector_store %arg12[%swap3A, %swap3A_60], %select_n3A_59 {strides = array<i32>} : memref<1024x128xf32, #tpu.memory_space<vmem>>, vector<1024x128xf32>,
    %get3A_62 = arith.constant 0 : index
    %get3A_63 = arith.constant 0 : index
    %get3A_64 = vector.load %arg3[%get3A_62, %get3A_63] : memref<1024x1xf32, #tpu.memory_space<vmem>>, vector<1024x1xf32>
    %slice3A = vector.extract_strided_slice %add3A_42 {offsets = [0, 0], sizes = [1024, 1], strides = [1, 1]} : vector<1024x128xf32> to vector<1024x1xf32>
    %max3A_65 = arith.constant 1.000000e+00 : f32
    %max3A_66 = vector.broadcast %max3A_65 : f32 to vector<1024x1xf32>
    %max3A_67 = arith.maximumf %slice3A, %max3A_66 : vector<1024x1xf32>
    %rsqrt3A_68 = math.rsqrt %max3A_67 : vector<1024x1xf32>
    %select_n3A_69 = arith.select %gt3A_55, %get3A_64, %rsqrt3A_68 : vector<1024x1xf32>
    %swap3A_70 = arith.constant 0 : index
    %swap3A_71 = arith.constant 0 : index
    %swap3A_72 = vector.load %arg13[%swap3A_70, %swap3A_71] : memref<1024x1xf32, #tpu.memory_space<vmem>>, vector<1024x1xf32>
    tpu.vector_store %arg13[%swap3A_70, %swap3A_71], %select_n3A_69 {strides = array<i32>} : memref<1024x1xf32, #tpu.memory_space<vmem>>, vector<1024x1xf32>,
    return
  }
  func.func @transform_0(%arg0: i32) -> (i32, i32, i32) {
    %c0_i32 = arith.constant 0 : i32
    %c0_i32_0 = arith.constant 0 : i32
    %c0_i32_1 = arith.constant 0 : i32
    return %c0_i32, %arg0, %c0_i32_0 : i32, i32, i32
  }
  func.func @transform_1(%arg0: i32) -> (i32, i32) {
    %c0_i32 = arith.constant 0 : i32
    %c0_i32_0 = arith.constant 0 : i32
    return %arg0, %c0_i32 : i32, i32
  }
  func.func @transform_2(%arg0: i32) -> (i32, i32) {
    %c0_i32 = arith.constant 0 : i32
    %c0_i32_0 = arith.constant 0 : i32
    return %arg0, %c0_i32 : i32, i32
  }
  func.func @transform_3(%arg0: i32) -> (i32, i32) {
    %c0_i32 = arith.constant 0 : i32
    %c0_i32_0 = arith.constant 0 : i32
    return %arg0, %c0_i32 : i32, i32
  }
  func.func @transform_4(%arg0: i32) -> (i32, i32) {
    %c0_i32 = arith.constant 0 : i32
    %c0_i32_0 = arith.constant 0 : i32
    %c0_i32_1 = arith.constant 0 : i32
    return %c0_i32, %c0_i32_0 : i32, i32
  }
  func.func @transform_5(%arg0: i32) -> (i32, i32) {
    %c0_i32 = arith.constant 0 : i32
    %c0_i32_0 = arith.constant 0 : i32
    %c0_i32_1 = arith.constant 0 : i32
    return %c0_i32, %c0_i32_0 : i32, i32
  }
  func.func @transform_6(%arg0: i32) -> (i32, i32) {
    %c0_i32 = arith.constant 0 : i32
    %c0_i32_0 = arith.constant 0 : i32
    %c0_i32_1 = arith.constant 0 : i32
    return %c0_i32, %c0_i32_0 : i32, i32
  }
  func.func @transform_7(%arg0: i32) -> (i32, i32) {
    %c0_i32 = arith.constant 0 : i32
    %c0_i32_0 = arith.constant 0 : i32
    %c0_i32_1 = arith.constant 0 : i32
    return %c0_i32, %c0_i32_0 : i32, i32
  }
  func.func @transform_8(%arg0: i32) -> (i32, i32) {
    %c0_i32 = arith.constant 0 : i32
    %c0_i32_0 = arith.constant 0 : i32
    %c0_i32_1 = arith.constant 0 : i32
    return %c0_i32, %c0_i32_0 : i32, i32
  }
  func.func @transform_9(%arg0: i32) -> (i32, i32) {
    %c0_i32 = arith.constant 0 : i32
    %c0_i32_0 = arith.constant 0 : i32
    %c0_i32_1 = arith.constant 0 : i32
    return %c0_i32, %c0_i32_0 : i32, i32
  }
  func.func @transform_10(%arg0: i32) -> (i32, i32) {
    %c0_i32 = arith.constant 0 : i32
    %c0_i32_0 = arith.constant 0 : i32
    %c0_i32_1 = arith.constant 0 : i32
    return %c0_i32, %c0_i32_0 : i32, i32
  }
  func.func @transform_11(%arg0: i32) -> (i32, i32) {
    %c0_i32 = arith.constant 0 : i32
    %c0_i32_0 = arith.constant 0 : i32
    return %arg0, %c0_i32 : i32, i32
  }
  func.func @transform_12(%arg0: i32) -> (i32, i32) {
    %c0_i32 = arith.constant 0 : i32
    %c0_i32_0 = arith.constant 0 : i32
    return %arg0, %c0_i32 : i32, i32
  }
}

module attributes {stable_mosaic.version = 14 : i64} {
  func.func @_final_body(%arg0: i32, %arg1: memref<1024x128xf32, #tpu.memory_space<vmem>>, %arg2: memref<1024x128xf32, #tpu.memory_space<vmem>>) attributes {dimension_semantics = [#tpu.dimension_semantics<arbitrary>], iteration_bounds = array<i64: 10>, scalar_prefetch = 0 : i64, scratch_operands = 0 : i64, tpu.core_type = #tpu.core_type<tc>, window_params = [{transform_indices = @transform_0, window_bounds = array<i64: 1024, 128>}, {transform_indices = @transform_1, window_bounds = array<i64: 1024, 128>}]} {
    %get3A = arith.constant 0 : index
    %get3A_0 = arith.constant 0 : index
    %get3A_1 = vector.load %arg1[%get3A, %get3A_0] : memref<1024x128xf32, #tpu.memory_space<vmem>>, vector<1024x128xf32>
    %iota3A = tpu.iota {dimensions = array<i32: 1>} : vector<1024x128xi32>
    %lt3A = arith.constant 40 : i32
    %lt3A_2 = vector.broadcast %lt3A : i32 to vector<1024x128xi32>
    %lt3A_3 = arith.cmpi slt, %iota3A, %lt3A_2 : vector<1024x128xi32>
    %jit3A = arith.constant 0xFF800000 : f32
    %broadcast_in_dim3A = vector.broadcast %jit3A : f32 to vector<1024x128xf32>
    %select_n3A = arith.select %lt3A_3, %get3A_1, %broadcast_in_dim3A : vector<1024x128xi1>, vector<1024x128xf32>
    %reduce_max3A = arith.constant dense<0xFF800000> : vector<1024xf32>
    %reduce_max3A_4 = vector.multi_reduction <maximumf>, %select_n3A, %reduce_max3A [1] : vector<1024x128xf32> to vector<1024xf32>
    %broadcast_in_dim3A_5 = vector.shape_cast %reduce_max3A_4 : vector<1024xf32> to vector<1024x1xf32>
    %sub3A = vector.broadcast %broadcast_in_dim3A_5 : vector<1024x1xf32> to vector<1024x128xf32>
    %sub3A_6 = arith.subf %get3A_1, %sub3A : vector<1024x128xf32>
    %exp3A = math.exp %sub3A_6 : vector<1024x128xf32>
    %jit3A_7 = arith.constant 0.000000e+00 : f32
    %broadcast_in_dim3A_8 = vector.broadcast %jit3A_7 : f32 to vector<1024x128xf32>
    %select_n3A_9 = arith.select %lt3A_3, %exp3A, %broadcast_in_dim3A_8 : vector<1024x128xi1>, vector<1024x128xf32>
    %reduce_sum3A = arith.constant dense<0.000000e+00> : vector<1024xf32>
    %reduce_sum3A_10 = vector.multi_reduction <add>, %select_n3A_9, %reduce_sum3A [1] : vector<1024x128xf32> to vector<1024xf32>
    %broadcast_in_dim3A_11 = vector.shape_cast %reduce_sum3A_10 : vector<1024xf32> to vector<1024x1xf32>
    %log3A = math.log %broadcast_in_dim3A_11 : vector<1024x1xf32>
    %sub3A_12 = vector.broadcast %broadcast_in_dim3A_5 : vector<1024x1xf32> to vector<1024x128xf32>
    %sub3A_13 = arith.subf %get3A_1, %sub3A_12 : vector<1024x128xf32>
    %sub3A_14 = vector.broadcast %log3A : vector<1024x1xf32> to vector<1024x128xf32>
    %sub3A_15 = arith.subf %sub3A_13, %sub3A_14 : vector<1024x128xf32>
    %swap3A = arith.constant 0 : index
    %swap3A_16 = arith.constant 0 : index
    %swap3A_17 = vector.load %arg2[%swap3A, %swap3A_16] : memref<1024x128xf32, #tpu.memory_space<vmem>>, vector<1024x128xf32>
    tpu.vector_store %arg2[%swap3A, %swap3A_16], %sub3A_15 {strides = array<i32>} : memref<1024x128xf32, #tpu.memory_space<vmem>>, vector<1024x128xf32>,
    return
  }
  func.func @transform_0(%arg0: i32) -> (i32, i32) {
    %c0_i32 = arith.constant 0 : i32
    %c0_i32_0 = arith.constant 0 : i32
    return %arg0, %c0_i32 : i32, i32
  }
  func.func @transform_1(%arg0: i32) -> (i32, i32) {
    %c0_i32 = arith.constant 0 : i32
    %c0_i32_0 = arith.constant 0 : i32
    return %arg0, %c0_i32 : i32, i32
  }
}

</mosaic_0001>

<sc_bundles>
// kernel: closed_call.16.cloned.1.call-start
scs
__scs_entry_jumppad:
0x0: {  	(pc) =	sbr.rel $0x88, $3  }
0x1: {  	(tag) =	ssettag $0x0;
	lr =	simm.s32 $0x1  }
0x2: {  	[smem:$0x3F91] =	sst lr;
	_ =	strace $0xD0000000  }
0x3: {  	_ = 	snop  }
0x4: {  	_ = 	snop  }
0x5: {  	_ = 	snop  }
0x6: {  	_ = 	snop  }
0x7: {  	_ = 	snop  }
__scs_overlays_trampoline_lowered:
0x8: {  	[smem:$0x3FA0] =	sst s0  }
0x9: {  	[smem:$0x3FA1] =	sst s1  }
0xa: {  	[smem:$0x3FA2] =	sst s2  }
0xb: {  	[smem:$0x3FA3] =	sst s3  }
0xc: {  	[smem:$0x3FA4] =	sst s4  }
0xd: {  	[smem:$0x3FA5] =	sst s5  }
0xe: {  	[smem:$0x3FA6] =	sst s6  }
0xf: {  	[smem:$0x3FA7] =	sst s7  }
0x10: {  	[smem:$0x3FA8] =	sst s8  }
0x11: {  	[smem:$0x3FA9] =	sst s9;
	s0 =	simm.s32 @!p0 $0x0  }
0x12: {  	s1 =	sld [smem:$0x3F8F];
	s0 =	simm.s32 @p0 $0x1  }
0x13: {  	[smem:$0x3FAA] =	sst s0;
	s0 =	simm.s32 @!p1 $0x0  }
0x14: {  	s2 =	sld [smem:$0x3F8E];
	s0 =	simm.s32 @p1 $0x1  }
0x15: {  	[smem:$0x3FAB] =	sst s0;
	s0 =	simm.s32 @!p2 $0x0  }
0x16: {  	s3 =	sld [smem:$0x3FDB];
	s0 =	simm.s32 @p2 $0x1  }
0x17: {  	s4 =	simm.s32 $0x1BF5;
	[smem:$0x3FAD] =	sst s0  }
0x18: {  	s0 =	sld [smem:$0x3F90];
	_ =	swait.ge [sflag:s4], $0x0  }
0x19: {  	s7 =	sld [smem:$0x3F91]  }
0x1a: {  	s8 =	sadd.s32 $0xFFFFE003, lr  }
0x1b: {  	s9 =	sadd.s32 $0xFFFFFEF7, lr;
	s5 =	simm.s32 $0xFFFFFFFF;
	p2 =	slt.u32 s8, $0xFFFFF086  }
0x1c: {  	p1 =	slt.u32 s9, $0xF7A;
	s5 =	simm.s32 @!p2 $0x0  }
0x1d: {  	s5 =	simm.s32 @p1 $0x1;
	p0 =	seq.s32 s7, s2  }
0x1e: {  	s7 =	smul.u32 @!p0 $0xF7A, s2;
	p2 =	seq.s32 @!p0 s5, $0x0  }
0x1f: {  	s9 =	smul.u32 $0xF7A, s1;
	s8 =	simm.s32 @!p0 $0x1BF5;
	p2 =	por !p2, p0  }
0x20: {  	[sflag:s8] =	ssyncset.s32 @!p0 $0xFFFFF086;
	s6 =	sadd.s32 @!p0 s3, s7;
	s7 =	simm.s32 @!p0 $0x108  }
0x21: {  	s3 =	sadd.s32 s3, s9;
	s6 =	sadd.s32 @!p0 $0x88, s6;
	s7 =	simm.s32 @p2 $0x1082  }
0x22: {  	[simem:s7], [sflag:s8] =	dma.local @!p0 [hbm:s6], $0xF7A  }
0x23: {  	s9 =	sor.u32 $0xD0000000, s2;
	s6 =	simm.s32 $0x108;
	_ =	swait.ge @!p0 [sflag:s8], $0x0  }
0x24: {  	s3 =	sadd.s32 $0x88, s3;
	s6 =	simm.s32 @!p1 $0x1082;
	[sflag:s4] =	ssyncset.s32 $0xFFFFF086  }
0x25: {  	[simem:s6], [sflag:s4] =	dma.local [hbm:s3], $0xF7A  }
0x26: {  	[smem:$0x3F91] =	sst s1;
	(tag) =	ssettag s2;
	_ =	strace s9  }
0x27: {  	s1 =	sld [smem:$0x3FA1]  }
0x28: {  	s2 =	sld [smem:$0x3FA2]  }
0x29: {  	s4 =	sld [smem:$0x3FA4]  }
0x2a: {  	p0 =	seq.s32 s5, $0x0;
	s5 =	sld [smem:$0x3FA5]  }
0x2b: {  	s6 =	sld [smem:$0x3FA6]  }
0x2c: {  	s7 =	sld [smem:$0x3FA7]  }
0x2d: {  	s3 =	simm.s32 $0x108;
	s8 =	sld [smem:$0x3FA8]  }
0x2e: {  	s3 =	simm.s32 @!p0 $0x1082;
	s9 =	sld [smem:$0x3FA9]  }
0x2f: {  	lr =	sadd.s32 s0, s3;
	s0 =	sld [smem:$0x3FA0]  }
0x30: {  	s3 =	sld [smem:$0x3FA3]  }
0x31: {  	[smem:$0x3FAC] =	sst s10  }
0x32: {  	s10 =	sld [smem:$0x3FAA];
	_ =	sdelay $0x3  }
0x33: {  	p0 =	seq.s32 s10, $0x1;
	s10 =	sld [smem:$0x3FAC];
	_ =	sdelay $0x3  }
0x34: {  	[smem:$0x3FAC] =	sst s10  }
0x35: {  	s10 =	sld [smem:$0x3FAB];
	_ =	sdelay $0x3  }
0x36: {  	p1 =	seq.s32 s10, $0x1;
	s10 =	sld [smem:$0x3FAC];
	_ =	sdelay $0x3  }
0x37: {  	[smem:$0x3FAC] =	sst s10  }
0x38: {  	s10 =	sld [smem:$0x3FAD]  }
0x39: {  	_ = 	snop;
	(pc) =	sbr.ind lr, $3  }
0x3a: {  	_ = 	snop  }
0x3b: {  	_ = 	snop  }
0x3c: {  	p2 =	seq.s32 s10, $0x1;
	s10 =	sld [smem:$0x3FAC]  }
0x3d: {  	_ =	shalt  }
0x3e: {  	_ =	shalt  }
0x3f: {  	_ =	shalt  }
0x40: {  	_ =	shalt  }
0x41: {  	_ =	shalt  }
0x42: {  	_ =	shalt  }
0x43: {  	_ =	shalt  }
0x44: {  	_ =	shalt  }
0x45: {  	_ =	shalt  }
0x46: {  	_ =	shalt  }
0x47: {  	_ =	shalt  }
0x48: {  	_ =	shalt  }
0x49: {  	_ =	shalt  }
0x4a: {  	_ =	shalt  }
0x4b: {  	_ =	shalt  }
0x4c: {  	_ =	shalt  }
0x4d: {  	_ =	shalt  }
0x4e: {  	_ =	shalt  }
0x4f: {  	_ =	shalt  }
0x50: {  	_ =	shalt  }
0x51: {  	_ =	shalt  }
0x52: {  	_ =	shalt  }
0x53: {  	_ =	shalt  }
0x54: {  	_ =	shalt  }
0x55: {  	_ =	shalt  }
0x56: {  	_ =	shalt  }
0x57: {  	_ =	shalt  }
0x58: {  	_ =	shalt  }
0x59: {  	_ =	shalt  }
0x5a: {  	_ =	shalt  }
0x5b: {  	_ =	shalt  }
0x5c: {  	_ =	shalt  }
0x5d: {  	_ =	shalt  }
0x5e: {  	_ =	shalt  }
0x5f: {  	_ =	shalt  }
0x60: {  	_ =	shalt  }
0x61: {  	_ =	shalt  }
0x62: {  	_ =	shalt  }
0x63: {  	_ =	shalt  }
0x64: {  	_ =	shalt  }
0x65: {  	_ =	shalt  }
0x66: {  	_ =	shalt  }
0x67: {  	_ =	shalt  }
0x68: {  	_ =	shalt  }
0x69: {  	_ =	shalt  }
0x6a: {  	_ =	shalt  }
0x6b: {  	_ =	shalt  }
0x6c: {  	_ =	shalt  }
0x6d: {  	_ =	shalt  }
0x6e: {  	_ =	shalt  }
0x6f: {  	_ =	shalt  }
0x70: {  	_ =	shalt  }
0x71: {  	_ =	shalt  }
0x72: {  	_ =	shalt  }
0x73: {  	_ =	shalt  }
0x74: {  	_ =	shalt  }
0x75: {  	_ =	shalt  }
0x76: {  	_ =	shalt  }
0x77: {  	_ =	shalt  }
0x78: {  	_ =	shalt  }
0x79: {  	_ =	shalt  }
0x7a: {  	_ =	shalt  }
0x7b: {  	_ =	shalt  }
0x7c: {  	_ =	shalt  }
0x7d: {  	_ =	shalt  }
0x7e: {  	_ =	shalt  }
0x7f: {  	_ =	shalt  }
0x80: {  	_ =	shalt  }
0x81: {  	_ =	shalt  }
0x82: {  	_ =	shalt  }
0x83: {  	_ =	shalt  }
0x84: {  	_ =	shalt  }
0x85: {  	_ =	shalt  }
0x86: {  	_ =	shalt  }
0x87: {  	_ =	shalt  }
.Lfunc_end0:
.L_simem_size_0:
called_computation_lowered:
.L_overlay_start_0:
0x88: {  	s2 =	sld [smem:$0x3FD9]  }
0x89: {  	s3 =	sld [smem:$0x3FFE];
	_ =	sdelay $0x1  }
0x8a: {  	s1 =	srdreg.scid  }
0x8b: {  	s0 =	sand.u32 $0x1, s1  }
0x8c: {  	s17 =	sshll.u32 s0, $0xA;
	s2 =	sadd.s32 s3, s2  }
0x8d: {  	s2 =	sadd.s32 s2, s17  }
0x8e: {  	[smem:$0x3FB8] =	sst s2  }
0x8f: {  	_ = 	snop  }
0x90: {  	s2 =	sld [smem:$0x3FD0];
	(tm) =	ssettm $0x1  }
0x91: {  	s18 =	sld [smem:$0x3FFB];
	_ =	sdelay $0x3  }
0x92: {  	_ =	strace s18  }
0x93: {  	s3 =	sld [smem:$0x3FFC];
	_ =	sdelay $0x3  }
0x94: {  	_ =	strace s3  }
0x95: {  	s3 =	sld [smem:$0x3FFD];
	_ =	sdelay $0x3  }
0x96: {  	_ =	strace s3  }
0x97: {  	_ =	strace $0x8FFFFFFF  }
0x98: {  	s19 =	sld [smem:$0x3FDB];
	_ =	sdelay $0x1  }
0x99: {  	s4 =	simm.s32 $_scs_section_size  }
0x9a: {  	s5 =	simm.s32 $_size__tile_overlayer_lowered;
	s6 =	simm.s32 $_tile_overlayer_lowered  }
0x9b: {  	s22 =	simm.s32 $0x1BFF;
	s21 =	sshll.u32 s6, $0x1;
	s3 =	sadd.s32 s4, s19  }
0x9c: {  	s7 =	simm.s32 $0x0;
	s20 =	sshll.u32 s5, $0x1;
	s5 =	sadd.s32 s21, s3  }
0x9d: {  	[timem:s7], [sflag:s22] =	dma.local [hbm:s5], s20  }
0x9e: {  	_ =	swait.ge [sflag:s22], s20  }
0x9f: {  	s4 =	ssub.s32 $0x0, s20;
	[sflag:s22] =	ssyncset.done $0x0  }
0xa0: {  	[sflag:s22] =	ssyncadd.s32 s4;
	_ =	sdelay $0x1  }
0xa1: {  	s23 =	simm.s32 $0x1B8B  }
0xa2: {  	_ =	swait.ge [sflag:s23], $0x1  }
0xa3: {  	[sflag:s23] =	ssyncset.done $0x0  }
0xa4: {  	s25 =	simm.s32 $0x1B8E;
	s24 =	sld [smem:$0x3FFE];
	[sflag:s23] =	ssyncadd.s32 $0xFFFFFFFF  }
0xa5: {  	s26 =	simm.s32 $execute0_lowered;
	[smem:$0x3FD2] =	sst s25  }
0xa6: {  	s5 =	sshll.u32 s26, $0x1;
	_ =	strace $0x80000046;
	[dreg:$0x1] =	wrdreg $0xFFFFFFFF  }
0xa7: {  	s28 =	simm.s32 $_size_execute0_lowered;
	s3 =	sadd.s32 s3, s5;
	[dreg:$0x0] =	wrdreg $0x0  }
0xa8: {  	s5 =	sshll.u32 s28, $0x1;
	[dreg:$0x2] =	wrdreg s3  }
0xa9: {  	[dreg:$0x3] =	wrdreg s5  }
0xaa: {  	[dreg:$0x4] =	wrdreg $0xC0  }
0xab: {  	_ =	task [dreg:s7], $0x5FFFF  }
0xac: {  	[dreg:$0x1] =	wrdreg $0xFFFFFFFF  }
0xad: {  	[dreg:$0x0] =	wrdreg $0x60  }
0xae: {  	[dreg:$0x2] =	wrdreg s24  }
0xaf: {  	[dreg:$0x3] =	wrdreg s2  }
0xb0: {  	[dreg:$0x4] =	wrdreg $0x178000  }
0xb1: {  	[dreg:$0x5] =	wrdreg $0x9  }
0xb2: {  	_ =	task.clear_ibuf [dreg:s7], $0x6FFFF;
	_ =	strace $0x90000046  }
0xb3: {  	s29 =	simm.s32 $0x9;
	_ =	strace $0x80000048  }
0xb4: {  	_ =	swait.ge [sflag:s29], $0x1  }
0xb5: {  	[sflag:s29] =	ssyncadd.s32 $0xFFFFFFFF  }
0xb6: {  	_ =	strace $0x90000048  }
0xb7: {  	_ =	sfence  }
0xb8: {  	s30 =	sld [smem:$0x0];
	_ =	sdelay $0x2  }
0xb9: {  	s31 =	sshll.u32 s1, $0xD;
	s1 =	sshrl.u32 s1, $0x2  }
0xba: {  	s3 =	sand.u32 $0x4000, s31;
	s1 =	sadd.s32 s1, s30  }
0xbb: {  	s0 =	sor.u32 s3, s0;
	s1 =	sshll.u32 s1, $0x11  }
0xbc: {  	s0 =	sor.u32 s1, s0  }
0xbd: {  	s0 =	sadd.s32 $0x8F2B, s0  }
0xbe: {  	[sflag:s0] =	ssyncadd.remote.s32 $0x1  }
0xbf: {  	_ =	sfence.sel $0xFFFF  }
0xc0: {  	[dreg:$0x0] =	wrdreg $0xFFFFFFFF;
	(pc) =	sbr.abs _section_cstart, $3  }
0xc1: {  	[dreg:$0x1] =	wrdreg $0xFFFFFFFF  }
0xc2: {  	_ =	task.clear_ibuf [dreg:s7], $0x2FFFF;
	_ =	strace $0x9FFFFFFF  }
0xc3: {  	(tm) =	ssettm $0x7FFFFFFF  }
tec
execute0_lowered:
.L_overlay_start_1:
0x0: {  	(tag) =	ssettag $0x1  }
0x1: {  	s0 =	rddreg [dreg:$0x0]  }
0x2: {  	s1 =	rddreg [dreg:$0x1]  }
0x3: {  	s2 =	rddreg [dreg:$0x2]  }
0x4: {  	s3 =	srdreg.scid;
	s8 =	stileid.u32;
	s5 =	simm.s32 $0x0  }
0x5: {  	s12 =	simm.s32 $0x9;
	s13 =	simm.s32 $0x7800;
	s14 =	simm.s32 $0x80  }
0x6: {  	s15 =	simm.s32 $0x2800;
	s16 =	simm.s32 $0x2880;
	s17 =	simm.s32 $0xB800  }
0x7: {  	s18 =	simm.s32 $0x2900;
	s19 =	simm.s32 $0xF800;
	s20 =	simm.s32 $0x2980  }
0x8: {  	s21 =	simm.s32 $0x13800;
	s28 =	simm.s32 $0x6;
	s29 =	simm.s32 $0x7  }
0x9: {  	s30 =	simm.s32 $0x8;
	s3 =	sand.u32 $0x1, s3;
	s4 =	sshll.u32 s8, $0x1  }
0xa: {  	[smem:$0x7FF] =	sst s5;
	s23 =	sshll.u32 s8, $0xF;
	s4 =	sor.u32 s3, s4  }
0xb: {  	_ =	strace $0x80000047;
	s22 =	ssub.s32 $0x2, s3;
	s3 =	smul.u32 $0x180000, s3  }
0xc: {  	s6 =	smul.u32 $0x500, s4;
	s4 =	sadd.s32 $0x1600, s0;
	s7 =	sshrl.u32 s22, $0x1  }
0xd: {  	s0 =	sadd.s32 $0x29600, s0;
	s5 =	ssub.s32 s22, s7;
	s24 =	sor.u32 s23, s3  }
0xe: {  	s22 =	simm.s32 $0x1;
	s1 =	sadd.s32 s1, s6;
	s6 =	sadd.s32 s23, s2  }
0xf: {  	s3 =	sadd.s32 $0x80000, s24;
	s25 =	sadd.s32 $0x100000, s24;
	s31 =	smax.u32 s5, $0x1  }
0x10: {  	s23 =	simm.s32 $0x2;
	s5 =	simm.s32 $0x0;
	[dreg:$0x4] =	wrdreg s1  }
0x11: {  	s7 =	sadd.s32 $0x4000, s6;
	s1 =	sshrl.u32 s24, $0x3;
	s3 =	sshrl.u32 s3, $0x3  }
0x12: {  	s8 =	sshrl.u32 s25, $0x3;
	[dreg:$0x8] =	wrdreg s31;
	s1 =	sadd.s32 s0, s1  }
0x13: {  	s24 =	simm.s32 $0x3;
	s26 =	sadd.s32 s0, s3;
	[dreg:$0x5] =	wrdreg s1  }
0x14: {  	s25 =	simm.s32 $0x4;
	s0 =	sadd.s32 s0, s8;
	[dreg:$0x6] =	wrdreg s26  }
0x15: {  	v0 =	vimm.f32 $0.0e+00;
	[dreg:$0x7] =	wrdreg s0;
	s26 =	simm.s32 $0x5;
	s1 =	simm.s32 $0x7780  }
.LBB2_1:
0x16: {  	s0 =	simm.s32 $0x0;
	s3 =	rddreg [dreg:$0x4]  }
0x17: {  	[tilespmem:s0], [sflag:$0x9] =	stream.linear.gather [hbm4b:s3+s0], $0x2800, $0x38;
	[tilespmem:$0x1F800] =	vst v63  }
0x18: {  	_ =	swait.ge [sflag:s12], $0x2800  }
0x19: {  	[sflag:s12] =	ssyncset.done $0x0  }
0x1a: {  	s9 =	simm.s32 $0x0;
	[sflag:s12] =	ssyncadd.s32 $0xFFFFD800  }
0x1b: {  	v2 =	vld [tilespmem:s9+$0x70]  }
0x1c: {  	v3 =	vld [tilespmem:s9+$0x0]  }
0x1d: {  	v4 =	vld [tilespmem:s9+$0x10]  }
0x1e: {  	v5 =	vld [tilespmem:s9+$0x20]  }
0x1f: {  	v6 =	vld [tilespmem:s9+$0x30]  }
0x20: {  	v7 =	vld [tilespmem:s9+$0x40]  }
0x21: {  	v11 =	vld [tilespmem:s9+$0x50]  }
0x22: {  	v13 =	vld [tilespmem:s9+$0x60];
	v1 =	vshra.s32 v2, $0xE;
	v2 =	vand.u32 $0x3FFF, v2  }
0x23: {  	v9 =	vshra.s32 v3, $0xE;
	v10 =	vand.u32 $0x3FFF, v3;
	v12 =	vand.u32 $0x3FFF, v4  }
0x24: {  	v15 =	vshra.s32 v4, $0xE;
	v16 =	vand.u32 $0x3FFF, v5;
	v17 =	vshra.s32 v5, $0xE  }
0x25: {  	v5 =	vand.u32 $0x3FFF, v6;
	v18 =	vshra.s32 v6, $0xE;
	v4 =	vand.u32 $0x3FFF, v7  }
0x26: {  	v8 =	vshra.s32 v7, $0xE;
	v3 =	vand.u32 $0x3FFF, v11;
	v6 =	vshra.s32 v11, $0xE  }
0x27: {  	v7 =	vshra.s32 v13, $0xE;
	vm0 =	vlt.u32 v2, $0x1000;
	vm5 =	vlt.u32 v10, $0x1000  }
0x28: {  	vm6 =	vlt.u32 v12, $0x1000;
	vm7 =	vlt.u32 v16, $0x1000;
	vm4 =	vlt.u32 v5, $0x1000  }
0x29: {  	vm3 =	vlt.u32 v4, $0x1000;
	vm1 =	vlt.u32 v3, $0x1000;
	v14 =	vnsel vm0, $0xFFFFFFFF, v2  }
0x2a: {  	v2 =	vand.u32 $0x3FFF, v13;
	v9 =	vnsel vm5, $0xFFFFFFFF, v9;
	v13 =	vnsel vm6, $0xFFFFFFFF, v15;
	[tilespmem:s9+$0x5070] =	vst v14  }
0x2b: {  	v11 =	vnsel vm6, $0xFFFFFFFF, v12;
	v12 =	vnsel vm7, $0xFFFFFFFF, v17;
	[tilespmem:s9+$0x2800] =	vst v9;
	v9 =	vnsel vm5, $0xFFFFFFFF, v10  }
0x2c: {  	s8 =	simm.s32 $0x80;
	s0 =	simm.s32 $0x400;
	vm2 =	vlt.u32 v2, $0x1000;
	v10 =	vnsel vm7, $0xFFFFFFFF, v16;
	[tilespmem:s9+$0x5000] =	vst v9;
	v9 =	vnsel vm4, $0xFFFFFFFF, v18  }
.LBB2_2:
0x2d: {  	p0 =	sne.s32 s0, $0x9E00;
	v14 =	vld [tilespmem:s8+$0x70];
	[tilespmem:s9+$0x2810] =	vst v13;
	v5 =	vnsel vm4, $0xFFFFFFFF, v5;
	v8 =	vnsel vm3, $0xFFFFFFFF, v8;
	v4 =	vnsel vm3, $0xFFFFFFFF, v4  }
0x2e: {  	v6 =	vnsel vm1, $0xFFFFFFFF, v6;
	v3 =	vnsel vm1, $0xFFFFFFFF, v3;
	v7 =	vnsel vm2, $0xFFFFFFFF, v7;
	v13 =	vld [tilespmem:s8+$0x0];
	[tilespmem:s9+$0x5010] =	vst v11  }
0x2f: {  	v15 =	vnsel vm0, $0xFFFFFFFF, v1;
	v11 =	vld [tilespmem:s8+$0x10];
	[tilespmem:s9+$0x2820] =	vst v12;
	v12 =	vnsel vm2, $0xFFFFFFFF, v2  }
0x30: {  	v2 =	vld [tilespmem:s8+$0x20];
	[tilespmem:s9+$0x5020] =	vst v10  }
0x31: {  	v10 =	vld [tilespmem:s8+$0x30];
	[tilespmem:s9+$0x2830] =	vst v9  }
0x32: {  	v9 =	vld [tilespmem:s8+$0x40];
	v1 =	vshra.s32 v14, $0xE;
	v14 =	vand.u32 $0x3FFF, v14;
	[tilespmem:s9+$0x5030] =	vst v5  }
0x33: {  	v16 =	vshra.s32 v13, $0xE;
	v13 =	vand.u32 $0x3FFF, v13;
	v17 =	vld [tilespmem:s8+$0x50];
	vm0 =	vlt.u32 v14, $0x1000;
	[tilespmem:s9+$0x2840] =	vst v8  }
0x34: {  	vm5 =	vlt.u32 v13, $0x1000;
	v18 =	vand.u32 $0x3FFF, v11;
	v19 =	vld [tilespmem:s8+$0x60];
	v5 =	vnsel vm0, $0xFFFFFFFF, v14;
	[tilespmem:s9+$0x5040] =	vst v4  }
0x35: {  	v11 =	vshra.s32 v11, $0xE;
	vm7 =	vlt.u32 v18, $0x1000;
	v14 =	vand.u32 $0x3FFF, v2;
	[tilespmem:s8+$0x5070] =	vst v5  }
0x36: {  	v20 =	vshra.s32 v2, $0xE;
	vm6 =	vlt.u32 v14, $0x1000;
	v5 =	vand.u32 $0x3FFF, v10;
	[tilespmem:s9+$0x2850] =	vst v6  }
0x37: {  	v21 =	vshra.s32 v10, $0xE;
	vm4 =	vlt.u32 v5, $0x1000;
	v4 =	vand.u32 $0x3FFF, v9;
	[tilespmem:s9+$0x5050] =	vst v3  }
.Ltmp0:
0x38: {  	v8 =	vshra.s32 v9, $0xE;
	vm3 =	vlt.u32 v4, $0x1000;
	v3 =	vand.u32 $0x3FFF, v17;
	[tilespmem:s9+$0x2860] =	vst v7;
	(pc) =	sbr.rel @p0 .LBB2_2-.Ltmp0, $4  }
0x39: {  	v6 =	vshra.s32 v17, $0xE;
	vm1 =	vlt.u32 v3, $0x1000;
	v2 =	vand.u32 $0x3FFF, v19;
	[tilespmem:s9+$0x5060] =	vst v12  }
0x3a: {  	v9 =	vnsel vm5, $0xFFFFFFFF, v16;
	v7 =	vshra.s32 v19, $0xE;
	vm2 =	vlt.u32 v2, $0x1000;
	[tilespmem:s9+$0x2870] =	vst v15;
	s9 =	smov.u32 s8  }
0x3b: {  	[tilespmem:s9+$0x2800] =	vst v9;
	v9 =	vnsel vm5, $0xFFFFFFFF, v13;
	v13 =	vnsel vm7, $0xFFFFFFFF, v11;
	v11 =	vnsel vm7, $0xFFFFFFFF, v18  }
0x3c: {  	v10 =	vnsel vm6, $0xFFFFFFFF, v14;
	v12 =	vnsel vm6, $0xFFFFFFFF, v20;
	s8 =	sshra.s32 s0, $0x2;
	s0 =	sadd.s32 $0x200, s0;
	[tilespmem:s9+$0x5000] =	vst v9;
	v9 =	vnsel vm4, $0xFFFFFFFF, v21  }
0x3d: {  	v14 =	vld [tilespmem:s8+$0x70];
	[tilespmem:s9+$0x2810] =	vst v13  }
0x3e: {  	v13 =	vld [tilespmem:s8+$0x0];
	[tilespmem:s9+$0x5010] =	vst v11  }
0x3f: {  	v11 =	vld [tilespmem:s8+$0x10];
	[tilespmem:s9+$0x2820] =	vst v12  }
0x40: {  	v12 =	vld [tilespmem:s8+$0x20];
	[tilespmem:s9+$0x5020] =	vst v10  }
0x41: {  	v5 =	vnsel vm4, $0xFFFFFFFF, v5;
	v10 =	vld [tilespmem:s8+$0x30];
	[tilespmem:s9+$0x2830] =	vst v9  }
0x42: {  	v56 =	vnsel vm3, $0xFFFFFFFF, v8;
	v9 =	vld [tilespmem:s8+$0x40];
	[tilespmem:s9+$0x5030] =	vst v5;
	v15 =	vand.u32 $0x3FFF, v14  }
0x43: {  	v4 =	vnsel vm3, $0xFFFFFFFF, v4;
	v57 =	vld [tilespmem:s8+$0x50];
	[tilespmem:s9+$0x2840] =	vst v56;
	vm8 =	vlt.u32 v15, $0x1000  }
0x44: {  	v5 =	vld [tilespmem:s8+$0x60];
	v15 =	vnsel vm8, $0xFFFFFFFF, v15;
	[tilespmem:s9+$0x5040] =	vst v4  }
0x45: {  	v58 =	vnsel vm1, $0xFFFFFFFF, v6;
	[tilespmem:s8+$0x5070] =	vst v15  }
0x46: {  	v3 =	vnsel vm1, $0xFFFFFFFF, v3;
	[tilespmem:s9+$0x2850] =	vst v58  }
0x47: {  	v59 =	vnsel vm2, $0xFFFFFFFF, v7;
	[tilespmem:s9+$0x5050] =	vst v3  }
0x48: {  	v2 =	vnsel vm2, $0xFFFFFFFF, v2;
	v3 =	vand.u32 $0x3FFF, v13;
	[tilespmem:s9+$0x2860] =	vst v59  }
0x49: {  	v1 =	vnsel vm0, $0xFFFFFFFF, v1;
	v60 =	vshra.s32 v13, $0xE;
	[tilespmem:s9+$0x5060] =	vst v2;
	vm9 =	vlt.u32 v3, $0x1000  }
0x4a: {  	v2 =	vand.u32 $0x3FFF, v11;
	[tilespmem:s9+$0x2870] =	vst v1;
	v4 =	vnsel vm9, $0xFFFFFFFF, v60  }
0x4b: {  	v1 =	vshra.s32 v11, $0xE;
	vm10 =	vlt.u32 v2, $0x1000;
	v3 =	vnsel vm9, $0xFFFFFFFF, v3;
	[tilespmem:s8+$0x2800] =	vst v4  }
0x4c: {  	v61 =	vand.u32 $0x3FFF, v12;
	v1 =	vnsel vm10, $0xFFFFFFFF, v1;
	[tilespmem:s8+$0x5000] =	vst v3  }
0x4d: {  	vm11 =	vlt.u32 v61, $0x1000;
	v2 =	vnsel vm10, $0xFFFFFFFF, v2;
	[tilespmem:s8+$0x2810] =	vst v1  }
0x4e: {  	v3 =	vshra.s32 v12, $0xE;
	v1 =	vand.u32 $0x3FFF, v10;
	[tilespmem:s8+$0x5010] =	vst v2;
	v4 =	vnsel vm11, $0xFFFFFFFF, v61  }
0x4f: {  	v2 =	vshra.s32 v10, $0xE;
	v3 =	vnsel vm11, $0xFFFFFFFF, v3;
	vm12 =	vlt.u32 v1, $0x1000;
	[tilespmem:s8+$0x5020] =	vst v4  }
0x50: {  	[tilespmem:s8+$0x2820] =	vst v3;
	v3 =	vand.u32 $0x3FFF, v9;
	v2 =	vnsel vm12, $0xFFFFFFFF, v2  }
0x51: {  	v62 =	vshra.s32 v9, $0xE;
	v1 =	vnsel vm12, $0xFFFFFFFF, v1;
	vm13 =	vlt.u32 v3, $0x1000;
	[tilespmem:s8+$0x2830] =	vst v2  }
0x52: {  	v2 =	vand.u32 $0x3FFF, v57;
	[tilespmem:s8+$0x5030] =	vst v1;
	v4 =	vnsel vm13, $0xFFFFFFFF, v62  }
0x53: {  	v1 =	vshra.s32 v57, $0xE;
	vm14 =	vlt.u32 v2, $0x1000;
	v3 =	vnsel vm13, $0xFFFFFFFF, v3;
	[tilespmem:s8+$0x2840] =	vst v4  }
0x54: {  	v63 =	vand.u32 $0x3FFF, v5;
	v1 =	vnsel vm14, $0xFFFFFFFF, v1;
	[tilespmem:s8+$0x5040] =	vst v3  }
0x55: {  	vm15 =	vlt.u32 v63, $0x1000;
	v3 =	vshra.s32 v5, $0xE;
	v2 =	vnsel vm14, $0xFFFFFFFF, v2;
	[tilespmem:s8+$0x2850] =	vst v1  }
0x56: {  	v1 =	vnsel vm15, $0xFFFFFFFF, v3;
	[tilespmem:s8+$0x5050] =	vst v2  }
0x57: {  	v2 =	vshra.s32 v14, $0xE;
	v3 =	vnsel vm15, $0xFFFFFFFF, v63;
	[tilespmem:s8+$0x2860] =	vst v1  }
0x58: {  	v1 =	vnsel vm8, $0xFFFFFFFF, v2;
	[tilespmem:s8+$0x5060] =	vst v3  }
0x59: {  	s0 =	simm.s32 $0x0;
	s3 =	simm.s32 $0x200;
	[tilespmem:s8+$0x2870] =	vst v1  }
.LBB2_4:
0x5a: {  	p0 =	sne.s32 s3, $0xFE00;
	[tilespmem:s0+$0x7870] =	vst v0  }
0x5b: {  	[tilespmem:s0+$0x7800] =	vst v0  }
0x5c: {  	[tilespmem:s0+$0x7810] =	vst v0  }
.Ltmp1:
0x5d: {  	[tilespmem:s0+$0x7820] =	vst v0;
	(pc) =	sbr.rel @p0 .LBB2_4-.Ltmp1, $4  }
0x5e: {  	[tilespmem:s0+$0x7830] =	vst v0  }
0x5f: {  	[tilespmem:s0+$0x7840] =	vst v0  }
0x60: {  	[tilespmem:s0+$0x7850] =	vst v0  }
0x61: {  	[tilespmem:s0+$0x7860] =	vst v0;
	s0 =	sshra.s32 s3, $0x2;
	s3 =	sadd.s32 $0x200, s3  }
0x62: {  	[tilespmem:s0+$0x7870] =	vst v0  }
0x63: {  	[tilespmem:s0+$0x7800] =	vst v0  }
0x64: {  	[tilespmem:s0+$0x7810] =	vst v0  }
0x65: {  	[tilespmem:s0+$0x7820] =	vst v0  }
0x66: {  	[tilespmem:s0+$0x7830] =	vst v0  }
0x67: {  	[tilespmem:s0+$0x7840] =	vst v0  }
0x68: {  	[tilespmem:s0+$0x7850] =	vst v0  }
0x69: {  	[tilespmem:s0+$0x7860] =	vst v0  }
0x6a: {  	[spmem:s6] =	stream.linear.scatter [tilespmem:s13], [sflag:$0x9], $0x4000, $0x38;
	[tilespmem:$0x1F800] =	vst v63  }
0x6b: {  	_ =	swait.ge [sflag:s12], $0x4000  }
0x6c: {  	[sflag:s12] =	ssyncset.done $0x0  }
0x6d: {  	[sflag:s12] =	ssyncadd.s32 $0xFFFFC000  }
0x6e: {  	[spmem:s7] =	stream.linear.scatter [tilespmem:s13], [sflag:$0x9], $0x4000, $0x38;
	[tilespmem:$0x1F800] =	vst v63  }
0x6f: {  	_ =	swait.ge [sflag:s12], $0x4000  }
0x70: {  	[sflag:s12] =	ssyncset.done $0x0  }
0x71: {  	[sflag:s12] =	ssyncadd.s32 $0xFFFFC000  }
0x72: {  	[bflag:$0x0] =	sbarrier.arrive $0xFFFF  }
0x73: {  	(ifvalue) =	ssetifvalue $0xFFFFFFFF  }
0x74: {  	(ifvalue) =	ssetifvalue $0xFFFFFFFF  }
0x75: {  	[tilespmem:s13], [sflag:$0x1] =	stream.indirect.gather [hbm4b:s4+s14], $0x80, s15, s14, $0x40b8;
	[tilespmem:$0x1F800] =	vst v63  }
0x76: {  	(ifvalue) =	ssetifvalue $0xFFFFFFFF  }
0x77: {  	(ifvalue) =	ssetifvalue $0xFFFFFFFF  }
0x78: {  	[tilespmem:s17], [sflag:$0x2] =	stream.indirect.gather [hbm4b:s4+s14], $0x80, s16, s14, $0x40b8;
	[tilespmem:$0x1F800] =	vst v63  }
0x79: {  	(ifvalue) =	ssetifvalue $0xFFFFFFFF  }
0x7a: {  	(ifvalue) =	ssetifvalue $0xFFFFFFFF  }
0x7b: {  	[tilespmem:s19], [sflag:$0x3] =	stream.indirect.gather [hbm4b:s4+s14], $0x80, s18, s14, $0x40b8;
	[tilespmem:$0x1F800] =	vst v63  }
0x7c: {  	(ifvalue) =	ssetifvalue $0xFFFFFFFF  }
0x7d: {  	s0 =	simm.s32 $0x0;
	(ifvalue) =	ssetifvalue $0xFFFFFFFF  }
0x7e: {  	[tilespmem:s21], [sflag:$0x4] =	stream.indirect.gather [hbm4b:s4+s14], $0x80, s20, s14, $0x40b8;
	[tilespmem:$0x1F800] =	vst v63  }
.LBB2_6:
0x7f: {  	_ =	swait.ge [sflag:s22], $0x4000  }
0x80: {  	s3 =	sshra.s32 s0, $0x2;
	[sflag:s22] =	ssyncset.done $0x0  }
0x81: {  	s8 =	sadd.s32 $0x5000, s3;
	[sflag:s22] =	ssyncadd.s32 $0xFFFFC000;
	(ifvalue) =	ssetifvalue $0xFFFFFFFF  }
0x82: {  	[spmem:s2] =	stream.indirect.scatter.add.f32 [tilespmem:s13], [sflag:$0x5], $0x80, s8, s14, $0x40b8;
	[tilespmem:$0x1F800] =	vst v63  }
0x83: {  	_ =	swait.ge [sflag:s23], $0x4000  }
0x84: {  	[sflag:s23] =	ssyncset.done $0x0  }
0x85: {  	s11 =	sadd.s32 $0x5080, s3;
	[sflag:s23] =	ssyncadd.s32 $0xFFFFC000;
	(ifvalue) =	ssetifvalue $0xFFFFFFFF  }
0x86: {  	[spmem:s2] =	stream.indirect.scatter.add.f32 [tilespmem:s17], [sflag:$0x6], $0x80, s11, s14, $0x40b8;
	[tilespmem:$0x1F800] =	vst v63  }
0x87: {  	_ =	swait.ge [sflag:s24], $0x4000  }
0x88: {  	[sflag:s24] =	ssyncset.done $0x0  }
0x89: {  	s31 =	sadd.s32 $0x5100, s3;
	[sflag:s24] =	ssyncadd.s32 $0xFFFFC000;
	(ifvalue) =	ssetifvalue $0xFFFFFFFF  }
0x8a: {  	[spmem:s2] =	stream.indirect.scatter.add.f32 [tilespmem:s19], [sflag:$0x7], $0x80, s31, s14, $0x40b8;
	[tilespmem:$0x1F800] =	vst v63  }
0x8b: {  	_ =	swait.ge [sflag:s25], $0x4000  }
0x8c: {  	[sflag:s25] =	ssyncset.done $0x0  }
0x8d: {  	s9 =	sadd.s32 $0x5180, s3;
	[sflag:s25] =	ssyncadd.s32 $0xFFFFC000;
	(ifvalue) =	ssetifvalue $0xFFFFFFFF  }
0x8e: {  	[spmem:s2] =	stream.indirect.scatter.add.f32 [tilespmem:s21], [sflag:$0x8], $0x80, s9, s14, $0x40b8;
	[tilespmem:$0x1F800] =	vst v63  }
0x8f: {  	_ =	swait.ge [sflag:s26], $0x4000  }
0x90: {  	[sflag:s26] =	ssyncset.done $0x0  }
0x91: {  	[sflag:s26] =	ssyncadd.s32 $0xFFFFC000;
	(ifvalue) =	ssetifvalue $0xFFFFFFFF  }
0x92: {  	s10 =	sadd.s32 $0x2A00, s3;
	(ifvalue) =	ssetifvalue $0xFFFFFFFF  }
0x93: {  	[tilespmem:s13], [sflag:$0x1] =	stream.indirect.gather [hbm4b:s4+s14], $0x80, s10, s14, $0x40b8;
	[tilespmem:$0x1F800] =	vst v63  }
0x94: {  	_ =	swait.ge [sflag:s28], $0x4000  }
0x95: {  	[sflag:s28] =	ssyncset.done $0x0  }
0x96: {  	[sflag:s28] =	ssyncadd.s32 $0xFFFFC000;
	(ifvalue) =	ssetifvalue $0xFFFFFFFF  }
0x97: {  	s11 =	sadd.s32 $0x2A80, s3;
	(ifvalue) =	ssetifvalue $0xFFFFFFFF  }
0x98: {  	[tilespmem:s17], [sflag:$0x2] =	stream.indirect.gather [hbm4b:s4+s14], $0x80, s11, s14, $0x40b8;
	[tilespmem:$0x1F800] =	vst v63  }
0x99: {  	_ =	swait.ge [sflag:s29], $0x4000  }
0x9a: {  	[sflag:s29] =	ssyncset.done $0x0  }
0x9b: {  	[sflag:s29] =	ssyncadd.s32 $0xFFFFC000;
	(ifvalue) =	ssetifvalue $0xFFFFFFFF  }
0x9c: {  	p0 =	sne.s32 s0, $0x9000;
	s31 =	sadd.s32 $0x2B00, s3;
	(ifvalue) =	ssetifvalue $0xFFFFFFFF  }
0x9d: {  	[tilespmem:s19], [sflag:$0x3] =	stream.indirect.gather [hbm4b:s4+s14], $0x80, s31, s14, $0x40b8;
	[tilespmem:$0x1F800] =	vst v63  }
.Ltmp2:
0x9e: {  	_ =	swait.ge [sflag:s30], $0x4000;
	(pc) =	sbr.rel @p0 .LBB2_6-.Ltmp2, $4  }
0x9f: {  	[sflag:s30] =	ssyncset.done $0x0  }
0xa0: {  	[sflag:s30] =	ssyncadd.s32 $0xFFFFC000;
	(ifvalue) =	ssetifvalue $0xFFFFFFFF  }
0xa1: {  	s0 =	sadd.s32 $0x800, s0;
	s3 =	sadd.s32 $0x2B80, s3;
	(ifvalue) =	ssetifvalue $0xFFFFFFFF  }
0xa2: {  	[tilespmem:s21], [sflag:$0x4] =	stream.indirect.gather [hbm4b:s4+s14], $0x80, s3, s14, $0x40b8;
	[tilespmem:$0x1F800] =	vst v63  }
0xa3: {  	_ =	swait.ge [sflag:s22], $0x4000  }
0xa4: {  	[sflag:s22] =	ssyncset.done $0x0  }
0xa5: {  	s0 =	simm.s32 $0x7600;
	[sflag:s22] =	ssyncadd.s32 $0xFFFFC000;
	(ifvalue) =	ssetifvalue $0xFFFFFFFF  }
0xa6: {  	[spmem:s2] =	stream.indirect.scatter.add.f32 [tilespmem:s13], [sflag:$0x5], $0x80, s0, s14, $0x40b8;
	[tilespmem:$0x1F800] =	vst v63  }
0xa7: {  	_ =	swait.ge [sflag:s23], $0x4000  }
0xa8: {  	[sflag:s23] =	ssyncset.done $0x0  }
0xa9: {  	s8 =	simm.s32 $0x7680;
	[sflag:s23] =	ssyncadd.s32 $0xFFFFC000;
	(ifvalue) =	ssetifvalue $0xFFFFFFFF  }
0xaa: {  	[spmem:s2] =	stream.indirect.scatter.add.f32 [tilespmem:s17], [sflag:$0x6], $0x80, s8, s14, $0x40b8;
	[tilespmem:$0x1F800] =	vst v63  }
0xab: {  	_ =	swait.ge [sflag:s24], $0x4000  }
0xac: {  	[sflag:s24] =	ssyncset.done $0x0  }
0xad: {  	s9 =	simm.s32 $0x7700;
	[sflag:s24] =	ssyncadd.s32 $0xFFFFC000;
	(ifvalue) =	ssetifvalue $0xFFFFFFFF  }
0xae: {  	[spmem:s2] =	stream.indirect.scatter.add.f32 [tilespmem:s19], [sflag:$0x7], $0x80, s9, s14, $0x40b8;
	[tilespmem:$0x1F800] =	vst v63  }
0xaf: {  	_ =	swait.ge [sflag:s25], $0x4000  }
0xb0: {  	[sflag:s25] =	ssyncset.done $0x0  }
0xb1: {  	[sflag:s25] =	ssyncadd.s32 $0xFFFFC000;
	(ifvalue) =	ssetifvalue $0xFFFFFFFF  }
0xb2: {  	[spmem:s2] =	stream.indirect.scatter.add.f32 [tilespmem:s21], [sflag:$0x8], $0x80, s1, s14, $0x40b8;
	[tilespmem:$0x1F800] =	vst v63  }
0xb3: {  	_ =	swait.ge [sflag:s26], $0x4000  }
0xb4: {  	[sflag:s26] =	ssyncset.done $0x0  }
0xb5: {  	[sflag:s26] =	ssyncadd.s32 $0xFFFFC000;
	(ifvalue) =	ssetifvalue $0xFFFFFFFF  }
0xb6: {  	(ifvalue) =	ssetifvalue $0xFFFFFFFF  }
0xb7: {  	[tilespmem:s13], [sflag:$0x1] =	stream.indirect.gather [hbm4b:s4+s14], $0x80, s15, s14, $0x40b8;
	[tilespmem:$0x1F800] =	vst v63  }
0xb8: {  	_ =	swait.ge [sflag:s28], $0x4000  }
0xb9: {  	[sflag:s28] =	ssyncset.done $0x0  }
0xba: {  	[sflag:s28] =	ssyncadd.s32 $0xFFFFC000;
	(ifvalue) =	ssetifvalue $0xFFFFFFFF  }
0xbb: {  	(ifvalue) =	ssetifvalue $0xFFFFFFFF  }
0xbc: {  	[tilespmem:s17], [sflag:$0x2] =	stream.indirect.gather [hbm4b:s4+s14], $0x80, s16, s14, $0x40b8;
	[tilespmem:$0x1F800] =	vst v63  }
0xbd: {  	_ =	swait.ge [sflag:s29], $0x4000  }
0xbe: {  	[sflag:s29] =	ssyncset.done $0x0  }
0xbf: {  	[sflag:s29] =	ssyncadd.s32 $0xFFFFC000;
	(ifvalue) =	ssetifvalue $0xFFFFFFFF  }
0xc0: {  	(ifvalue) =	ssetifvalue $0xFFFFFFFF  }
0xc1: {  	[tilespmem:s19], [sflag:$0x3] =	stream.indirect.gather [hbm4b:s4+s14], $0x80, s18, s14, $0x40b8;
	[tilespmem:$0x1F800] =	vst v63  }
0xc2: {  	_ =	swait.ge [sflag:s30], $0x4000  }
0xc3: {  	[sflag:s30] =	ssyncset.done $0x0  }
0xc4: {  	[sflag:s30] =	ssyncadd.s32 $0xFFFFC000;
	(ifvalue) =	ssetifvalue $0xFFFFFFFF  }
0xc5: {  	(ifvalue) =	ssetifvalue $0xFFFFFFFF  }
0xc6: {  	[tilespmem:s21], [sflag:$0x4] =	stream.indirect.gather [hbm4b:s4+s14], $0x80, s20, s14, $0x40b8;
	[tilespmem:$0x1F800] =	vst v63  }
0xc7: {  	_ =	swait.ge [sflag:s22], $0x4000  }
0xc8: {  	[sflag:s22] =	ssyncset.done $0x0  }
0xc9: {  	[sflag:s22] =	ssyncadd.s32 $0xFFFFC000  }
0xca: {  	_ =	swait.ge [sflag:s23], $0x4000  }
0xcb: {  	[sflag:s23] =	ssyncset.done $0x0  }
0xcc: {  	[sflag:s23] =	ssyncadd.s32 $0xFFFFC000  }
0xcd: {  	_ =	swait.ge [sflag:s24], $0x4000  }
0xce: {  	[sflag:s24] =	ssyncset.done $0x0  }
0xcf: {  	[sflag:s24] =	ssyncadd.s32 $0xFFFFC000  }
0xd0: {  	_ =	swait.ge [sflag:s25], $0x4000  }
0xd1: {  	[sflag:s25] =	ssyncset.done $0x0  }
0xd2: {  	s10 =	stileid.u32;
	[sflag:s25] =	ssyncadd.s32 $0xFFFFC000  }
0xd3: {  	s0 =	sshll.u32 s10, $0x6;
	[bflag:$0x0] =	sbarrier.arrive $0xFFFF  }
0xd4: {  	s8 =	sor.u32 $0x1C09, s0;
	s9 =	sshrl.u32 s6, $0x3;
	s11 =	rddreg [dreg:$0x5]  }
0xd5: {  	[hbm:s11], [sflag:s8] =	dma.local [spmem:s9], $0x1000  }
0xd6: {  	_ =	swait.ge [sflag:s12], $0x1000  }
0xd7: {  	[sflag:s12] =	ssyncset.done $0x0  }
0xd8: {  	s10 =	simm.s32 $0x0;
	[sflag:s12] =	ssyncadd.s32 $0xFFFFF000  }
0xd9: {  	v2 =	vld [tilespmem:s10+$0x70]  }
0xda: {  	v9 =	vld [tilespmem:s10+$0x0]  }
0xdb: {  	v10 =	vld [tilespmem:s10+$0x10]  }
0xdc: {  	v11 =	vld [tilespmem:s10+$0x20]  }
0xdd: {  	v12 =	vld [tilespmem:s10+$0x30]  }
0xde: {  	v15 =	vld [tilespmem:s10+$0x40]  }
0xdf: {  	v16 =	vld [tilespmem:s10+$0x50]  }
0xe0: {  	v17 =	vld [tilespmem:s10+$0x60]  }
0xe1: {  	v1 =	vshra.s32 v2, $0xE;
	v3 =	vand.u32 $0x3FFF, v2;
	v2 =	vand.u32 $0x3000, v2  }
0xe2: {  	v4 =	vand.u32 $0x3FFF, v9;
	v5 =	vand.u32 $0x3FFF, v10;
	v6 =	vand.u32 $0x3FFF, v11  }
0xe3: {  	v8 =	vand.u32 $0x3000, v11;
	v13 =	vand.u32 $0x3FFF, v12;
	v14 =	vand.u32 $0x3000, v12  }
0xe4: {  	v19 =	vand.u32 $0x3000, v15;
	v20 =	vand.u32 $0x3FFF, v16;
	v21 =	vand.u32 $0x3000, v16  }
0xe5: {  	v22 =	vand.u32 $0x3FFF, v17;
	v23 =	vand.u32 $0x3000, v17;
	v12 =	vshra.s32 v12, $0xE  }
0xe6: {  	v3 =	vadd.s32 $0xFFFFF000, v3;
	vm0 =	veq.s32 v2, $0x1000;
	v2 =	vand.u32 $0x3000, v9  }
0xe7: {  	v4 =	vadd.s32 $0xFFFFF000, v4;
	v7 =	vadd.s32 $0xFFFFF000, v5;
	vm6 =	veq.s32 v8, $0x1000  }
0xe8: {  	v8 =	vadd.s32 $0xFFFFF000, v6;
	v6 =	vadd.s32 $0xFFFFF000, v13;
	vm5 =	veq.s32 v14, $0x1000  }
0xe9: {  	vm2 =	veq.s32 v19, $0x1000;
	vm1 =	veq.s32 v21, $0x1000;
	v9 =	vshra.s32 v9, $0xE  }
0xea: {  	v14 =	vshra.s32 v10, $0xE;
	vm3 =	veq.s32 v23, $0x1000;
	v13 =	vshra.s32 v11, $0xE  }
0xeb: {  	v11 =	vshra.s32 v16, $0xE;
	v18 =	vnsel vm0, $0xFFFFFFFF, v3;
	v3 =	vand.u32 $0x3000, v10  }
0xec: {  	vm4 =	veq.s32 v2, $0x1000;
	v2 =	vand.u32 $0x3FFF, v15;
	v10 =	vshra.s32 v15, $0xE  }
0xed: {  	s31 =	simm.s32 $0x80;
	vm7 =	veq.s32 v3, $0x1000;
	v5 =	vadd.s32 $0xFFFFF000, v2;
	v3 =	vadd.s32 $0xFFFFF000, v20  }
0xee: {  	s3 =	simm.s32 $0x400;
	s0 =	simm.s32 $0x0;
	s11 =	simm.s32 $0x200;
	v2 =	vadd.s32 $0xFFFFF000, v22;
	[tilespmem:s10+$0x5070] =	vst v18;
	v15 =	vnsel vm4, $0xFFFFFFFF, v9;
	v9 =	vshra.s32 v17, $0xE  }
.LBB2_8:
0xef: {  	p0 =	sne.s32 s3, $0x9E00;
	v16 =	vld [tilespmem:s31+$0x70];
	[tilespmem:s0+$0x2800] =	vst v15;
	v4 =	vnsel vm4, $0xFFFFFFFF, v4;
	v14 =	vnsel vm7, $0xFFFFFFFF, v14;
	v7 =	vnsel vm7, $0xFFFFFFFF, v7  }
0xf0: {  	v8 =	vnsel vm6, $0xFFFFFFFF, v8;
	v12 =	vnsel vm5, $0xFFFFFFFF, v12;
	v15 =	vld [tilespmem:s31+$0x0];
	[tilespmem:s0+$0x5000] =	vst v4;
	v4 =	vnsel vm6, $0xFFFFFFFF, v13  }
0xf1: {  	v6 =	vnsel vm5, $0xFFFFFFFF, v6;
	v10 =	vnsel vm2, $0xFFFFFFFF, v10;
	v5 =	vnsel vm2, $0xFFFFFFFF, v5;
	v13 =	vld [tilespmem:s31+$0x10];
	[tilespmem:s0+$0x2810] =	vst v14  }
0xf2: {  	v11 =	vnsel vm1, $0xFFFFFFFF, v11;
	v3 =	vnsel vm1, $0xFFFFFFFF, v3;
	v9 =	vnsel vm3, $0xFFFFFFFF, v9;
	v17 =	vld [tilespmem:s31+$0x20];
	[tilespmem:s0+$0x5010] =	vst v7  }
0xf3: {  	v2 =	vnsel vm3, $0xFFFFFFFF, v2;
	v14 =	vnsel vm0, $0xFFFFFFFF, v1;
	v18 =	vld [tilespmem:s31+$0x30];
	[tilespmem:s0+$0x2820] =	vst v4  }
0xf4: {  	v19 =	vld [tilespmem:s31+$0x40];
	v1 =	vshra.s32 v16, $0xE;
	v4 =	vand.u32 $0x3FFF, v16;
	v7 =	vand.u32 $0x3000, v16;
	[tilespmem:s0+$0x5020] =	vst v8  }
0xf5: {  	v8 =	vand.u32 $0x3FFF, v15;
	v16 =	vld [tilespmem:s31+$0x50];
	v4 =	vadd.s32 $0xFFFFF000, v4;
	vm0 =	veq.s32 v7, $0x1000;
	[tilespmem:s0+$0x2830] =	vst v12  }
0xf6: {  	v7 =	vand.u32 $0x3000, v15;
	v12 =	vand.u32 $0x3FFF, v13;
	v20 =	vld [tilespmem:s31+$0x60];
	v4 =	vnsel vm0, $0xFFFFFFFF, v4;
	[tilespmem:s0+$0x5030] =	vst v6  }
0xf7: {  	v6 =	vand.u32 $0x3000, v13;
	v21 =	vand.u32 $0x3FFF, v17;
	v22 =	vand.u32 $0x3000, v17;
	[tilespmem:s31+$0x5070] =	vst v4  }
0xf8: {  	v4 =	vadd.s32 $0xFFFFF000, v8;
	v23 =	vand.u32 $0x3FFF, v18;
	v24 =	vand.u32 $0x3000, v18;
	[tilespmem:s0+$0x2840] =	vst v10  }
0xf9: {  	vm4 =	veq.s32 v7, $0x1000;
	v10 =	vand.u32 $0x3FFF, v19;
	v25 =	vand.u32 $0x3000, v19;
	[tilespmem:s0+$0x5040] =	vst v5  }
0xfa: {  	v7 =	vadd.s32 $0xFFFFF000, v12;
	v12 =	vand.u32 $0x3FFF, v16;
	v26 =	vand.u32 $0x3000, v16;
	[tilespmem:s0+$0x2850] =	vst v11  }
0xfb: {  	vm7 =	veq.s32 v6, $0x1000;
	v11 =	vand.u32 $0x3FFF, v20;
	v27 =	vand.u32 $0x3000, v20;
	[tilespmem:s0+$0x5050] =	vst v3  }
0xfc: {  	v8 =	vadd.s32 $0xFFFFF000, v21;
	vm6 =	veq.s32 v22, $0x1000;
	v6 =	vadd.s32 $0xFFFFF000, v23;
	[tilespmem:s0+$0x2860] =	vst v9  }
.Ltmp3:
0xfd: {  	vm5 =	veq.s32 v24, $0x1000;
	v5 =	vadd.s32 $0xFFFFF000, v10;
	vm2 =	veq.s32 v25, $0x1000;
	[tilespmem:s0+$0x5060] =	vst v2;
	(pc) =	sbr.rel @p0 .LBB2_8-.Ltmp3, $4  }
0xfe: {  	v3 =	vadd.s32 $0xFFFFF000, v12;
	vm1 =	veq.s32 v26, $0x1000;
	v2 =	vadd.s32 $0xFFFFF000, v11;
	[tilespmem:s0+$0x2870] =	vst v14;
	s0 =	smov.u32 s31  }
0xff: {  	v9 =	vshra.s32 v15, $0xE;
	vm3 =	veq.s32 v27, $0x1000;
	v14 =	vshra.s32 v13, $0xE  }
0x100: {  	v10 =	vshra.s32 v19, $0xE;
	v12 =	vshra.s32 v18, $0xE;
	v13 =	vshra.s32 v17, $0xE  }
0x101: {  	v15 =	vnsel vm4, $0xFFFFFFFF, v9;
	v11 =	vshra.s32 v16, $0xE;
	v9 =	vshra.s32 v20, $0xE;
	s31 =	sshra.s32 s3, $0x2;
	s3 =	sadd.s32 $0x200, s3  }
0x102: {  	v16 =	vld [tilespmem:s31+$0x70];
	[tilespmem:s0+$0x2800] =	vst v15;
	v4 =	vnsel vm4, $0xFFFFFFFF, v4  }
0x103: {  	v33 =	vnsel vm7, $0xFFFFFFFF, v14;
	v15 =	vld [tilespmem:s31+$0x0];
	[tilespmem:s0+$0x5000] =	vst v4  }
0x104: {  	v35 =	vnsel vm7, $0xFFFFFFFF, v7;
	v34 =	vld [tilespmem:s31+$0x10];
	[tilespmem:s0+$0x2810] =	vst v33  }
0x105: {  	v37 =	vnsel vm6, $0xFFFFFFFF, v13;
	v36 =	vld [tilespmem:s31+$0x20];
	[tilespmem:s0+$0x5010] =	vst v35  }
0x106: {  	v39 =	vnsel vm6, $0xFFFFFFFF, v8;
	v38 =	vld [tilespmem:s31+$0x30];
	[tilespmem:s0+$0x2820] =	vst v37  }
0x107: {  	v41 =	vnsel vm5, $0xFFFFFFFF, v12;
	v40 =	vld [tilespmem:s31+$0x40];
	[tilespmem:s0+$0x5020] =	vst v39;
	v17 =	vand.u32 $0x3FFF, v16;
	v18 =	vand.u32 $0x3000, v16  }
0x108: {  	v43 =	vnsel vm5, $0xFFFFFFFF, v6;
	v42 =	vld [tilespmem:s31+$0x50];
	[tilespmem:s0+$0x2830] =	vst v41;
	v44 =	vadd.s32 $0xFFFFF000, v17;
	vm8 =	veq.s32 v18, $0x1000  }
0x109: {  	v45 =	vld [tilespmem:s31+$0x60];
	v6 =	vnsel vm8, $0xFFFFFFFF, v44;
	[tilespmem:s0+$0x5030] =	vst v43  }
0x10a: {  	v46 =	vnsel vm2, $0xFFFFFFFF, v10;
	[tilespmem:s31+$0x5070] =	vst v6  }
0x10b: {  	v5 =	vnsel vm2, $0xFFFFFFFF, v5;
	[tilespmem:s0+$0x2840] =	vst v46  }
0x10c: {  	v47 =	vnsel vm1, $0xFFFFFFFF, v11;
	v3 =	vnsel vm1, $0xFFFFFFFF, v3;
	v48 =	vnsel vm3, $0xFFFFFFFF, v9;
	[tilespmem:s0+$0x5040] =	vst v5  }
0x10d: {  	v2 =	vnsel vm3, $0xFFFFFFFF, v2;
	v1 =	vnsel vm0, $0xFFFFFFFF, v1;
	v49 =	vand.u32 $0x3FFF, v15;
	[tilespmem:s0+$0x2850] =	vst v47  }
0x10e: {  	v50 =	vand.u32 $0x3000, v15;
	v51 =	vand.u32 $0x3FFF, v34;
	v52 =	vand.u32 $0x3000, v34;
	[tilespmem:s0+$0x5050] =	vst v3  }
0x10f: {  	vm9 =	veq.s32 v50, $0x1000;
	v53 =	vand.u32 $0x3000, v36;
	vm10 =	veq.s32 v52, $0x1000;
	[tilespmem:s0+$0x2860] =	vst v48  }
0x110: {  	v9 =	vadd.s32 $0xFFFFF000, v51;
	v3 =	vand.u32 $0x3FFF, v36;
	v5 =	vadd.s32 $0xFFFFF000, v49;
	[tilespmem:s0+$0x5060] =	vst v2  }
0x111: {  	v54 =	vand.u32 $0x3FFF, v38;
	v2 =	vshra.s32 v15, $0xE;
	[tilespmem:s0+$0x2870] =	vst v1;
	v58 =	vnsel vm10, $0xFFFFFFFF, v9  }
0x112: {  	v55 =	vand.u32 $0x3000, v38;
	vm11 =	veq.s32 v53, $0x1000;
	v1 =	vnsel vm9, $0xFFFFFFFF, v2;
	[tilespmem:s31+$0x5010] =	vst v58  }
0x113: {  	v59 =	vshra.s32 v38, $0xE;
	v2 =	vshra.s32 v34, $0xE;
	[tilespmem:s31+$0x2800] =	vst v1;
	v1 =	vnsel vm9, $0xFFFFFFFF, v5  }
0x114: {  	v56 =	vand.u32 $0x3FFF, v40;
	v3 =	vadd.s32 $0xFFFFF000, v3;
	v2 =	vnsel vm10, $0xFFFFFFFF, v2;
	[tilespmem:s31+$0x5000] =	vst v1  }
0x115: {  	v57 =	vand.u32 $0x3000, v40;
	vm12 =	veq.s32 v55, $0x1000;
	v3 =	vnsel vm11, $0xFFFFFFFF, v3;
	[tilespmem:s31+$0x2810] =	vst v2  }
0x116: {  	v6 =	vadd.s32 $0xFFFFF000, v54;
	v4 =	vnsel vm12, $0xFFFFFFFF, v59;
	vm13 =	veq.s32 v57, $0x1000;
	[tilespmem:s31+$0x5020] =	vst v3  }
0x117: {  	v60 =	vnsel vm12, $0xFFFFFFFF, v6;
	v62 =	vadd.s32 $0xFFFFF000, v56;
	v1 =	vshra.s32 v36, $0xE;
	[tilespmem:s31+$0x2830] =	vst v4  }
0x118: {  	v2 =	vand.u32 $0x3FFF, v42;
	v3 =	vshra.s32 v40, $0xE;
	[tilespmem:s31+$0x5030] =	vst v60;
	v1 =	vnsel vm11, $0xFFFFFFFF, v1  }
0x119: {  	v61 =	vand.u32 $0x3FFF, v45;
	v63 =	vnsel vm13, $0xFFFFFFFF, v62;
	[tilespmem:s31+$0x2820] =	vst v1;
	v1 =	vand.u32 $0x3000, v42  }
0x11a: {  	v3 =	vnsel vm13, $0xFFFFFFFF, v3;
	[tilespmem:s31+$0x5040] =	vst v63;
	vm14 =	veq.s32 v1, $0x1000;
	v1 =	vshra.s32 v42, $0xE  }
0x11b: {  	v2 =	vadd.s32 $0xFFFFF000, v2;
	[tilespmem:s31+$0x2840] =	vst v3;
	v3 =	vand.u32 $0x3000, v45;
	v1 =	vnsel vm14, $0xFFFFFFFF, v1  }
0x11c: {  	vm15 =	veq.s32 v3, $0x1000;
	v3 =	vshra.s32 v45, $0xE;
	v2 =	vnsel vm14, $0xFFFFFFFF, v2;
	[tilespmem:s31+$0x2850] =	vst v1  }
0x11d: {  	v3 =	vnsel vm15, $0xFFFFFFFF, v3;
	v1 =	vadd.s32 $0xFFFFF000, v61;
	[tilespmem:s31+$0x5050] =	vst v2  }
0x11e: {  	v2 =	vshra.s32 v16, $0xE;
	[tilespmem:s31+$0x2860] =	vst v3;
	v1 =	vnsel vm15, $0xFFFFFFFF, v1  }
0x11f: {  	v2 =	vnsel vm8, $0xFFFFFFFF, v2;
	[tilespmem:s31+$0x5060] =	vst v1  }
0x120: {  	[tilespmem:s31+$0x2870] =	vst v2  }
.LBB2_10:
0x121: {  	p0 =	sne.s32 s11, $0xFE00;
	[tilespmem:s10+$0x7870] =	vst v0  }
0x122: {  	[tilespmem:s10+$0x7800] =	vst v0  }
0x123: {  	[tilespmem:s10+$0x7810] =	vst v0  }
.Ltmp4:
0x124: {  	[tilespmem:s10+$0x7820] =	vst v0;
	(pc) =	sbr.rel @p0 .LBB2_10-.Ltmp4, $4  }
0x125: {  	[tilespmem:s10+$0x7830] =	vst v0  }
0x126: {  	[tilespmem:s10+$0x7840] =	vst v0  }
0x127: {  	[tilespmem:s10+$0x7850] =	vst v0  }
0x128: {  	[tilespmem:s10+$0x7860] =	vst v0;
	s10 =	sshra.s32 s11, $0x2;
	s11 =	sadd.s32 $0x200, s11  }
0x129: {  	[tilespmem:s10+$0x7870] =	vst v0  }
0x12a: {  	[tilespmem:s10+$0x7800] =	vst v0  }
0x12b: {  	[tilespmem:s10+$0x7810] =	vst v0  }
0x12c: {  	[tilespmem:s10+$0x7820] =	vst v0  }
0x12d: {  	[tilespmem:s10+$0x7830] =	vst v0  }
0x12e: {  	[tilespmem:s10+$0x7840] =	vst v0  }
0x12f: {  	[tilespmem:s10+$0x7850] =	vst v0  }
0x130: {  	[tilespmem:s10+$0x7860] =	vst v0  }
0x131: {  	[spmem:s6] =	stream.linear.scatter [tilespmem:s13], [sflag:$0x9], $0x4000, $0x38;
	[tilespmem:$0x1F800] =	vst v63  }
0x132: {  	_ =	swait.ge [sflag:s12], $0x4000  }
0x133: {  	[sflag:s12] =	ssyncset.done $0x0  }
0x134: {  	[sflag:s12] =	ssyncadd.s32 $0xFFFFC000  }
0x135: {  	[spmem:s7] =	stream.linear.scatter [tilespmem:s13], [sflag:$0x9], $0x4000, $0x38;
	[tilespmem:$0x1F800] =	vst v63  }
0x136: {  	_ =	swait.ge [sflag:s12], $0x4000  }
0x137: {  	[sflag:s12] =	ssyncset.done $0x0  }
0x138: {  	[sflag:s12] =	ssyncadd.s32 $0xFFFFC000  }
0x139: {  	[bflag:$0x0] =	sbarrier.arrive $0xFFFF  }
0x13a: {  	(ifvalue) =	ssetifvalue $0xFFFFFFFF  }
0x13b: {  	(ifvalue) =	ssetifvalue $0xFFFFFFFF  }
0x13c: {  	[tilespmem:s13], [sflag:$0x1] =	stream.indirect.gather [hbm4b:s4+s14], $0x80, s15, s14, $0x40b8;
	[tilespmem:$0x1F800] =	vst v63  }
0x13d: {  	(ifvalue) =	ssetifvalue $0xFFFFFFFF  }
0x13e: {  	(ifvalue) =	ssetifvalue $0xFFFFFFFF  }
0x13f: {  	[tilespmem:s17], [sflag:$0x2] =	stream.indirect.gather [hbm4b:s4+s14], $0x80, s16, s14, $0x40b8;
	[tilespmem:$0x1F800] =	vst v63  }
0x140: {  	(ifvalue) =	ssetifvalue $0xFFFFFFFF  }
0x141: {  	(ifvalue) =	ssetifvalue $0xFFFFFFFF  }
0x142: {  	[tilespmem:s19], [sflag:$0x3] =	stream.indirect.gather [hbm4b:s4+s14], $0x80, s18, s14, $0x40b8;
	[tilespmem:$0x1F800] =	vst v63  }
0x143: {  	(ifvalue) =	ssetifvalue $0xFFFFFFFF  }
0x144: {  	s0 =	simm.s32 $0x0;
	(ifvalue) =	ssetifvalue $0xFFFFFFFF  }
0x145: {  	[tilespmem:s21], [sflag:$0x4] =	stream.indirect.gather [hbm4b:s4+s14], $0x80, s20, s14, $0x40b8;
	[tilespmem:$0x1F800] =	vst v63  }
.LBB2_12:
0x146: {  	_ =	swait.ge [sflag:s22], $0x4000  }
0x147: {  	s3 =	sshra.s32 s0, $0x2;
	[sflag:s22] =	ssyncset.done $0x0  }
0x148: {  	s10 =	sadd.s32 $0x5000, s3;
	[sflag:s22] =	ssyncadd.s32 $0xFFFFC000;
	(ifvalue) =	ssetifvalue $0xFFFFFFFF  }
0x149: {  	[spmem:s2] =	stream.indirect.scatter.add.f32 [tilespmem:s13], [sflag:$0x5], $0x80, s10, s14, $0x40b8;
	[tilespmem:$0x1F800] =	vst v63  }
0x14a: {  	_ =	swait.ge [sflag:s23], $0x4000  }
0x14b: {  	[sflag:s23] =	ssyncset.done $0x0  }
0x14c: {  	s11 =	sadd.s32 $0x5080, s3;
	[sflag:s23] =	ssyncadd.s32 $0xFFFFC000;
	(ifvalue) =	ssetifvalue $0xFFFFFFFF  }
0x14d: {  	[spmem:s2] =	stream.indirect.scatter.add.f32 [tilespmem:s17], [sflag:$0x6], $0x80, s11, s14, $0x40b8;
	[tilespmem:$0x1F800] =	vst v63  }
0x14e: {  	_ =	swait.ge [sflag:s24], $0x4000  }
0x14f: {  	[sflag:s24] =	ssyncset.done $0x0  }
0x150: {  	s31 =	sadd.s32 $0x5100, s3;
	[sflag:s24] =	ssyncadd.s32 $0xFFFFC000;
	(ifvalue) =	ssetifvalue $0xFFFFFFFF  }
0x151: {  	[spmem:s2] =	stream.indirect.scatter.add.f32 [tilespmem:s19], [sflag:$0x7], $0x80, s31, s14, $0x40b8;
	[tilespmem:$0x1F800] =	vst v63  }
0x152: {  	_ =	swait.ge [sflag:s25], $0x4000  }
0x153: {  	[sflag:s25] =	ssyncset.done $0x0  }
0x154: {  	s11 =	sadd.s32 $0x5180, s3;
	[sflag:s25] =	ssyncadd.s32 $0xFFFFC000;
	(ifvalue) =	ssetifvalue $0xFFFFFFFF  }
0x155: {  	[spmem:s2] =	stream.indirect.scatter.add.f32 [tilespmem:s21], [sflag:$0x8], $0x80, s11, s14, $0x40b8;
	[tilespmem:$0x1F800] =	vst v63  }
0x156: {  	_ =	swait.ge [sflag:s26], $0x4000  }
0x157: {  	[sflag:s26] =	ssyncset.done $0x0  }
0x158: {  	[sflag:s26] =	ssyncadd.s32 $0xFFFFC000;
	(ifvalue) =	ssetifvalue $0xFFFFFFFF  }
0x159: {  	s31 =	sadd.s32 $0x2A00, s3;
	(ifvalue) =	ssetifvalue $0xFFFFFFFF  }
0x15a: {  	[tilespmem:s13], [sflag:$0x1] =	stream.indirect.gather [hbm4b:s4+s14], $0x80, s31, s14, $0x40b8;
	[tilespmem:$0x1F800] =	vst v63  }
0x15b: {  	_ =	swait.ge [sflag:s28], $0x4000  }
0x15c: {  	[sflag:s28] =	ssyncset.done $0x0  }
0x15d: {  	[sflag:s28] =	ssyncadd.s32 $0xFFFFC000;
	(ifvalue) =	ssetifvalue $0xFFFFFFFF  }
0x15e: {  	s11 =	sadd.s32 $0x2A80, s3;
	(ifvalue) =	ssetifvalue $0xFFFFFFFF  }
0x15f: {  	[tilespmem:s17], [sflag:$0x2] =	stream.indirect.gather [hbm4b:s4+s14], $0x80, s11, s14, $0x40b8;
	[tilespmem:$0x1F800] =	vst v63  }
0x160: {  	_ =	swait.ge [sflag:s29], $0x4000  }
0x161: {  	[sflag:s29] =	ssyncset.done $0x0  }
0x162: {  	[sflag:s29] =	ssyncadd.s32 $0xFFFFC000;
	(ifvalue) =	ssetifvalue $0xFFFFFFFF  }
0x163: {  	p0 =	sne.s32 s0, $0x9000;
	s31 =	sadd.s32 $0x2B00, s3;
	(ifvalue) =	ssetifvalue $0xFFFFFFFF  }
0x164: {  	[tilespmem:s19], [sflag:$0x3] =	stream.indirect.gather [hbm4b:s4+s14], $0x80, s31, s14, $0x40b8;
	[tilespmem:$0x1F800] =	vst v63  }
.Ltmp5:
0x165: {  	_ =	swait.ge [sflag:s30], $0x4000;
	(pc) =	sbr.rel @p0 .LBB2_12-.Ltmp5, $4  }
0x166: {  	[sflag:s30] =	ssyncset.done $0x0  }
0x167: {  	[sflag:s30] =	ssyncadd.s32 $0xFFFFC000;
	(ifvalue) =	ssetifvalue $0xFFFFFFFF  }
0x168: {  	s0 =	sadd.s32 $0x800, s0;
	s3 =	sadd.s32 $0x2B80, s3;
	(ifvalue) =	ssetifvalue $0xFFFFFFFF  }
0x169: {  	[tilespmem:s21], [sflag:$0x4] =	stream.indirect.gather [hbm4b:s4+s14], $0x80, s3, s14, $0x40b8;
	[tilespmem:$0x1F800] =	vst v63  }
0x16a: {  	_ =	swait.ge [sflag:s22], $0x4000  }
0x16b: {  	[sflag:s22] =	ssyncset.done $0x0  }
0x16c: {  	s0 =	simm.s32 $0x7600;
	[sflag:s22] =	ssyncadd.s32 $0xFFFFC000;
	(ifvalue) =	ssetifvalue $0xFFFFFFFF  }
0x16d: {  	[spmem:s2] =	stream.indirect.scatter.add.f32 [tilespmem:s13], [sflag:$0x5], $0x80, s0, s14, $0x40b8;
	[tilespmem:$0x1F800] =	vst v63  }
0x16e: {  	_ =	swait.ge [sflag:s23], $0x4000  }
0x16f: {  	[sflag:s23] =	ssyncset.done $0x0  }
0x170: {  	s3 =	simm.s32 $0x7680;
	[sflag:s23] =	ssyncadd.s32 $0xFFFFC000;
	(ifvalue) =	ssetifvalue $0xFFFFFFFF  }
0x171: {  	[spmem:s2] =	stream.indirect.scatter.add.f32 [tilespmem:s17], [sflag:$0x6], $0x80, s3, s14, $0x40b8;
	[tilespmem:$0x1F800] =	vst v63  }
0x172: {  	_ =	swait.ge [sflag:s24], $0x4000  }
0x173: {  	[sflag:s24] =	ssyncset.done $0x0  }
0x174: {  	s10 =	simm.s32 $0x7700;
	[sflag:s24] =	ssyncadd.s32 $0xFFFFC000;
	(ifvalue) =	ssetifvalue $0xFFFFFFFF  }
0x175: {  	[spmem:s2] =	stream.indirect.scatter.add.f32 [tilespmem:s19], [sflag:$0x7], $0x80, s10, s14, $0x40b8;
	[tilespmem:$0x1F800] =	vst v63  }
0x176: {  	_ =	swait.ge [sflag:s25], $0x4000  }
0x177: {  	[sflag:s25] =	ssyncset.done $0x0  }
0x178: {  	[sflag:s25] =	ssyncadd.s32 $0xFFFFC000;
	(ifvalue) =	ssetifvalue $0xFFFFFFFF  }
0x179: {  	[spmem:s2] =	stream.indirect.scatter.add.f32 [tilespmem:s21], [sflag:$0x8], $0x80, s1, s14, $0x40b8;
	[tilespmem:$0x1F800] =	vst v63  }
0x17a: {  	_ =	swait.ge [sflag:s26], $0x4000  }
0x17b: {  	[sflag:s26] =	ssyncset.done $0x0  }
0x17c: {  	[sflag:s26] =	ssyncadd.s32 $0xFFFFC000;
	(ifvalue) =	ssetifvalue $0xFFFFFFFF  }
0x17d: {  	(ifvalue) =	ssetifvalue $0xFFFFFFFF  }
0x17e: {  	[tilespmem:s13], [sflag:$0x1] =	stream.indirect.gather [hbm4b:s4+s14], $0x80, s15, s14, $0x40b8;
	[tilespmem:$0x1F800] =	vst v63  }
0x17f: {  	_ =	swait.ge [sflag:s28], $0x4000  }
0x180: {  	[sflag:s28] =	ssyncset.done $0x0  }
0x181: {  	[sflag:s28] =	ssyncadd.s32 $0xFFFFC000;
	(ifvalue) =	ssetifvalue $0xFFFFFFFF  }
0x182: {  	(ifvalue) =	ssetifvalue $0xFFFFFFFF  }
0x183: {  	[tilespmem:s17], [sflag:$0x2] =	stream.indirect.gather [hbm4b:s4+s14], $0x80, s16, s14, $0x40b8;
	[tilespmem:$0x1F800] =	vst v63  }
0x184: {  	_ =	swait.ge [sflag:s29], $0x4000  }
0x185: {  	[sflag:s29] =	ssyncset.done $0x0  }
0x186: {  	[sflag:s29] =	ssyncadd.s32 $0xFFFFC000;
	(ifvalue) =	ssetifvalue $0xFFFFFFFF  }
0x187: {  	(ifvalue) =	ssetifvalue $0xFFFFFFFF  }
0x188: {  	[tilespmem:s19], [sflag:$0x3] =	stream.indirect.gather [hbm4b:s4+s14], $0x80, s18, s14, $0x40b8;
	[tilespmem:$0x1F800] =	vst v63  }
0x189: {  	_ =	swait.ge [sflag:s30], $0x4000  }
0x18a: {  	[sflag:s30] =	ssyncset.done $0x0  }
0x18b: {  	[sflag:s30] =	ssyncadd.s32 $0xFFFFC000;
	(ifvalue) =	ssetifvalue $0xFFFFFFFF  }
0x18c: {  	(ifvalue) =	ssetifvalue $0xFFFFFFFF  }
0x18d: {  	[tilespmem:s21], [sflag:$0x4] =	stream.indirect.gather [hbm4b:s4+s14], $0x80, s20, s14, $0x40b8;
	[tilespmem:$0x1F800] =	vst v63  }
0x18e: {  	_ =	swait.ge [sflag:s22], $0x4000  }
0x18f: {  	[sflag:s22] =	ssyncset.done $0x0  }
0x190: {  	[sflag:s22] =	ssyncadd.s32 $0xFFFFC000  }
0x191: {  	_ =	swait.ge [sflag:s23], $0x4000  }
0x192: {  	[sflag:s23] =	ssyncset.done $0x0  }
0x193: {  	[sflag:s23] =	ssyncadd.s32 $0xFFFFC000  }
0x194: {  	_ =	swait.ge [sflag:s24], $0x4000  }
0x195: {  	[sflag:s24] =	ssyncset.done $0x0  }
0x196: {  	[sflag:s24] =	ssyncadd.s32 $0xFFFFC000  }
0x197: {  	_ =	swait.ge [sflag:s25], $0x4000  }
0x198: {  	[sflag:s25] =	ssyncset.done $0x0  }
0x199: {  	[sflag:s25] =	ssyncadd.s32 $0xFFFFC000  }
0x19a: {  	[bflag:$0x0] =	sbarrier.arrive $0xFFFF  }
0x19b: {  	s11 =	rddreg [dreg:$0x6]  }
0x19c: {  	[hbm:s11], [sflag:s8] =	dma.local [spmem:s9], $0x1000  }
0x19d: {  	_ =	swait.ge [sflag:s12], $0x1000  }
0x19e: {  	[sflag:s12] =	ssyncset.done $0x0  }
0x19f: {  	s10 =	simm.s32 $0x0;
	[sflag:s12] =	ssyncadd.s32 $0xFFFFF000  }
0x1a0: {  	v2 =	vld [tilespmem:s10+$0x70]  }
0x1a1: {  	v9 =	vld [tilespmem:s10+$0x0]  }
0x1a2: {  	v10 =	vld [tilespmem:s10+$0x10]  }
0x1a3: {  	v11 =	vld [tilespmem:s10+$0x20]  }
0x1a4: {  	v12 =	vld [tilespmem:s10+$0x30]  }
0x1a5: {  	v15 =	vld [tilespmem:s10+$0x40]  }
0x1a6: {  	v16 =	vld [tilespmem:s10+$0x50]  }
0x1a7: {  	v17 =	vld [tilespmem:s10+$0x60]  }
0x1a8: {  	v1 =	vshra.s32 v2, $0xE;
	v3 =	vand.u32 $0x3FFF, v2;
	v2 =	vand.u32 $0x3000, v2  }
0x1a9: {  	v4 =	vand.u32 $0x3FFF, v9;
	v5 =	vand.u32 $0x3FFF, v10;
	v6 =	vand.u32 $0x3FFF, v11  }
0x1aa: {  	v8 =	vand.u32 $0x3000, v11;
	v13 =	vand.u32 $0x3FFF, v12;
	v14 =	vand.u32 $0x3000, v12  }
0x1ab: {  	v19 =	vand.u32 $0x3000, v15;
	v20 =	vand.u32 $0x3FFF, v16;
	v21 =	vand.u32 $0x3000, v16  }
0x1ac: {  	v22 =	vand.u32 $0x3FFF, v17;
	v23 =	vand.u32 $0x3000, v17;
	v12 =	vshra.s32 v12, $0xE  }
0x1ad: {  	v3 =	vadd.s32 $0xFFFFE000, v3;
	vm0 =	veq.s32 v2, $0x2000;
	v2 =	vand.u32 $0x3000, v9  }
0x1ae: {  	v4 =	vadd.s32 $0xFFFFE000, v4;
	v7 =	vadd.s32 $0xFFFFE000, v5;
	vm6 =	veq.s32 v8, $0x2000  }
0x1af: {  	v8 =	vadd.s32 $0xFFFFE000, v6;
	v6 =	vadd.s32 $0xFFFFE000, v13;
	vm5 =	veq.s32 v14, $0x2000  }
0x1b0: {  	vm2 =	veq.s32 v19, $0x2000;
	vm1 =	veq.s32 v21, $0x2000;
	v9 =	vshra.s32 v9, $0xE  }
0x1b1: {  	v14 =	vshra.s32 v10, $0xE;
	vm3 =	veq.s32 v23, $0x2000;
	v13 =	vshra.s32 v11, $0xE  }
0x1b2: {  	v11 =	vshra.s32 v16, $0xE;
	v18 =	vnsel vm0, $0xFFFFFFFF, v3;
	v3 =	vand.u32 $0x3000, v10  }
0x1b3: {  	vm4 =	veq.s32 v2, $0x2000;
	v2 =	vand.u32 $0x3FFF, v15;
	v10 =	vshra.s32 v15, $0xE  }
0x1b4: {  	s31 =	simm.s32 $0x80;
	vm7 =	veq.s32 v3, $0x2000;
	v5 =	vadd.s32 $0xFFFFE000, v2;
	v3 =	vadd.s32 $0xFFFFE000, v20  }
0x1b5: {  	s0 =	simm.s32 $0x0;
	s3 =	simm.s32 $0x400;
	s11 =	simm.s32 $0x200;
	v2 =	vadd.s32 $0xFFFFE000, v22;
	[tilespmem:s10+$0x5070] =	vst v18;
	v15 =	vnsel vm4, $0xFFFFFFFF, v9;
	v9 =	vshra.s32 v17, $0xE  }
.LBB2_14:
0x1b6: {  	p0 =	sne.s32 s3, $0x9E00;
	v16 =	vld [tilespmem:s31+$0x70];
	[tilespmem:s0+$0x2800] =	vst v15;
	v4 =	vnsel vm4, $0xFFFFFFFF, v4;
	v14 =	vnsel vm7, $0xFFFFFFFF, v14;
	v7 =	vnsel vm7, $0xFFFFFFFF, v7  }
0x1b7: {  	v8 =	vnsel vm6, $0xFFFFFFFF, v8;
	v12 =	vnsel vm5, $0xFFFFFFFF, v12;
	v15 =	vld [tilespmem:s31+$0x0];
	[tilespmem:s0+$0x5000] =	vst v4;
	v4 =	vnsel vm6, $0xFFFFFFFF, v13  }
0x1b8: {  	v6 =	vnsel vm5, $0xFFFFFFFF, v6;
	v10 =	vnsel vm2, $0xFFFFFFFF, v10;
	v5 =	vnsel vm2, $0xFFFFFFFF, v5;
	v13 =	vld [tilespmem:s31+$0x10];
	[tilespmem:s0+$0x2810] =	vst v14  }
0x1b9: {  	v11 =	vnsel vm1, $0xFFFFFFFF, v11;
	v3 =	vnsel vm1, $0xFFFFFFFF, v3;
	v9 =	vnsel vm3, $0xFFFFFFFF, v9;
	v17 =	vld [tilespmem:s31+$0x20];
	[tilespmem:s0+$0x5010] =	vst v7  }
0x1ba: {  	v2 =	vnsel vm3, $0xFFFFFFFF, v2;
	v14 =	vnsel vm0, $0xFFFFFFFF, v1;
	v18 =	vld [tilespmem:s31+$0x30];
	[tilespmem:s0+$0x2820] =	vst v4  }
0x1bb: {  	v19 =	vld [tilespmem:s31+$0x40];
	v1 =	vshra.s32 v16, $0xE;
	v4 =	vand.u32 $0x3FFF, v16;
	v7 =	vand.u32 $0x3000, v16;
	[tilespmem:s0+$0x5020] =	vst v8  }
0x1bc: {  	v8 =	vand.u32 $0x3FFF, v15;
	v16 =	vld [tilespmem:s31+$0x50];
	v4 =	vadd.s32 $0xFFFFE000, v4;
	vm0 =	veq.s32 v7, $0x2000;
	[tilespmem:s0+$0x2830] =	vst v12  }
0x1bd: {  	v7 =	vand.u32 $0x3000, v15;
	v12 =	vand.u32 $0x3FFF, v13;
	v20 =	vld [tilespmem:s31+$0x60];
	v4 =	vnsel vm0, $0xFFFFFFFF, v4;
	[tilespmem:s0+$0x5030] =	vst v6  }
0x1be: {  	v6 =	vand.u32 $0x3000, v13;
	v21 =	vand.u32 $0x3FFF, v17;
	v22 =	vand.u32 $0x3000, v17;
	[tilespmem:s31+$0x5070] =	vst v4  }
0x1bf: {  	v4 =	vadd.s32 $0xFFFFE000, v8;
	v23 =	vand.u32 $0x3FFF, v18;
	v24 =	vand.u32 $0x3000, v18;
	[tilespmem:s0+$0x2840] =	vst v10  }
0x1c0: {  	vm4 =	veq.s32 v7, $0x2000;
	v10 =	vand.u32 $0x3FFF, v19;
	v25 =	vand.u32 $0x3000, v19;
	[tilespmem:s0+$0x5040] =	vst v5  }
0x1c1: {  	v7 =	vadd.s32 $0xFFFFE000, v12;
	v12 =	vand.u32 $0x3FFF, v16;
	v26 =	vand.u32 $0x3000, v16;
	[tilespmem:s0+$0x2850] =	vst v11  }
0x1c2: {  	vm7 =	veq.s32 v6, $0x2000;
	v11 =	vand.u32 $0x3FFF, v20;
	v27 =	vand.u32 $0x3000, v20;
	[tilespmem:s0+$0x5050] =	vst v3  }
0x1c3: {  	v8 =	vadd.s32 $0xFFFFE000, v21;
	vm6 =	veq.s32 v22, $0x2000;
	v6 =	vadd.s32 $0xFFFFE000, v23;
	[tilespmem:s0+$0x2860] =	vst v9  }
.Ltmp6:
0x1c4: {  	vm5 =	veq.s32 v24, $0x2000;
	v5 =	vadd.s32 $0xFFFFE000, v10;
	vm2 =	veq.s32 v25, $0x2000;
	[tilespmem:s0+$0x5060] =	vst v2;
	(pc) =	sbr.rel @p0 .LBB2_14-.Ltmp6, $4  }
0x1c5: {  	v3 =	vadd.s32 $0xFFFFE000, v12;
	vm1 =	veq.s32 v26, $0x2000;
	v2 =	vadd.s32 $0xFFFFE000, v11;
	[tilespmem:s0+$0x2870] =	vst v14;
	s0 =	smov.u32 s31  }
0x1c6: {  	v9 =	vshra.s32 v15, $0xE;
	vm3 =	veq.s32 v27, $0x2000;
	v14 =	vshra.s32 v13, $0xE  }
0x1c7: {  	v10 =	vshra.s32 v19, $0xE;
	v12 =	vshra.s32 v18, $0xE;
	v13 =	vshra.s32 v17, $0xE  }
0x1c8: {  	v15 =	vnsel vm4, $0xFFFFFFFF, v9;
	v11 =	vshra.s32 v16, $0xE;
	v9 =	vshra.s32 v20, $0xE;
	s31 =	sshra.s32 s3, $0x2;
	s3 =	sadd.s32 $0x200, s3  }
0x1c9: {  	v16 =	vld [tilespmem:s31+$0x70];
	[tilespmem:s0+$0x2800] =	vst v15;
	v4 =	vnsel vm4, $0xFFFFFFFF, v4  }
0x1ca: {  	v33 =	vnsel vm7, $0xFFFFFFFF, v14;
	v15 =	vld [tilespmem:s31+$0x0];
	[tilespmem:s0+$0x5000] =	vst v4  }
0x1cb: {  	v35 =	vnsel vm7, $0xFFFFFFFF, v7;
	v34 =	vld [tilespmem:s31+$0x10];
	[tilespmem:s0+$0x2810] =	vst v33  }
0x1cc: {  	v37 =	vnsel vm6, $0xFFFFFFFF, v13;
	v36 =	vld [tilespmem:s31+$0x20];
	[tilespmem:s0+$0x5010] =	vst v35  }
0x1cd: {  	v39 =	vnsel vm6, $0xFFFFFFFF, v8;
	v38 =	vld [tilespmem:s31+$0x30];
	[tilespmem:s0+$0x2820] =	vst v37  }
0x1ce: {  	v41 =	vnsel vm5, $0xFFFFFFFF, v12;
	v40 =	vld [tilespmem:s31+$0x40];
	[tilespmem:s0+$0x5020] =	vst v39;
	v17 =	vand.u32 $0x3FFF, v16;
	v18 =	vand.u32 $0x3000, v16  }
0x1cf: {  	v43 =	vnsel vm5, $0xFFFFFFFF, v6;
	v42 =	vld [tilespmem:s31+$0x50];
	[tilespmem:s0+$0x2830] =	vst v41;
	v44 =	vadd.s32 $0xFFFFE000, v17;
	vm8 =	veq.s32 v18, $0x2000  }
0x1d0: {  	v45 =	vld [tilespmem:s31+$0x60];
	v6 =	vnsel vm8, $0xFFFFFFFF, v44;
	[tilespmem:s0+$0x5030] =	vst v43  }
0x1d1: {  	v46 =	vnsel vm2, $0xFFFFFFFF, v10;
	[tilespmem:s31+$0x5070] =	vst v6  }
0x1d2: {  	v5 =	vnsel vm2, $0xFFFFFFFF, v5;
	[tilespmem:s0+$0x2840] =	vst v46  }
0x1d3: {  	v47 =	vnsel vm1, $0xFFFFFFFF, v11;
	v3 =	vnsel vm1, $0xFFFFFFFF, v3;
	v48 =	vnsel vm3, $0xFFFFFFFF, v9;
	[tilespmem:s0+$0x5040] =	vst v5  }
0x1d4: {  	v2 =	vnsel vm3, $0xFFFFFFFF, v2;
	v1 =	vnsel vm0, $0xFFFFFFFF, v1;
	v49 =	vand.u32 $0x3FFF, v15;
	[tilespmem:s0+$0x2850] =	vst v47  }
0x1d5: {  	v50 =	vand.u32 $0x3000, v15;
	v51 =	vand.u32 $0x3FFF, v34;
	v52 =	vand.u32 $0x3000, v34;
	[tilespmem:s0+$0x5050] =	vst v3  }
0x1d6: {  	vm9 =	veq.s32 v50, $0x2000;
	v53 =	vand.u32 $0x3000, v36;
	vm10 =	veq.s32 v52, $0x2000;
	[tilespmem:s0+$0x2860] =	vst v48  }
0x1d7: {  	v9 =	vadd.s32 $0xFFFFE000, v51;
	v3 =	vand.u32 $0x3FFF, v36;
	v5 =	vadd.s32 $0xFFFFE000, v49;
	[tilespmem:s0+$0x5060] =	vst v2  }
0x1d8: {  	v54 =	vand.u32 $0x3FFF, v38;
	v2 =	vshra.s32 v15, $0xE;
	[tilespmem:s0+$0x2870] =	vst v1;
	v58 =	vnsel vm10, $0xFFFFFFFF, v9  }
0x1d9: {  	v55 =	vand.u32 $0x3000, v38;
	vm11 =	veq.s32 v53, $0x2000;
	v1 =	vnsel vm9, $0xFFFFFFFF, v2;
	[tilespmem:s31+$0x5010] =	vst v58  }
0x1da: {  	v59 =	vshra.s32 v38, $0xE;
	v2 =	vshra.s32 v34, $0xE;
	[tilespmem:s31+$0x2800] =	vst v1;
	v1 =	vnsel vm9, $0xFFFFFFFF, v5  }
0x1db: {  	v56 =	vand.u32 $0x3FFF, v40;
	v3 =	vadd.s32 $0xFFFFE000, v3;
	v2 =	vnsel vm10, $0xFFFFFFFF, v2;
	[tilespmem:s31+$0x5000] =	vst v1  }
0x1dc: {  	v57 =	vand.u32 $0x3000, v40;
	vm12 =	veq.s32 v55, $0x2000;
	v3 =	vnsel vm11, $0xFFFFFFFF, v3;
	[tilespmem:s31+$0x2810] =	vst v2  }
0x1dd: {  	v6 =	vadd.s32 $0xFFFFE000, v54;
	v4 =	vnsel vm12, $0xFFFFFFFF, v59;
	vm13 =	veq.s32 v57, $0x2000;
	[tilespmem:s31+$0x5020] =	vst v3  }
0x1de: {  	v60 =	vnsel vm12, $0xFFFFFFFF, v6;
	v62 =	vadd.s32 $0xFFFFE000, v56;
	v1 =	vshra.s32 v36, $0xE;
	[tilespmem:s31+$0x2830] =	vst v4  }
0x1df: {  	v2 =	vand.u32 $0x3FFF, v42;
	v3 =	vshra.s32 v40, $0xE;
	[tilespmem:s31+$0x5030] =	vst v60;
	v1 =	vnsel vm11, $0xFFFFFFFF, v1  }
0x1e0: {  	v61 =	vand.u32 $0x3FFF, v45;
	v63 =	vnsel vm13, $0xFFFFFFFF, v62;
	[tilespmem:s31+$0x2820] =	vst v1;
	v1 =	vand.u32 $0x3000, v42  }
0x1e1: {  	v3 =	vnsel vm13, $0xFFFFFFFF, v3;
	[tilespmem:s31+$0x5040] =	vst v63;
	vm14 =	veq.s32 v1, $0x2000;
	v1 =	vshra.s32 v42, $0xE  }
0x1e2: {  	v2 =	vadd.s32 $0xFFFFE000, v2;
	[tilespmem:s31+$0x2840] =	vst v3;
	v3 =	vand.u32 $0x3000, v45;
	v1 =	vnsel vm14, $0xFFFFFFFF, v1  }
0x1e3: {  	vm15 =	veq.s32 v3, $0x2000;
	v3 =	vshra.s32 v45, $0xE;
	v2 =	vnsel vm14, $0xFFFFFFFF, v2;
	[tilespmem:s31+$0x2850] =	vst v1  }
0x1e4: {  	v3 =	vnsel vm15, $0xFFFFFFFF, v3;
	v1 =	vadd.s32 $0xFFFFE000, v61;
	[tilespmem:s31+$0x5050] =	vst v2  }
0x1e5: {  	v2 =	vshra.s32 v16, $0xE;
	[tilespmem:s31+$0x2860] =	vst v3;
	v1 =	vnsel vm15, $0xFFFFFFFF, v1  }
0x1e6: {  	v2 =	vnsel vm8, $0xFFFFFFFF, v2;
	[tilespmem:s31+$0x5060] =	vst v1  }
0x1e7: {  	[tilespmem:s31+$0x2870] =	vst v2  }
.LBB2_16:
0x1e8: {  	p0 =	sne.s32 s11, $0xFE00;
	[tilespmem:s10+$0x7870] =	vst v0  }
0x1e9: {  	[tilespmem:s10+$0x7800] =	vst v0  }
0x1ea: {  	[tilespmem:s10+$0x7810] =	vst v0  }
.Ltmp7:
0x1eb: {  	[tilespmem:s10+$0x7820] =	vst v0;
	(pc) =	sbr.rel @p0 .LBB2_16-.Ltmp7, $4  }
0x1ec: {  	[tilespmem:s10+$0x7830] =	vst v0  }
0x1ed: {  	[tilespmem:s10+$0x7840] =	vst v0  }
0x1ee: {  	[tilespmem:s10+$0x7850] =	vst v0  }
0x1ef: {  	[tilespmem:s10+$0x7860] =	vst v0;
	s10 =	sshra.s32 s11, $0x2;
	s11 =	sadd.s32 $0x200, s11  }
0x1f0: {  	[tilespmem:s10+$0x7870] =	vst v0  }
0x1f1: {  	[tilespmem:s10+$0x7800] =	vst v0  }
0x1f2: {  	[tilespmem:s10+$0x7810] =	vst v0  }
0x1f3: {  	[tilespmem:s10+$0x7820] =	vst v0  }
0x1f4: {  	[tilespmem:s10+$0x7830] =	vst v0  }
0x1f5: {  	[tilespmem:s10+$0x7840] =	vst v0  }
0x1f6: {  	[tilespmem:s10+$0x7850] =	vst v0  }
0x1f7: {  	[tilespmem:s10+$0x7860] =	vst v0  }
0x1f8: {  	[spmem:s6] =	stream.linear.scatter [tilespmem:s13], [sflag:$0x9], $0x4000, $0x38;
	[tilespmem:$0x1F800] =	vst v63  }
0x1f9: {  	_ =	swait.ge [sflag:s12], $0x4000  }
0x1fa: {  	[sflag:s12] =	ssyncset.done $0x0  }
0x1fb: {  	[sflag:s12] =	ssyncadd.s32 $0xFFFFC000  }
0x1fc: {  	[spmem:s7] =	stream.linear.scatter [tilespmem:s13], [sflag:$0x9], $0x4000, $0x38;
	[tilespmem:$0x1F800] =	vst v63  }
0x1fd: {  	_ =	swait.ge [sflag:s12], $0x4000  }
0x1fe: {  	[sflag:s12] =	ssyncset.done $0x0  }
0x1ff: {  	[sflag:s12] =	ssyncadd.s32 $0xFFFFC000  }
0x200: {  	[bflag:$0x0] =	sbarrier.arrive $0xFFFF  }
0x201: {  	(ifvalue) =	ssetifvalue $0xFFFFFFFF  }
0x202: {  	(ifvalue) =	ssetifvalue $0xFFFFFFFF  }
0x203: {  	[tilespmem:s13], [sflag:$0x1] =	stream.indirect.gather [hbm4b:s4+s14], $0x80, s15, s14, $0x40b8;
	[tilespmem:$0x1F800] =	vst v63  }
0x204: {  	(ifvalue) =	ssetifvalue $0xFFFFFFFF  }
0x205: {  	(ifvalue) =	ssetifvalue $0xFFFFFFFF  }
0x206: {  	[tilespmem:s17], [sflag:$0x2] =	stream.indirect.gather [hbm4b:s4+s14], $0x80, s16, s14, $0x40b8;
	[tilespmem:$0x1F800] =	vst v63  }
0x207: {  	(ifvalue) =	ssetifvalue $0xFFFFFFFF  }
0x208: {  	(ifvalue) =	ssetifvalue $0xFFFFFFFF  }
0x209: {  	[tilespmem:s19], [sflag:$0x3] =	stream.indirect.gather [hbm4b:s4+s14], $0x80, s18, s14, $0x40b8;
	[tilespmem:$0x1F800] =	vst v63  }
0x20a: {  	(ifvalue) =	ssetifvalue $0xFFFFFFFF  }
0x20b: {  	s0 =	simm.s32 $0x0;
	(ifvalue) =	ssetifvalue $0xFFFFFFFF  }
0x20c: {  	[tilespmem:s21], [sflag:$0x4] =	stream.indirect.gather [hbm4b:s4+s14], $0x80, s20, s14, $0x40b8;
	[tilespmem:$0x1F800] =	vst v63  }
.LBB2_18:
0x20d: {  	_ =	swait.ge [sflag:s22], $0x4000  }
0x20e: {  	s3 =	sshra.s32 s0, $0x2;
	[sflag:s22] =	ssyncset.done $0x0  }
0x20f: {  	s10 =	sadd.s32 $0x5000, s3;
	[sflag:s22] =	ssyncadd.s32 $0xFFFFC000;
	(ifvalue) =	ssetifvalue $0xFFFFFFFF  }
0x210: {  	[spmem:s2] =	stream.indirect.scatter.add.f32 [tilespmem:s13], [sflag:$0x5], $0x80, s10, s14, $0x40b8;
	[tilespmem:$0x1F800] =	vst v63  }
0x211: {  	_ =	swait.ge [sflag:s23], $0x4000  }
0x212: {  	[sflag:s23] =	ssyncset.done $0x0  }
0x213: {  	s11 =	sadd.s32 $0x5080, s3;
	[sflag:s23] =	ssyncadd.s32 $0xFFFFC000;
	(ifvalue) =	ssetifvalue $0xFFFFFFFF  }
0x214: {  	[spmem:s2] =	stream.indirect.scatter.add.f32 [tilespmem:s17], [sflag:$0x6], $0x80, s11, s14, $0x40b8;
	[tilespmem:$0x1F800] =	vst v63  }
0x215: {  	_ =	swait.ge [sflag:s24], $0x4000  }
0x216: {  	[sflag:s24] =	ssyncset.done $0x0  }
0x217: {  	s31 =	sadd.s32 $0x5100, s3;
	[sflag:s24] =	ssyncadd.s32 $0xFFFFC000;
	(ifvalue) =	ssetifvalue $0xFFFFFFFF  }
0x218: {  	[spmem:s2] =	stream.indirect.scatter.add.f32 [tilespmem:s19], [sflag:$0x7], $0x80, s31, s14, $0x40b8;
	[tilespmem:$0x1F800] =	vst v63  }
0x219: {  	_ =	swait.ge [sflag:s25], $0x4000  }
0x21a: {  	[sflag:s25] =	ssyncset.done $0x0  }
0x21b: {  	s11 =	sadd.s32 $0x5180, s3;
	[sflag:s25] =	ssyncadd.s32 $0xFFFFC000;
	(ifvalue) =	ssetifvalue $0xFFFFFFFF  }
0x21c: {  	[spmem:s2] =	stream.indirect.scatter.add.f32 [tilespmem:s21], [sflag:$0x8], $0x80, s11, s14, $0x40b8;
	[tilespmem:$0x1F800] =	vst v63  }
0x21d: {  	_ =	swait.ge [sflag:s26], $0x4000  }
0x21e: {  	[sflag:s26] =	ssyncset.done $0x0  }
0x21f: {  	[sflag:s26] =	ssyncadd.s32 $0xFFFFC000;
	(ifvalue) =	ssetifvalue $0xFFFFFFFF  }
0x220: {  	s31 =	sadd.s32 $0x2A00, s3;
	(ifvalue) =	ssetifvalue $0xFFFFFFFF  }
0x221: {  	[tilespmem:s13], [sflag:$0x1] =	stream.indirect.gather [hbm4b:s4+s14], $0x80, s31, s14, $0x40b8;
	[tilespmem:$0x1F800] =	vst v63  }
0x222: {  	_ =	swait.ge [sflag:s28], $0x4000  }
0x223: {  	[sflag:s28] =	ssyncset.done $0x0  }
0x224: {  	[sflag:s28] =	ssyncadd.s32 $0xFFFFC000;
	(ifvalue) =	ssetifvalue $0xFFFFFFFF  }
0x225: {  	s11 =	sadd.s32 $0x2A80, s3;
	(ifvalue) =	ssetifvalue $0xFFFFFFFF  }
0x226: {  	[tilespmem:s17], [sflag:$0x2] =	stream.indirect.gather [hbm4b:s4+s14], $0x80, s11, s14, $0x40b8;
	[tilespmem:$0x1F800] =	vst v63  }
0x227: {  	_ =	swait.ge [sflag:s29], $0x4000  }
0x228: {  	[sflag:s29] =	ssyncset.done $0x0  }
0x229: {  	[sflag:s29] =	ssyncadd.s32 $0xFFFFC000;
	(ifvalue) =	ssetifvalue $0xFFFFFFFF  }
0x22a: {  	p0 =	sne.s32 s0, $0x9000;
	s31 =	sadd.s32 $0x2B00, s3;
	(ifvalue) =	ssetifvalue $0xFFFFFFFF  }
0x22b: {  	[tilespmem:s19], [sflag:$0x3] =	stream.indirect.gather [hbm4b:s4+s14], $0x80, s31, s14, $0x40b8;
	[tilespmem:$0x1F800] =	vst v63  }
.Ltmp8:
0x22c: {  	_ =	swait.ge [sflag:s30], $0x4000;
	(pc) =	sbr.rel @p0 .LBB2_18-.Ltmp8, $4  }
0x22d: {  	[sflag:s30] =	ssyncset.done $0x0  }
0x22e: {  	[sflag:s30] =	ssyncadd.s32 $0xFFFFC000;
	(ifvalue) =	ssetifvalue $0xFFFFFFFF  }
0x22f: {  	s0 =	sadd.s32 $0x800, s0;
	s3 =	sadd.s32 $0x2B80, s3;
	(ifvalue) =	ssetifvalue $0xFFFFFFFF  }
0x230: {  	[tilespmem:s21], [sflag:$0x4] =	stream.indirect.gather [hbm4b:s4+s14], $0x80, s3, s14, $0x40b8;
	[tilespmem:$0x1F800] =	vst v63  }
0x231: {  	_ =	swait.ge [sflag:s22], $0x4000  }
0x232: {  	[sflag:s22] =	ssyncset.done $0x0  }
0x233: {  	s0 =	simm.s32 $0x7600;
	[sflag:s22] =	ssyncadd.s32 $0xFFFFC000;
	(ifvalue) =	ssetifvalue $0xFFFFFFFF  }
0x234: {  	[spmem:s2] =	stream.indirect.scatter.add.f32 [tilespmem:s13], [sflag:$0x5], $0x80, s0, s14, $0x40b8;
	[tilespmem:$0x1F800] =	vst v63  }
0x235: {  	_ =	swait.ge [sflag:s23], $0x4000  }
0x236: {  	[sflag:s23] =	ssyncset.done $0x0  }
0x237: {  	s3 =	simm.s32 $0x7680;
	[sflag:s23] =	ssyncadd.s32 $0xFFFFC000;
	(ifvalue) =	ssetifvalue $0xFFFFFFFF  }
0x238: {  	[spmem:s2] =	stream.indirect.scatter.add.f32 [tilespmem:s17], [sflag:$0x6], $0x80, s3, s14, $0x40b8;
	[tilespmem:$0x1F800] =	vst v63  }
0x239: {  	_ =	swait.ge [sflag:s24], $0x4000  }
0x23a: {  	[sflag:s24] =	ssyncset.done $0x0  }
0x23b: {  	s10 =	simm.s32 $0x7700;
	[sflag:s24] =	ssyncadd.s32 $0xFFFFC000;
	(ifvalue) =	ssetifvalue $0xFFFFFFFF  }
0x23c: {  	[spmem:s2] =	stream.indirect.scatter.add.f32 [tilespmem:s19], [sflag:$0x7], $0x80, s10, s14, $0x40b8;
	[tilespmem:$0x1F800] =	vst v63  }
0x23d: {  	_ =	swait.ge [sflag:s25], $0x4000  }
0x23e: {  	[sflag:s25] =	ssyncset.done $0x0  }
0x23f: {  	[sflag:s25] =	ssyncadd.s32 $0xFFFFC000;
	(ifvalue) =	ssetifvalue $0xFFFFFFFF  }
0x240: {  	[spmem:s2] =	stream.indirect.scatter.add.f32 [tilespmem:s21], [sflag:$0x8], $0x80, s1, s14, $0x40b8;
	[tilespmem:$0x1F800] =	vst v63  }
0x241: {  	_ =	swait.ge [sflag:s26], $0x4000  }
0x242: {  	[sflag:s26] =	ssyncset.done $0x0  }
0x243: {  	[sflag:s26] =	ssyncadd.s32 $0xFFFFC000;
	(ifvalue) =	ssetifvalue $0xFFFFFFFF  }
0x244: {  	(ifvalue) =	ssetifvalue $0xFFFFFFFF  }
0x245: {  	[tilespmem:s13], [sflag:$0x1] =	stream.indirect.gather [hbm4b:s4+s14], $0x80, s15, s14, $0x40b8;
	[tilespmem:$0x1F800] =	vst v63  }
0x246: {  	_ =	swait.ge [sflag:s28], $0x4000  }
0x247: {  	[sflag:s28] =	ssyncset.done $0x0  }
0x248: {  	[sflag:s28] =	ssyncadd.s32 $0xFFFFC000;
	(ifvalue) =	ssetifvalue $0xFFFFFFFF  }
0x249: {  	(ifvalue) =	ssetifvalue $0xFFFFFFFF  }
0x24a: {  	[tilespmem:s17], [sflag:$0x2] =	stream.indirect.gather [hbm4b:s4+s14], $0x80, s16, s14, $0x40b8;
	[tilespmem:$0x1F800] =	vst v63  }
0x24b: {  	_ =	swait.ge [sflag:s29], $0x4000  }
0x24c: {  	[sflag:s29] =	ssyncset.done $0x0  }
0x24d: {  	[sflag:s29] =	ssyncadd.s32 $0xFFFFC000;
	(ifvalue) =	ssetifvalue $0xFFFFFFFF  }
0x24e: {  	(ifvalue) =	ssetifvalue $0xFFFFFFFF  }
0x24f: {  	[tilespmem:s19], [sflag:$0x3] =	stream.indirect.gather [hbm4b:s4+s14], $0x80, s18, s14, $0x40b8;
	[tilespmem:$0x1F800] =	vst v63  }
0x250: {  	_ =	swait.ge [sflag:s30], $0x4000  }
0x251: {  	[sflag:s30] =	ssyncset.done $0x0  }
0x252: {  	[sflag:s30] =	ssyncadd.s32 $0xFFFFC000;
	(ifvalue) =	ssetifvalue $0xFFFFFFFF  }
0x253: {  	(ifvalue) =	ssetifvalue $0xFFFFFFFF  }
0x254: {  	[tilespmem:s21], [sflag:$0x4] =	stream.indirect.gather [hbm4b:s4+s14], $0x80, s20, s14, $0x40b8;
	[tilespmem:$0x1F800] =	vst v63  }
0x255: {  	_ =	swait.ge [sflag:s22], $0x4000  }
0x256: {  	[sflag:s22] =	ssyncset.done $0x0  }
0x257: {  	[sflag:s22] =	ssyncadd.s32 $0xFFFFC000  }
0x258: {  	_ =	swait.ge [sflag:s23], $0x4000  }
0x259: {  	[sflag:s23] =	ssyncset.done $0x0  }
0x25a: {  	[sflag:s23] =	ssyncadd.s32 $0xFFFFC000  }
0x25b: {  	_ =	swait.ge [sflag:s24], $0x4000  }
0x25c: {  	[sflag:s24] =	ssyncset.done $0x0  }
0x25d: {  	[sflag:s24] =	ssyncadd.s32 $0xFFFFC000  }
0x25e: {  	_ =	swait.ge [sflag:s25], $0x4000  }
0x25f: {  	[sflag:s25] =	ssyncset.done $0x0  }
0x260: {  	[sflag:s25] =	ssyncadd.s32 $0xFFFFC000  }
0x261: {  	[bflag:$0x0] =	sbarrier.arrive $0xFFFF  }
0x262: {  	s11 =	rddreg [dreg:$0x7]  }
0x263: {  	[hbm:s11], [sflag:s8] =	dma.local [spmem:s9], $0x1000  }
0x264: {  	_ =	swait.ge [sflag:s12], $0x1000  }
0x265: {  	s5 =	sadd.s32 $0x1, s5;
	s31 =	rddreg [dreg:$0x8]  }
0x266: {  	p0 =	sne.s32 s5, s31  }
.Ltmp9:
0x267: {  	_ = 	snop;
	(pc) =	sbr.rel @p0 .LBB2_1-.Ltmp9, $3  }
0x268: {  	_ =	sdelay $0x1  }
0x269: {  	[sflag:s12] =	ssyncset.done $0x0  }
0x26a: {  	[sflag:s12] =	ssyncadd.s32 $0xFFFFF000  }
0x26b: {  	_ =	sfence.sel $0x180000  }
0x26c: {  	[bflag:$0x0] =	sbarrier.arrive $0xFFFF  }
0x26d: {  	_ =	strace $0x90000047  }
0x26e: {  	s0 =	stileid.u32;
	[bflag:$0x2] =	sbarrier.arrive $0xFFFF  }
0x26f: {  	p0 =	sne.s32 s0, $0x0;
	s0 =	rddreg [dreg:$0x3]  }
0x270: {  	s0 =	sadd.s32 @!p0 $0x100000, s0  }
0x271: {  	[sflag:s0] =	ssyncadd.tile.s32 @!p0 $0x1;
	_ =	shalt  }
.Lfunc_end2:
_tile_overlayer_lowered:
.L_overlay_start_2:
0x272: {  	(tag) =	ssettag $0x2  }
0x273: {  	s0 =	rddreg [dreg:$0x0];
	s2 =	stileid.u32  }
0x274: {  	s1 =	rddreg [dreg:$0x1];
	p0 =	sne.s32 s2, $0x0  }
0x275: {  	s3 =	rddreg [dreg:$0x2];
	[bflag:$0x3] =	sbarrier.arrive $0xFFFF;
	s2 =	simm.s32 @!p0 $0x1C09  }
0x276: {  	[timem:s3], [sflag:s2] =	dma.local @!p0 [hbm:s0], s1  }
0x277: {  	s0 =	simm.s32 @!p0 $0x9  }
0x278: {  	_ =	swait.ge @!p0 [sflag:s0], s1  }
0x279: {  	s1 =	ssub.s32 @!p0 $0x0, s1;
	[sflag:s0] =	ssyncset.done @!p0 $0x0  }
0x27a: {  	[sflag:s0] =	ssyncadd.s32 @!p0 s1  }
0x27b: {  	[bflag:$0x3] =	sbarrier.arrive $0xFFFF  }
0x27c: {  	_ =	shalt  }

</sc_bundles>
